<compile_context>
chip_gen: v7x
topology: tpu7x:2x2x1
jax: 0.10.2.dev20260603
libtpu: 0.0.44.dev20260713+nightly
codegen_flags: <defaults>
</compile_context>

<pallas_src>
import dataclasses
import functools

import jax
import jax.numpy as jnp
from jax import lax
from jax.experimental import pallas as pl
from jax.experimental.pallas import tpu as pltpu
from jax.experimental.pallas import tpu_sc as plsc

N = 10000
K = 32
D = 128
C = 10

NT = 32
NS = 16
CH = 4
ECH = CH * K
TPT = 80
NCH_PAD = NT * TPT
NPAD = NCH_PAD * CH
EPAD = NCH_PAD * ECH
RPT = NPAD // NS
GPH1 = RPT // ECH


def _sc_gather_reduce(src_tok_pad, esrc_pad, emb):
    mesh = plsc.VectorSubcoreMesh(core_axis_name="c", subcore_axis_name="s")
    cp = pltpu.CompilerParams()
    if "needs_layout_passes" in pltpu.CompilerParams.__dataclass_fields__:
        cp = dataclasses.replace(cp, needs_layout_passes=False)

    @functools.partial(
        pl.kernel,
        compiler_params=cp,
        out_type=[
            jax.ShapeDtypeStruct((NPAD, D), jnp.float32),
            jax.ShapeDtypeStruct((NPAD, D), jnp.float32),
        ],
        mesh=mesh,
        scratch_types=[
            pltpu.VMEM_SHARED((NPAD, D), jnp.float32),
            pltpu.VMEM((TPT * ECH,), jnp.int32),
            pltpu.VMEM((ECH,), jnp.int32),
            pltpu.VMEM((ECH, D), jnp.float32),
            pltpu.VMEM((ECH, D), jnp.float32),
            pltpu.VMEM((CH, D), jnp.float32),
            pltpu.VMEM((CH, D), jnp.float32),
            pltpu.VMEM((CH, D), jnp.float32),
            pltpu.VMEM((CH, D), jnp.float32),
            pltpu.SemaphoreType.DMA,
            pltpu.SemaphoreType.DMA,
            pltpu.SemaphoreType.DMA,
            pltpu.SemaphoreType.DMA,
            pltpu.SemaphoreType.DMA,
            pltpu.SemaphoreType.DMA,
        ],
    )
    def sc_kernel(tok_hbm, esrc_hbm, emb_hbm, total_hbm, xlast_hbm,
                  tab_sh, eidx_v, ridx_v, rows0, rows1, totb0, totb1, xlb0, xlb1,
                  semg0, semg1, semt0, semt1, semx0, semx1):
        cid = lax.axis_index("c")
        sid = lax.axis_index("s")

        pltpu.sync_copy(tok_hbm.at[pl.ds(sid * RPT, RPT)],
                        eidx_v.at[pl.ds(0, RPT)])
        for g in range(GPH1):
            pltpu.async_copy(
                emb_hbm.at[eidx_v.at[pl.ds(g * ECH, ECH)]], rows0, semg0
            ).wait()
            base_row = sid * RPT + g * ECH
            for i8 in range(ECH // 16):
                ridx_v[pl.ds(i8 * 16, 16)] = (
                    base_row + i8 * 16 + lax.iota(jnp.int32, 16))
            pltpu.sync_copy(rows0, tab_sh.at[ridx_v])
        plsc.subcore_barrier()

        wid = sid * 2 + cid
        base_c = wid * TPT
        pltpu.sync_copy(esrc_hbm.at[pl.ds(base_c * ECH, TPT * ECH)], eidx_v)

        def start_gather(x, rows, semg):
            pltpu.async_copy(
                tab_sh.at[eidx_v.at[pl.ds(x * ECH, ECH)]], rows, semg)

        def process(x, rows, semg, totb, xlb, semt, semx, not_first):
            row = (base_c + x) * CH

            @pl.when(not_first)
            def _():
                pltpu.make_async_copy(
                    totb, total_hbm.at[pl.ds(row, CH)], semt).wait()
                pltpu.make_async_copy(
                    xlb, xlast_hbm.at[pl.ds(row, CH)], semx).wait()

            pltpu.make_async_copy(
                tab_sh.at[eidx_v.at[pl.ds(x * ECH, ECH)]], rows, semg).wait()

            def jbody(j, jcarry):
                base = j * K

                def kgbody(kg, accs):
                    kb = base + kg * 8
                    for kk in range(8):
                        for cb in range(D // 16):
                            accs[cb] = accs[cb] + rows[kb + kk, pl.ds(cb * 16, 16)]
                    return accs

                zero = jnp.zeros((16,), jnp.float32)
                accs = lax.fori_loop(0, K // 8, kgbody,
                                     [zero] * (D // 16))
                for cb in range(D // 16):
                    sl = pl.ds(cb * 16, 16)
                    totb[j, sl] = accs[cb]
                    xlb[j, sl] = rows[base + K - 1, sl]
                return jcarry

            lax.fori_loop(0, CH, jbody, 0)
            pltpu.async_copy(totb, total_hbm.at[pl.ds(row, CH)], semt)
            pltpu.async_copy(xlb, xlast_hbm.at[pl.ds(row, CH)], semx)

        start_gather(0, rows0, semg0)

        def body(i, carry):
            a = 2 * i
            start_gather(a + 1, rows1, semg1)
            process(a, rows0, semg0, totb0, xlb0, semt0, semx0,
                    not_first=i >= 1)

            @pl.when(i < TPT // 2 - 1)
            def _():
                start_gather(a + 2, rows0, semg0)

            process(a + 1, rows1, semg1, totb1, xlb1, semt1, semx1,
                    not_first=i >= 1)
            return carry

        lax.fori_loop(0, TPT // 2, body, 0)

        r0 = (base_c + TPT - 2) * CH
        r1 = (base_c + TPT - 1) * CH
        pltpu.make_async_copy(totb0, total_hbm.at[pl.ds(r0, CH)], semt0).wait()
        pltpu.make_async_copy(xlb0, xlast_hbm.at[pl.ds(r0, CH)], semx0).wait()
        pltpu.make_async_copy(totb1, total_hbm.at[pl.ds(r1, CH)], semt1).wait()
        pltpu.make_async_copy(xlb1, xlast_hbm.at[pl.ds(r1, CH)], semx1).wait()

    return sc_kernel(src_tok_pad, esrc_pad, emb)


def _tc_body(x_ref, tot_ref, wih_ref, whh_ref, bih_ref, bhh_ref,
             lng_ref, lnb_ref, wfc_ref, bfc_ref, o_ref):
    x = x_ref[...]
    h = tot_ref[...] - x
    gi = jnp.dot(x, wih_ref[...], preferred_element_type=jnp.float32) + bih_ref[...]
    gh = jnp.dot(h, whh_ref[...], preferred_element_type=jnp.float32) + bhh_ref[...]
    r = jax.nn.sigmoid(gi[:, :D] + gh[:, :D])
    z = jax.nn.sigmoid(gi[:, D:2 * D] + gh[:, D:2 * D])
    n = jnp.tanh(gi[:, 2 * D:] + r * gh[:, 2 * D:])
    ho = (1.0 - z) * n + z * h
    mu = jnp.mean(ho, axis=-1, keepdims=True)
    var = jnp.mean((ho - mu) ** 2, axis=-1, keepdims=True)
    rst = lng_ref[...] * (ho - mu) / jnp.sqrt(var + 1e-5) + lnb_ref[...]
    o_ref[...] = jnp.dot(rst, wfc_ref[...], preferred_element_type=jnp.float32) + bfc_ref[...]


def _tc_head(x, total, W_ihT, W_hhT, b_ih2, b_hh2, ln_g2, ln_b2, W_fcT, b_fc2):
    B = 1024
    grid = (NPAD // B,)
    full = lambda shape: pl.BlockSpec(shape, lambda i: (0, 0))
    return pl.pallas_call(
        _tc_body,
        grid=grid,
        in_specs=[
            pl.BlockSpec((B, D), lambda i: (i, 0)),
            pl.BlockSpec((B, D), lambda i: (i, 0)),
            full((D, 3 * D)),
            full((D, 3 * D)),
            full((1, 3 * D)),
            full((1, 3 * D)),
            full((1, D)),
            full((1, D)),
            full((D, D)),
            full((1, D)),
        ],
        out_specs=pl.BlockSpec((B, D), lambda i: (i, 0)),
        out_shape=jax.ShapeDtypeStruct((NPAD, D), jnp.float32),
    )(x, total, W_ihT, W_hhT, b_ih2, b_hh2, ln_g2, ln_b2, W_fcT, b_fc2)


def kernel(src_token_ids, dst_token_ids, edge_index, emb, W_ih, W_hh,
           b_ih, b_hh, ln_g, ln_b, W_fc, b_fc):
    src_tok_pad = jnp.pad(src_token_ids.astype(jnp.int32), (0, NPAD - N))
    esrc_pad = jnp.pad(edge_index[0].astype(jnp.int32), (0, EPAD - N * K))
    total, xlast = _sc_gather_reduce(src_tok_pad, esrc_pad, emb)

    W_ihT = W_ih.T
    W_hhT = W_hh.T
    b_ih2 = b_ih.reshape(1, 3 * D)
    b_hh2 = b_hh.reshape(1, 3 * D)
    ln_g2 = ln_g.reshape(1, D)
    ln_b2 = ln_b.reshape(1, D)
    W_fcT = jnp.pad(W_fc.T, ((0, 0), (0, D - C)))
    b_fc2 = jnp.pad(b_fc, (0, D - C)).reshape(1, D)

    out_pad = _tc_head(xlast, total, W_ihT, W_hhT, b_ih2, b_hh2,
                       ln_g2, ln_b2, W_fcT, b_fc2)
    return out_pad[:N, :C]

# --- scband reference (transcript-rebuilt; emitter-appended) ---
"""Pipeline reference for scband-gteprogram-classification-27986006900849 (READ-ONLY COPY).

The authoritative reference and input builder live on the scoring server;
editing this copy changes nothing except your own understanding.
"""

import jax, jax.numpy as jnp
import numpy as np

N = 10000      # nodes (src == dst set, single DGL block)
K = 32         # fixed in-degree (mailbox length L)
D = 128        # hidden_dim
V = 100000     # vocab_size
C = 10         # n_classes


def setup_inputs(seed: int = 0) -> dict:
    key = jax.random.key(seed)
    ks = jax.random.split(key, 12)
    src_token_ids = jax.random.randint(ks[0], (N,), 0, V)
    dst_token_ids = jax.random.randint(ks[1], (N,), 0, V)
    # fixed-degree graph: every dst node has exactly K incoming edges,
    # edges sorted by dst so mailbox = msg.reshape(N, K, D)
    src = jax.random.randint(ks[2], (N * K,), 0, N)
    dst = jnp.repeat(jnp.arange(N, dtype=src.dtype), K)
    edge_index = jnp.stack([src, dst], axis=0)
    s = 1.0 / np.sqrt(D)
    emb = jax.random.normal(ks[3], (V, D), dtype=jnp.float32) * 0.02
    W_ih = jax.random.uniform(ks[4], (3 * D, D), minval=-s, maxval=s, dtype=jnp.float32)
    W_hh = jax.random.uniform(ks[5], (3 * D, D), minval=-s, maxval=s, dtype=jnp.float32)
    b_ih = jax.random.uniform(ks[6], (3 * D,), minval=-s, maxval=s, dtype=jnp.float32)
    b_hh = jax.random.uniform(ks[7], (3 * D,), minval=-s, maxval=s, dtype=jnp.float32)
    ln_g = jnp.ones((D,), dtype=jnp.float32)
    ln_b = jnp.zeros((D,), dtype=jnp.float32)
    sc = 1.0 / np.sqrt(D)
    W_fc = jax.random.uniform(ks[8], (C, D), minval=-sc, maxval=sc, dtype=jnp.float32)
    b_fc = jax.random.uniform(ks[9], (C,), minval=-sc, maxval=sc, dtype=jnp.float32)
    return {
        'src_token_ids': src_token_ids,
        'dst_token_ids': dst_token_ids,
        'edge_index': edge_index,
        'emb': emb,
        'W_ih': W_ih,
        'W_hh': W_hh,
        'b_ih': b_ih,
        'b_hh': b_hh,
        'ln_g': ln_g,
        'ln_b': ln_b,
        'W_fc': W_fc,
        'b_fc': b_fc,
    }


def _gru_cell(x, h, W_ih, W_hh, b_ih, b_hh):
    # torch.nn.GRU single step semantics
    gi = x @ W_ih.T + b_ih
    gh = h @ W_hh.T + b_hh
    i_r, i_z, i_n = jnp.split(gi, 3, axis=-1)
    h_r, h_z, h_n = jnp.split(gh, 3, axis=-1)
    r = jax.nn.sigmoid(i_r + h_r)
    z = jax.nn.sigmoid(i_z + h_z)
    n = jnp.tanh(i_n + r * h_n)
    return (1.0 - z) * n + z * h


def _layer_norm(x, g, b, eps=1e-5):
    mu = jnp.mean(x, axis=-1, keepdims=True)
    var = jnp.mean((x - mu) ** 2, axis=-1, keepdims=True)
    return g * (x - mu) / jnp.sqrt(var + eps) + b


def reference(src_token_ids, dst_token_ids, edge_index, emb, W_ih, W_hh, b_ih, b_hh, ln_g, ln_b, W_fc, b_fc):
    # GTEConv first (and only) block, eval mode (dropout is identity)
    node_feat = jnp.take(emb, src_token_ids, axis=0)          # embeddings(src_feat)
    h_dst = jnp.take(emb, dst_token_ids, axis=0)              # embeddings(dst_feat); unused on first layer
    src = edge_index[0]
    # copy_u message: gather src features along edges, mailbox is rectangular (K per dst)
    msg = jnp.take(node_feat, src, axis=0).reshape(N, K, D)   # [N_dst, L, D]
    # GRU reducer (L > 1 branch): h0 = sum of first L-1 messages, input = last message
    f_sum = jnp.sum(msg[:, :-1, :], axis=1)
    current_input = msg[:, -1, :]
    h_out = _gru_cell(current_input, f_sum, W_ih, W_hh, b_ih, b_hh)
    rst = _layer_norm(h_out, ln_g, ln_b)
    # classification head
    out = rst @ W_fc.T + b_fc
    return out

if __name__ == "__main__":
    import jax
    _d = setup_inputs()
    print(jax.jit(kernel)(*tuple(_d.values())))

</pallas_src>

<mosaic_0001>
#map = affine_map<(d0, d1) -> (0)>
#map1 = affine_map<(d0, d1) -> (0, 0)>
module attributes {stable_mosaic.version = 14 : i64} {
  func.func @sc_kernel(%arg0: i32, %arg1: i32, %arg2: memref<10240xi32, #tpu.memory_space<hbm>>, %arg3: memref<327680xi32, #tpu.memory_space<hbm>>, %arg4: memref<100000x128xf32, #tpu.memory_space<hbm>>, %arg5: memref<10240x128xf32, #tpu.memory_space<hbm>>, %arg6: memref<10240x128xf32, #tpu.memory_space<hbm>>, %arg7: memref<10240x128xf32, #tpu.memory_space<vmem_shared>>, %arg8: memref<10240xi32, #tpu.memory_space<vmem>>, %arg9: memref<128xi32, #tpu.memory_space<vmem>>, %arg10: memref<128x128xf32, #tpu.memory_space<vmem>>, %arg11: memref<128x128xf32, #tpu.memory_space<vmem>>, %arg12: memref<4x128xf32, #tpu.memory_space<vmem>>, %arg13: memref<4x128xf32, #tpu.memory_space<vmem>>, %arg14: memref<4x128xf32, #tpu.memory_space<vmem>>, %arg15: memref<4x128xf32, #tpu.memory_space<vmem>>, %arg16: memref<!tpu.dma_semaphore, #tpu.memory_space<semaphore_mem>>, %arg17: memref<!tpu.dma_semaphore, #tpu.memory_space<semaphore_mem>>, %arg18: memref<!tpu.dma_semaphore, #tpu.memory_space<semaphore_mem>>, %arg19: memref<!tpu.dma_semaphore, #tpu.memory_space<semaphore_mem>>, %arg20: memref<!tpu.dma_semaphore, #tpu.memory_space<semaphore_mem>>, %arg21: memref<!tpu.dma_semaphore, #tpu.memory_space<semaphore_mem>>) attributes {dimension_semantics = [#tpu.dimension_semantics<core_parallel>, #tpu.dimension_semantics<subcore_parallel>], iteration_bounds = array<i64: 2, 16>, scalar_prefetch = 0 : i64, scratch_operands = 15 : i64, tpu.core_type = #tpu.core_type<sc_vector_subcore>, window_params = [{transform_indices = #map}, {transform_indices = #map}, {transform_indices = #map1}, {transform_indices = #map1}, {transform_indices = #map1}]} {
    %mul3A = arith.constant 640 : i32
    %mul3A_0 = arith.muli %arg1, %mul3A : i32
    "tpu.region"() ({
      %run_scoped3A = tpu.sem_alloc : memref<!tpu.dma_semaphore, #tpu.memory_space<semaphore_mem>>
      %dma_start3A_390 = arith.constant 0 : i32
      %dma_start3A_391 = tpu.memref_slice %arg8[%dma_start3A_390] : memref<10240xi32, #tpu.memory_space<vmem>> -> memref<640xi32, #tpu.memory_space<vmem>>
      %dma_start3A_392 = tpu.memref_slice %arg2[%mul3A_0] : memref<10240xi32, #tpu.memory_space<hbm>> -> memref<640xi32, #tpu.memory_space<hbm>>
      %dma_start3A_393 = arith.constant 0 : i32
      %dma_start3A_394 = tpu.memref_slice %arg8[%dma_start3A_393] : memref<10240xi32, #tpu.memory_space<vmem>> -> memref<640xi32, #tpu.memory_space<vmem>>
      %dma_start3A_395 = tpu.memref_slice %arg2[%mul3A_0] : memref<10240xi32, #tpu.memory_space<hbm>> -> memref<640xi32, #tpu.memory_space<hbm>>
      tpu.enqueue_dma source(%dma_start3A_395 : memref<640xi32, #tpu.memory_space<hbm>>) target(%dma_start3A_394 : memref<640xi32, #tpu.memory_space<vmem>>) target_semaphore(%run_scoped3A : memref<!tpu.dma_semaphore, #tpu.memory_space<semaphore_mem>>)
      %dma_wait3A_396 = arith.constant 0 : i32
      %dma_wait3A_397 = tpu.memref_slice %arg8[%dma_wait3A_396] : memref<10240xi32, #tpu.memory_space<vmem>> -> memref<640xi32, #tpu.memory_space<vmem>>
      %dma_wait3A_398 = tpu.memref_slice %arg2[%mul3A_0] : memref<10240xi32, #tpu.memory_space<hbm>> -> memref<640xi32, #tpu.memory_space<hbm>>
      %dma_wait3A_399 = arith.constant 0 : i32
      %dma_wait3A_400 = tpu.memref_slice %arg8[%dma_wait3A_399] : memref<10240xi32, #tpu.memory_space<vmem>> -> memref<640xi32, #tpu.memory_space<vmem>>
      %dma_wait3A_401 = tpu.memref_slice %arg2[%mul3A_0] : memref<10240xi32, #tpu.memory_space<hbm>> -> memref<640xi32, #tpu.memory_space<hbm>>
      tpu.wait_dma2 semaphore(%run_scoped3A : memref<!tpu.dma_semaphore, #tpu.memory_space<semaphore_mem>>) src(%dma_wait3A_401 : memref<640xi32, #tpu.memory_space<hbm>>) dst(%dma_wait3A_400 : memref<640xi32, #tpu.memory_space<vmem>>)
      tpu.yield
    }) : () -> ()
    %dma_start3A = arith.constant 0 : i32
    %dma_start3A_1 = tpu.memref_slice %arg8[%dma_start3A] : memref<10240xi32, #tpu.memory_space<vmem>> -> memref<128xi32, #tpu.memory_space<vmem>>
    %dma_start3A_2 = arith.constant 0 : i32
    %dma_start3A_3 = arith.constant 0 : i32
    %dma_start3A_4 = tpu.memref_slice %arg4[%dma_start3A_2, %dma_start3A_3] : memref<100000x128xf32, #tpu.memory_space<hbm>> -> memref<100000x128xf32, #tpu.memory_space<hbm>>
    tpu.enqueue_indirect_dma source(%dma_start3A_4 : memref<100000x128xf32, #tpu.memory_space<hbm>>) target(%arg10 : memref<128x128xf32, #tpu.memory_space<vmem>>) offsets(%dma_start3A_1 : memref<128xi32, #tpu.memory_space<vmem>>) semaphore(%arg16 : memref<!tpu.dma_semaphore, #tpu.memory_space<semaphore_mem>>)
    %dma_wait3A = arith.constant 0 : i32
    %dma_wait3A_5 = tpu.memref_slice %arg8[%dma_wait3A] : memref<10240xi32, #tpu.memory_space<vmem>> -> memref<128xi32, #tpu.memory_space<vmem>>
    %dma_wait3A_6 = arith.constant 0 : i32
    %dma_wait3A_7 = arith.constant 0 : i32
    %dma_wait3A_8 = tpu.memref_slice %arg4[%dma_wait3A_6, %dma_wait3A_7] : memref<100000x128xf32, #tpu.memory_space<hbm>> -> memref<100000x128xf32, #tpu.memory_space<hbm>>
    tpu.wait_indirect_dma semaphore(%arg16 : memref<!tpu.dma_semaphore, #tpu.memory_space<semaphore_mem>>) src(%dma_wait3A_8 : memref<100000x128xf32, #tpu.memory_space<hbm>>) dst(%arg10 : memref<128x128xf32, #tpu.memory_space<vmem>>)
    %mul3A_9 = arith.constant 640 : i32
    %mul3A_10 = arith.muli %arg1, %mul3A_9 : i32
    %add3A = arith.constant 0 : i32
    %add3A_11 = arith.addi %mul3A_10, %add3A : i32
    %add3A_12 = arith.constant 0 : i32
    %add3A_13 = arith.addi %add3A_11, %add3A_12 : i32
    %iota3A = tpu.iota {dimensions = array<i32: 0>} : vector<16xi32>
    %add3A_14 = vector.broadcast %add3A_13 : i32 to vector<16xi32>
    %add3A_15 = arith.addi %add3A_14, %iota3A : vector<16xi32>
    %swap3A = arith.constant 0 : index
    %swap3A_16 = tpu.vector_load %arg9[%swap3A] {strides = array<i32>} : memref<128xi32, #tpu.memory_space<vmem>>, vector<16xi32>,
    tpu.vector_store %arg9[%swap3A], %add3A_15 {strides = array<i32>} : memref<128xi32, #tpu.memory_space<vmem>>, vector<16xi32>,
    %add3A_17 = arith.constant 16 : i32
    %add3A_18 = arith.addi %add3A_11, %add3A_17 : i32
    %iota3A_19 = tpu.iota {dimensions = array<i32: 0>} : vector<16xi32>
    %add3A_20 = vector.broadcast %add3A_18 : i32 to vector<16xi32>
    %add3A_21 = arith.addi %add3A_20, %iota3A_19 : vector<16xi32>
    %swap3A_22 = arith.constant 16 : index
    %swap3A_23 = tpu.vector_load %arg9[%swap3A_22] {strides = array<i32>} : memref<128xi32, #tpu.memory_space<vmem>>, vector<16xi32>,
    tpu.vector_store %arg9[%swap3A_22], %add3A_21 {strides = array<i32>} : memref<128xi32, #tpu.memory_space<vmem>>, vector<16xi32>,
    %add3A_24 = arith.constant 32 : i32
    %add3A_25 = arith.addi %add3A_11, %add3A_24 : i32
    %iota3A_26 = tpu.iota {dimensions = array<i32: 0>} : vector<16xi32>
    %add3A_27 = vector.broadcast %add3A_25 : i32 to vector<16xi32>
    %add3A_28 = arith.addi %add3A_27, %iota3A_26 : vector<16xi32>
    %swap3A_29 = arith.constant 32 : index
    %swap3A_30 = tpu.vector_load %arg9[%swap3A_29] {strides = array<i32>} : memref<128xi32, #tpu.memory_space<vmem>>, vector<16xi32>,
    tpu.vector_store %arg9[%swap3A_29], %add3A_28 {strides = array<i32>} : memref<128xi32, #tpu.memory_space<vmem>>, vector<16xi32>,
    %add3A_31 = arith.constant 48 : i32
    %add3A_32 = arith.addi %add3A_11, %add3A_31 : i32
    %iota3A_33 = tpu.iota {dimensions = array<i32: 0>} : vector<16xi32>
    %add3A_34 = vector.broadcast %add3A_32 : i32 to vector<16xi32>
    %add3A_35 = arith.addi %add3A_34, %iota3A_33 : vector<16xi32>
    %swap3A_36 = arith.constant 48 : index
    %swap3A_37 = tpu.vector_load %arg9[%swap3A_36] {strides = array<i32>} : memref<128xi32, #tpu.memory_space<vmem>>, vector<16xi32>,
    tpu.vector_store %arg9[%swap3A_36], %add3A_35 {strides = array<i32>} : memref<128xi32, #tpu.memory_space<vmem>>, vector<16xi32>,
    %add3A_38 = arith.constant 64 : i32
    %add3A_39 = arith.addi %add3A_11, %add3A_38 : i32
    %iota3A_40 = tpu.iota {dimensions = array<i32: 0>} : vector<16xi32>
    %add3A_41 = vector.broadcast %add3A_39 : i32 to vector<16xi32>
    %add3A_42 = arith.addi %add3A_41, %iota3A_40 : vector<16xi32>
    %swap3A_43 = arith.constant 64 : index
    %swap3A_44 = tpu.vector_load %arg9[%swap3A_43] {strides = array<i32>} : memref<128xi32, #tpu.memory_space<vmem>>, vector<16xi32>,
    tpu.vector_store %arg9[%swap3A_43], %add3A_42 {strides = array<i32>} : memref<128xi32, #tpu.memory_space<vmem>>, vector<16xi32>,
    %add3A_45 = arith.constant 80 : i32
    %add3A_46 = arith.addi %add3A_11, %add3A_45 : i32
    %iota3A_47 = tpu.iota {dimensions = array<i32: 0>} : vector<16xi32>
    %add3A_48 = vector.broadcast %add3A_46 : i32 to vector<16xi32>
    %add3A_49 = arith.addi %add3A_48, %iota3A_47 : vector<16xi32>
    %swap3A_50 = arith.constant 80 : index
    %swap3A_51 = tpu.vector_load %arg9[%swap3A_50] {strides = array<i32>} : memref<128xi32, #tpu.memory_space<vmem>>, vector<16xi32>,
    tpu.vector_store %arg9[%swap3A_50], %add3A_49 {strides = array<i32>} : memref<128xi32, #tpu.memory_space<vmem>>, vector<16xi32>,
    %add3A_52 = arith.constant 96 : i32
    %add3A_53 = arith.addi %add3A_11, %add3A_52 : i32
    %iota3A_54 = tpu.iota {dimensions = array<i32: 0>} : vector<16xi32>
    %add3A_55 = vector.broadcast %add3A_53 : i32 to vector<16xi32>
    %add3A_56 = arith.addi %add3A_55, %iota3A_54 : vector<16xi32>
    %swap3A_57 = arith.constant 96 : index
    %swap3A_58 = tpu.vector_load %arg9[%swap3A_57] {strides = array<i32>} : memref<128xi32, #tpu.memory_space<vmem>>, vector<16xi32>,
    tpu.vector_store %arg9[%swap3A_57], %add3A_56 {strides = array<i32>} : memref<128xi32, #tpu.memory_space<vmem>>, vector<16xi32>,
    %add3A_59 = arith.constant 112 : i32
    %add3A_60 = arith.addi %add3A_11, %add3A_59 : i32
    %iota3A_61 = tpu.iota {dimensions = array<i32: 0>} : vector<16xi32>
    %add3A_62 = vector.broadcast %add3A_60 : i32 to vector<16xi32>
    %add3A_63 = arith.addi %add3A_62, %iota3A_61 : vector<16xi32>
    %swap3A_64 = arith.constant 112 : index
    %swap3A_65 = tpu.vector_load %arg9[%swap3A_64] {strides = array<i32>} : memref<128xi32, #tpu.memory_space<vmem>>, vector<16xi32>,
    tpu.vector_store %arg9[%swap3A_64], %add3A_63 {strides = array<i32>} : memref<128xi32, #tpu.memory_space<vmem>>, vector<16xi32>,
    "tpu.region"() ({
      %run_scoped3A = tpu.sem_alloc : memref<!tpu.dma_semaphore, #tpu.memory_space<semaphore_mem>>
      %dma_start3A_390 = arith.constant 0 : i32
      %dma_start3A_391 = arith.constant 0 : i32
      %dma_start3A_392 = tpu.memref_slice %arg7[%dma_start3A_390, %dma_start3A_391] : memref<10240x128xf32, #tpu.memory_space<vmem_shared>> -> memref<10240x128xf32, #tpu.memory_space<vmem_shared>>
      tpu.enqueue_indirect_dma source(%arg10 : memref<128x128xf32, #tpu.memory_space<vmem>>) target(%dma_start3A_392 : memref<10240x128xf32, #tpu.memory_space<vmem_shared>>) offsets(%arg9 : memref<128xi32, #tpu.memory_space<vmem>>) semaphore(%run_scoped3A : memref<!tpu.dma_semaphore, #tpu.memory_space<semaphore_mem>>)
      %dma_wait3A_393 = arith.constant 0 : i32
      %dma_wait3A_394 = arith.constant 0 : i32
      %dma_wait3A_395 = tpu.memref_slice %arg7[%dma_wait3A_393, %dma_wait3A_394] : memref<10240x128xf32, #tpu.memory_space<vmem_shared>> -> memref<10240x128xf32, #tpu.memory_space<vmem_shared>>
      tpu.wait_indirect_dma semaphore(%run_scoped3A : memref<!tpu.dma_semaphore, #tpu.memory_space<semaphore_mem>>) src(%arg10 : memref<128x128xf32, #tpu.memory_space<vmem>>) dst(%dma_wait3A_395 : memref<10240x128xf32, #tpu.memory_space<vmem_shared>>)
      tpu.yield
    }) : () -> ()
    %dma_start3A_66 = arith.constant 128 : i32
    %dma_start3A_67 = tpu.memref_slice %arg8[%dma_start3A_66] : memref<10240xi32, #tpu.memory_space<vmem>> -> memref<128xi32, #tpu.memory_space<vmem>>
    %dma_start3A_68 = arith.constant 0 : i32
    %dma_start3A_69 = arith.constant 0 : i32
    %dma_start3A_70 = tpu.memref_slice %arg4[%dma_start3A_68, %dma_start3A_69] : memref<100000x128xf32, #tpu.memory_space<hbm>> -> memref<100000x128xf32, #tpu.memory_space<hbm>>
    tpu.enqueue_indirect_dma source(%dma_start3A_70 : memref<100000x128xf32, #tpu.memory_space<hbm>>) target(%arg10 : memref<128x128xf32, #tpu.memory_space<vmem>>) offsets(%dma_start3A_67 : memref<128xi32, #tpu.memory_space<vmem>>) semaphore(%arg16 : memref<!tpu.dma_semaphore, #tpu.memory_space<semaphore_mem>>)
    %dma_wait3A_71 = arith.constant 128 : i32
    %dma_wait3A_72 = tpu.memref_slice %arg8[%dma_wait3A_71] : memref<10240xi32, #tpu.memory_space<vmem>> -> memref<128xi32, #tpu.memory_space<vmem>>
    %dma_wait3A_73 = arith.constant 0 : i32
    %dma_wait3A_74 = arith.constant 0 : i32
    %dma_wait3A_75 = tpu.memref_slice %arg4[%dma_wait3A_73, %dma_wait3A_74] : memref<100000x128xf32, #tpu.memory_space<hbm>> -> memref<100000x128xf32, #tpu.memory_space<hbm>>
    tpu.wait_indirect_dma semaphore(%arg16 : memref<!tpu.dma_semaphore, #tpu.memory_space<semaphore_mem>>) src(%dma_wait3A_75 : memref<100000x128xf32, #tpu.memory_space<hbm>>) dst(%arg10 : memref<128x128xf32, #tpu.memory_space<vmem>>)
    %mul3A_76 = arith.constant 640 : i32
    %mul3A_77 = arith.muli %arg1, %mul3A_76 : i32
    %add3A_78 = arith.constant 128 : i32
    %add3A_79 = arith.addi %mul3A_77, %add3A_78 : i32
    %add3A_80 = arith.constant 0 : i32
    %add3A_81 = arith.addi %add3A_79, %add3A_80 : i32
    %iota3A_82 = tpu.iota {dimensions = array<i32: 0>} : vector<16xi32>
    %add3A_83 = vector.broadcast %add3A_81 : i32 to vector<16xi32>
    %add3A_84 = arith.addi %add3A_83, %iota3A_82 : vector<16xi32>
    %swap3A_85 = arith.constant 0 : index
    %swap3A_86 = tpu.vector_load %arg9[%swap3A_85] {strides = array<i32>} : memref<128xi32, #tpu.memory_space<vmem>>, vector<16xi32>,
    tpu.vector_store %arg9[%swap3A_85], %add3A_84 {strides = array<i32>} : memref<128xi32, #tpu.memory_space<vmem>>, vector<16xi32>,
    %add3A_87 = arith.constant 16 : i32
    %add3A_88 = arith.addi %add3A_79, %add3A_87 : i32
    %iota3A_89 = tpu.iota {dimensions = array<i32: 0>} : vector<16xi32>
    %add3A_90 = vector.broadcast %add3A_88 : i32 to vector<16xi32>
    %add3A_91 = arith.addi %add3A_90, %iota3A_89 : vector<16xi32>
    %swap3A_92 = arith.constant 16 : index
    %swap3A_93 = tpu.vector_load %arg9[%swap3A_92] {strides = array<i32>} : memref<128xi32, #tpu.memory_space<vmem>>, vector<16xi32>,
    tpu.vector_store %arg9[%swap3A_92], %add3A_91 {strides = array<i32>} : memref<128xi32, #tpu.memory_space<vmem>>, vector<16xi32>,
    %add3A_94 = arith.constant 32 : i32
    %add3A_95 = arith.addi %add3A_79, %add3A_94 : i32
    %iota3A_96 = tpu.iota {dimensions = array<i32: 0>} : vector<16xi32>
    %add3A_97 = vector.broadcast %add3A_95 : i32 to vector<16xi32>
    %add3A_98 = arith.addi %add3A_97, %iota3A_96 : vector<16xi32>
    %swap3A_99 = arith.constant 32 : index
    %swap3A_100 = tpu.vector_load %arg9[%swap3A_99] {strides = array<i32>} : memref<128xi32, #tpu.memory_space<vmem>>, vector<16xi32>,
    tpu.vector_store %arg9[%swap3A_99], %add3A_98 {strides = array<i32>} : memref<128xi32, #tpu.memory_space<vmem>>, vector<16xi32>,
    %add3A_101 = arith.constant 48 : i32
    %add3A_102 = arith.addi %add3A_79, %add3A_101 : i32
    %iota3A_103 = tpu.iota {dimensions = array<i32: 0>} : vector<16xi32>
    %add3A_104 = vector.broadcast %add3A_102 : i32 to vector<16xi32>
    %add3A_105 = arith.addi %add3A_104, %iota3A_103 : vector<16xi32>
    %swap3A_106 = arith.constant 48 : index
    %swap3A_107 = tpu.vector_load %arg9[%swap3A_106] {strides = array<i32>} : memref<128xi32, #tpu.memory_space<vmem>>, vector<16xi32>,
    tpu.vector_store %arg9[%swap3A_106], %add3A_105 {strides = array<i32>} : memref<128xi32, #tpu.memory_space<vmem>>, vector<16xi32>,
    %add3A_108 = arith.constant 64 : i32
    %add3A_109 = arith.addi %add3A_79, %add3A_108 : i32
    %iota3A_110 = tpu.iota {dimensions = array<i32: 0>} : vector<16xi32>
    %add3A_111 = vector.broadcast %add3A_109 : i32 to vector<16xi32>
    %add3A_112 = arith.addi %add3A_111, %iota3A_110 : vector<16xi32>
    %swap3A_113 = arith.constant 64 : index
    %swap3A_114 = tpu.vector_load %arg9[%swap3A_113] {strides = array<i32>} : memref<128xi32, #tpu.memory_space<vmem>>, vector<16xi32>,
    tpu.vector_store %arg9[%swap3A_113], %add3A_112 {strides = array<i32>} : memref<128xi32, #tpu.memory_space<vmem>>, vector<16xi32>,
    %add3A_115 = arith.constant 80 : i32
    %add3A_116 = arith.addi %add3A_79, %add3A_115 : i32
    %iota3A_117 = tpu.iota {dimensions = array<i32: 0>} : vector<16xi32>
    %add3A_118 = vector.broadcast %add3A_116 : i32 to vector<16xi32>
    %add3A_119 = arith.addi %add3A_118, %iota3A_117 : vector<16xi32>
    %swap3A_120 = arith.constant 80 : index
    %swap3A_121 = tpu.vector_load %arg9[%swap3A_120] {strides = array<i32>} : memref<128xi32, #tpu.memory_space<vmem>>, vector<16xi32>,
    tpu.vector_store %arg9[%swap3A_120], %add3A_119 {strides = array<i32>} : memref<128xi32, #tpu.memory_space<vmem>>, vector<16xi32>,
    %add3A_122 = arith.constant 96 : i32
    %add3A_123 = arith.addi %add3A_79, %add3A_122 : i32
    %iota3A_124 = tpu.iota {dimensions = array<i32: 0>} : vector<16xi32>
    %add3A_125 = vector.broadcast %add3A_123 : i32 to vector<16xi32>
    %add3A_126 = arith.addi %add3A_125, %iota3A_124 : vector<16xi32>
    %swap3A_127 = arith.constant 96 : index
    %swap3A_128 = tpu.vector_load %arg9[%swap3A_127] {strides = array<i32>} : memref<128xi32, #tpu.memory_space<vmem>>, vector<16xi32>,
    tpu.vector_store %arg9[%swap3A_127], %add3A_126 {strides = array<i32>} : memref<128xi32, #tpu.memory_space<vmem>>, vector<16xi32>,
    %add3A_129 = arith.constant 112 : i32
    %add3A_130 = arith.addi %add3A_79, %add3A_129 : i32
    %iota3A_131 = tpu.iota {dimensions = array<i32: 0>} : vector<16xi32>
    %add3A_132 = vector.broadcast %add3A_130 : i32 to vector<16xi32>
    %add3A_133 = arith.addi %add3A_132, %iota3A_131 : vector<16xi32>
    %swap3A_134 = arith.constant 112 : index
    %swap3A_135 = tpu.vector_load %arg9[%swap3A_134] {strides = array<i32>} : memref<128xi32, #tpu.memory_space<vmem>>, vector<16xi32>,
    tpu.vector_store %arg9[%swap3A_134], %add3A_133 {strides = array<i32>} : memref<128xi32, #tpu.memory_space<vmem>>, vector<16xi32>,
    "tpu.region"() ({
      %run_scoped3A = tpu.sem_alloc : memref<!tpu.dma_semaphore, #tpu.memory_space<semaphore_mem>>
      %dma_start3A_390 = arith.constant 0 : i32
      %dma_start3A_391 = arith.constant 0 : i32
      %dma_start3A_392 = tpu.memref_slice %arg7[%dma_start3A_390, %dma_start3A_391] : memref<10240x128xf32, #tpu.memory_space<vmem_shared>> -> memref<10240x128xf32, #tpu.memory_space<vmem_shared>>
      tpu.enqueue_indirect_dma source(%arg10 : memref<128x128xf32, #tpu.memory_space<vmem>>) target(%dma_start3A_392 : memref<10240x128xf32, #tpu.memory_space<vmem_shared>>) offsets(%arg9 : memref<128xi32, #tpu.memory_space<vmem>>) semaphore(%run_scoped3A : memref<!tpu.dma_semaphore, #tpu.memory_space<semaphore_mem>>)
      %dma_wait3A_393 = arith.constant 0 : i32
      %dma_wait3A_394 = arith.constant 0 : i32
      %dma_wait3A_395 = tpu.memref_slice %arg7[%dma_wait3A_393, %dma_wait3A_394] : memref<10240x128xf32, #tpu.memory_space<vmem_shared>> -> memref<10240x128xf32, #tpu.memory_space<vmem_shared>>
      tpu.wait_indirect_dma semaphore(%run_scoped3A : memref<!tpu.dma_semaphore, #tpu.memory_space<semaphore_mem>>) src(%arg10 : memref<128x128xf32, #tpu.memory_space<vmem>>) dst(%dma_wait3A_395 : memref<10240x128xf32, #tpu.memory_space<vmem_shared>>)
      tpu.yield
    }) : () -> ()
    %dma_start3A_136 = arith.constant 256 : i32
    %dma_start3A_137 = tpu.memref_slice %arg8[%dma_start3A_136] : memref<10240xi32, #tpu.memory_space<vmem>> -> memref<128xi32, #tpu.memory_space<vmem>>
    %dma_start3A_138 = arith.constant 0 : i32
    %dma_start3A_139 = arith.constant 0 : i32
    %dma_start3A_140 = tpu.memref_slice %arg4[%dma_start3A_138, %dma_start3A_139] : memref<100000x128xf32, #tpu.memory_space<hbm>> -> memref<100000x128xf32, #tpu.memory_space<hbm>>
    tpu.enqueue_indirect_dma source(%dma_start3A_140 : memref<100000x128xf32, #tpu.memory_space<hbm>>) target(%arg10 : memref<128x128xf32, #tpu.memory_space<vmem>>) offsets(%dma_start3A_137 : memref<128xi32, #tpu.memory_space<vmem>>) semaphore(%arg16 : memref<!tpu.dma_semaphore, #tpu.memory_space<semaphore_mem>>)
    %dma_wait3A_141 = arith.constant 256 : i32
    %dma_wait3A_142 = tpu.memref_slice %arg8[%dma_wait3A_141] : memref<10240xi32, #tpu.memory_space<vmem>> -> memref<128xi32, #tpu.memory_space<vmem>>
    %dma_wait3A_143 = arith.constant 0 : i32
    %dma_wait3A_144 = arith.constant 0 : i32
    %dma_wait3A_145 = tpu.memref_slice %arg4[%dma_wait3A_143, %dma_wait3A_144] : memref<100000x128xf32, #tpu.memory_space<hbm>> -> memref<100000x128xf32, #tpu.memory_space<hbm>>
    tpu.wait_indirect_dma semaphore(%arg16 : memref<!tpu.dma_semaphore, #tpu.memory_space<semaphore_mem>>) src(%dma_wait3A_145 : memref<100000x128xf32, #tpu.memory_space<hbm>>) dst(%arg10 : memref<128x128xf32, #tpu.memory_space<vmem>>)
    %mul3A_146 = arith.constant 640 : i32
    %mul3A_147 = arith.muli %arg1, %mul3A_146 : i32
    %add3A_148 = arith.constant 256 : i32
    %add3A_149 = arith.addi %mul3A_147, %add3A_148 : i32
    %add3A_150 = arith.constant 0 : i32
    %add3A_151 = arith.addi %add3A_149, %add3A_150 : i32
    %iota3A_152 = tpu.iota {dimensions = array<i32: 0>} : vector<16xi32>
    %add3A_153 = vector.broadcast %add3A_151 : i32 to vector<16xi32>
    %add3A_154 = arith.addi %add3A_153, %iota3A_152 : vector<16xi32>
    %swap3A_155 = arith.constant 0 : index
    %swap3A_156 = tpu.vector_load %arg9[%swap3A_155] {strides = array<i32>} : memref<128xi32, #tpu.memory_space<vmem>>, vector<16xi32>,
    tpu.vector_store %arg9[%swap3A_155], %add3A_154 {strides = array<i32>} : memref<128xi32, #tpu.memory_space<vmem>>, vector<16xi32>,
    %add3A_157 = arith.constant 16 : i32
    %add3A_158 = arith.addi %add3A_149, %add3A_157 : i32
    %iota3A_159 = tpu.iota {dimensions = array<i32: 0>} : vector<16xi32>
    %add3A_160 = vector.broadcast %add3A_158 : i32 to vector<16xi32>
    %add3A_161 = arith.addi %add3A_160, %iota3A_159 : vector<16xi32>
    %swap3A_162 = arith.constant 16 : index
    %swap3A_163 = tpu.vector_load %arg9[%swap3A_162] {strides = array<i32>} : memref<128xi32, #tpu.memory_space<vmem>>, vector<16xi32>,
    tpu.vector_store %arg9[%swap3A_162], %add3A_161 {strides = array<i32>} : memref<128xi32, #tpu.memory_space<vmem>>, vector<16xi32>,
    %add3A_164 = arith.constant 32 : i32
    %add3A_165 = arith.addi %add3A_149, %add3A_164 : i32
    %iota3A_166 = tpu.iota {dimensions = array<i32: 0>} : vector<16xi32>
    %add3A_167 = vector.broadcast %add3A_165 : i32 to vector<16xi32>
    %add3A_168 = arith.addi %add3A_167, %iota3A_166 : vector<16xi32>
    %swap3A_169 = arith.constant 32 : index
    %swap3A_170 = tpu.vector_load %arg9[%swap3A_169] {strides = array<i32>} : memref<128xi32, #tpu.memory_space<vmem>>, vector<16xi32>,
    tpu.vector_store %arg9[%swap3A_169], %add3A_168 {strides = array<i32>} : memref<128xi32, #tpu.memory_space<vmem>>, vector<16xi32>,
    %add3A_171 = arith.constant 48 : i32
    %add3A_172 = arith.addi %add3A_149, %add3A_171 : i32
    %iota3A_173 = tpu.iota {dimensions = array<i32: 0>} : vector<16xi32>
    %add3A_174 = vector.broadcast %add3A_172 : i32 to vector<16xi32>
    %add3A_175 = arith.addi %add3A_174, %iota3A_173 : vector<16xi32>
    %swap3A_176 = arith.constant 48 : index
    %swap3A_177 = tpu.vector_load %arg9[%swap3A_176] {strides = array<i32>} : memref<128xi32, #tpu.memory_space<vmem>>, vector<16xi32>,
    tpu.vector_store %arg9[%swap3A_176], %add3A_175 {strides = array<i32>} : memref<128xi32, #tpu.memory_space<vmem>>, vector<16xi32>,
    %add3A_178 = arith.constant 64 : i32
    %add3A_179 = arith.addi %add3A_149, %add3A_178 : i32
    %iota3A_180 = tpu.iota {dimensions = array<i32: 0>} : vector<16xi32>
    %add3A_181 = vector.broadcast %add3A_179 : i32 to vector<16xi32>
    %add3A_182 = arith.addi %add3A_181, %iota3A_180 : vector<16xi32>
    %swap3A_183 = arith.constant 64 : index
    %swap3A_184 = tpu.vector_load %arg9[%swap3A_183] {strides = array<i32>} : memref<128xi32, #tpu.memory_space<vmem>>, vector<16xi32>,
    tpu.vector_store %arg9[%swap3A_183], %add3A_182 {strides = array<i32>} : memref<128xi32, #tpu.memory_space<vmem>>, vector<16xi32>,
    %add3A_185 = arith.constant 80 : i32
    %add3A_186 = arith.addi %add3A_149, %add3A_185 : i32
    %iota3A_187 = tpu.iota {dimensions = array<i32: 0>} : vector<16xi32>
    %add3A_188 = vector.broadcast %add3A_186 : i32 to vector<16xi32>
    %add3A_189 = arith.addi %add3A_188, %iota3A_187 : vector<16xi32>
    %swap3A_190 = arith.constant 80 : index
    %swap3A_191 = tpu.vector_load %arg9[%swap3A_190] {strides = array<i32>} : memref<128xi32, #tpu.memory_space<vmem>>, vector<16xi32>,
    tpu.vector_store %arg9[%swap3A_190], %add3A_189 {strides = array<i32>} : memref<128xi32, #tpu.memory_space<vmem>>, vector<16xi32>,
    %add3A_192 = arith.constant 96 : i32
    %add3A_193 = arith.addi %add3A_149, %add3A_192 : i32
    %iota3A_194 = tpu.iota {dimensions = array<i32: 0>} : vector<16xi32>
    %add3A_195 = vector.broadcast %add3A_193 : i32 to vector<16xi32>
    %add3A_196 = arith.addi %add3A_195, %iota3A_194 : vector<16xi32>
    %swap3A_197 = arith.constant 96 : index
    %swap3A_198 = tpu.vector_load %arg9[%swap3A_197] {strides = array<i32>} : memref<128xi32, #tpu.memory_space<vmem>>, vector<16xi32>,
    tpu.vector_store %arg9[%swap3A_197], %add3A_196 {strides = array<i32>} : memref<128xi32, #tpu.memory_space<vmem>>, vector<16xi32>,
    %add3A_199 = arith.constant 112 : i32
    %add3A_200 = arith.addi %add3A_149, %add3A_199 : i32
    %iota3A_201 = tpu.iota {dimensions = array<i32: 0>} : vector<16xi32>
    %add3A_202 = vector.broadcast %add3A_200 : i32 to vector<16xi32>
    %add3A_203 = arith.addi %add3A_202, %iota3A_201 : vector<16xi32>
    %swap3A_204 = arith.constant 112 : index
    %swap3A_205 = tpu.vector_load %arg9[%swap3A_204] {strides = array<i32>} : memref<128xi32, #tpu.memory_space<vmem>>, vector<16xi32>,
    tpu.vector_store %arg9[%swap3A_204], %add3A_203 {strides = array<i32>} : memref<128xi32, #tpu.memory_space<vmem>>, vector<16xi32>,
    "tpu.region"() ({
      %run_scoped3A = tpu.sem_alloc : memref<!tpu.dma_semaphore, #tpu.memory_space<semaphore_mem>>
      %dma_start3A_390 = arith.constant 0 : i32
      %dma_start3A_391 = arith.constant 0 : i32
      %dma_start3A_392 = tpu.memref_slice %arg7[%dma_start3A_390, %dma_start3A_391] : memref<10240x128xf32, #tpu.memory_space<vmem_shared>> -> memref<10240x128xf32, #tpu.memory_space<vmem_shared>>
      tpu.enqueue_indirect_dma source(%arg10 : memref<128x128xf32, #tpu.memory_space<vmem>>) target(%dma_start3A_392 : memref<10240x128xf32, #tpu.memory_space<vmem_shared>>) offsets(%arg9 : memref<128xi32, #tpu.memory_space<vmem>>) semaphore(%run_scoped3A : memref<!tpu.dma_semaphore, #tpu.memory_space<semaphore_mem>>)
      %dma_wait3A_393 = arith.constant 0 : i32
      %dma_wait3A_394 = arith.constant 0 : i32
      %dma_wait3A_395 = tpu.memref_slice %arg7[%dma_wait3A_393, %dma_wait3A_394] : memref<10240x128xf32, #tpu.memory_space<vmem_shared>> -> memref<10240x128xf32, #tpu.memory_space<vmem_shared>>
      tpu.wait_indirect_dma semaphore(%run_scoped3A : memref<!tpu.dma_semaphore, #tpu.memory_space<semaphore_mem>>) src(%arg10 : memref<128x128xf32, #tpu.memory_space<vmem>>) dst(%dma_wait3A_395 : memref<10240x128xf32, #tpu.memory_space<vmem_shared>>)
      tpu.yield
    }) : () -> ()
    %dma_start3A_206 = arith.constant 384 : i32
    %dma_start3A_207 = tpu.memref_slice %arg8[%dma_start3A_206] : memref<10240xi32, #tpu.memory_space<vmem>> -> memref<128xi32, #tpu.memory_space<vmem>>
    %dma_start3A_208 = arith.constant 0 : i32
    %dma_start3A_209 = arith.constant 0 : i32
    %dma_start3A_210 = tpu.memref_slice %arg4[%dma_start3A_208, %dma_start3A_209] : memref<100000x128xf32, #tpu.memory_space<hbm>> -> memref<100000x128xf32, #tpu.memory_space<hbm>>
    tpu.enqueue_indirect_dma source(%dma_start3A_210 : memref<100000x128xf32, #tpu.memory_space<hbm>>) target(%arg10 : memref<128x128xf32, #tpu.memory_space<vmem>>) offsets(%dma_start3A_207 : memref<128xi32, #tpu.memory_space<vmem>>) semaphore(%arg16 : memref<!tpu.dma_semaphore, #tpu.memory_space<semaphore_mem>>)
    %dma_wait3A_211 = arith.constant 384 : i32
    %dma_wait3A_212 = tpu.memref_slice %arg8[%dma_wait3A_211] : memref<10240xi32, #tpu.memory_space<vmem>> -> memref<128xi32, #tpu.memory_space<vmem>>
    %dma_wait3A_213 = arith.constant 0 : i32
    %dma_wait3A_214 = arith.constant 0 : i32
    %dma_wait3A_215 = tpu.memref_slice %arg4[%dma_wait3A_213, %dma_wait3A_214] : memref<100000x128xf32, #tpu.memory_space<hbm>> -> memref<100000x128xf32, #tpu.memory_space<hbm>>
    tpu.wait_indirect_dma semaphore(%arg16 : memref<!tpu.dma_semaphore, #tpu.memory_space<semaphore_mem>>) src(%dma_wait3A_215 : memref<100000x128xf32, #tpu.memory_space<hbm>>) dst(%arg10 : memref<128x128xf32, #tpu.memory_space<vmem>>)
    %mul3A_216 = arith.constant 640 : i32
    %mul3A_217 = arith.muli %arg1, %mul3A_216 : i32
    %add3A_218 = arith.constant 384 : i32
    %add3A_219 = arith.addi %mul3A_217, %add3A_218 : i32
    %add3A_220 = arith.constant 0 : i32
    %add3A_221 = arith.addi %add3A_219, %add3A_220 : i32
    %iota3A_222 = tpu.iota {dimensions = array<i32: 0>} : vector<16xi32>
    %add3A_223 = vector.broadcast %add3A_221 : i32 to vector<16xi32>
    %add3A_224 = arith.addi %add3A_223, %iota3A_222 : vector<16xi32>
    %swap3A_225 = arith.constant 0 : index
    %swap3A_226 = tpu.vector_load %arg9[%swap3A_225] {strides = array<i32>} : memref<128xi32, #tpu.memory_space<vmem>>, vector<16xi32>,
    tpu.vector_store %arg9[%swap3A_225], %add3A_224 {strides = array<i32>} : memref<128xi32, #tpu.memory_space<vmem>>, vector<16xi32>,
    %add3A_227 = arith.constant 16 : i32
    %add3A_228 = arith.addi %add3A_219, %add3A_227 : i32
    %iota3A_229 = tpu.iota {dimensions = array<i32: 0>} : vector<16xi32>
    %add3A_230 = vector.broadcast %add3A_228 : i32 to vector<16xi32>
    %add3A_231 = arith.addi %add3A_230, %iota3A_229 : vector<16xi32>
    %swap3A_232 = arith.constant 16 : index
    %swap3A_233 = tpu.vector_load %arg9[%swap3A_232] {strides = array<i32>} : memref<128xi32, #tpu.memory_space<vmem>>, vector<16xi32>,
    tpu.vector_store %arg9[%swap3A_232], %add3A_231 {strides = array<i32>} : memref<128xi32, #tpu.memory_space<vmem>>, vector<16xi32>,
    %add3A_234 = arith.constant 32 : i32
    %add3A_235 = arith.addi %add3A_219, %add3A_234 : i32
    %iota3A_236 = tpu.iota {dimensions = array<i32: 0>} : vector<16xi32>
    %add3A_237 = vector.broadcast %add3A_235 : i32 to vector<16xi32>
    %add3A_238 = arith.addi %add3A_237, %iota3A_236 : vector<16xi32>
    %swap3A_239 = arith.constant 32 : index
    %swap3A_240 = tpu.vector_load %arg9[%swap3A_239] {strides = array<i32>} : memref<128xi32, #tpu.memory_space<vmem>>, vector<16xi32>,
    tpu.vector_store %arg9[%swap3A_239], %add3A_238 {strides = array<i32>} : memref<128xi32, #tpu.memory_space<vmem>>, vector<16xi32>,
    %add3A_241 = arith.constant 48 : i32
    %add3A_242 = arith.addi %add3A_219, %add3A_241 : i32
    %iota3A_243 = tpu.iota {dimensions = array<i32: 0>} : vector<16xi32>
    %add3A_244 = vector.broadcast %add3A_242 : i32 to vector<16xi32>
    %add3A_245 = arith.addi %add3A_244, %iota3A_243 : vector<16xi32>
    %swap3A_246 = arith.constant 48 : index
    %swap3A_247 = tpu.vector_load %arg9[%swap3A_246] {strides = array<i32>} : memref<128xi32, #tpu.memory_space<vmem>>, vector<16xi32>,
    tpu.vector_store %arg9[%swap3A_246], %add3A_245 {strides = array<i32>} : memref<128xi32, #tpu.memory_space<vmem>>, vector<16xi32>,
    %add3A_248 = arith.constant 64 : i32
    %add3A_249 = arith.addi %add3A_219, %add3A_248 : i32
    %iota3A_250 = tpu.iota {dimensions = array<i32: 0>} : vector<16xi32>
    %add3A_251 = vector.broadcast %add3A_249 : i32 to vector<16xi32>
    %add3A_252 = arith.addi %add3A_251, %iota3A_250 : vector<16xi32>
    %swap3A_253 = arith.constant 64 : index
    %swap3A_254 = tpu.vector_load %arg9[%swap3A_253] {strides = array<i32>} : memref<128xi32, #tpu.memory_space<vmem>>, vector<16xi32>,
    tpu.vector_store %arg9[%swap3A_253], %add3A_252 {strides = array<i32>} : memref<128xi32, #tpu.memory_space<vmem>>, vector<16xi32>,
    %add3A_255 = arith.constant 80 : i32
    %add3A_256 = arith.addi %add3A_219, %add3A_255 : i32
    %iota3A_257 = tpu.iota {dimensions = array<i32: 0>} : vector<16xi32>
    %add3A_258 = vector.broadcast %add3A_256 : i32 to vector<16xi32>
    %add3A_259 = arith.addi %add3A_258, %iota3A_257 : vector<16xi32>
    %swap3A_260 = arith.constant 80 : index
    %swap3A_261 = tpu.vector_load %arg9[%swap3A_260] {strides = array<i32>} : memref<128xi32, #tpu.memory_space<vmem>>, vector<16xi32>,
    tpu.vector_store %arg9[%swap3A_260], %add3A_259 {strides = array<i32>} : memref<128xi32, #tpu.memory_space<vmem>>, vector<16xi32>,
    %add3A_262 = arith.constant 96 : i32
    %add3A_263 = arith.addi %add3A_219, %add3A_262 : i32
    %iota3A_264 = tpu.iota {dimensions = array<i32: 0>} : vector<16xi32>
    %add3A_265 = vector.broadcast %add3A_263 : i32 to vector<16xi32>
    %add3A_266 = arith.addi %add3A_265, %iota3A_264 : vector<16xi32>
    %swap3A_267 = arith.constant 96 : index
    %swap3A_268 = tpu.vector_load %arg9[%swap3A_267] {strides = array<i32>} : memref<128xi32, #tpu.memory_space<vmem>>, vector<16xi32>,
    tpu.vector_store %arg9[%swap3A_267], %add3A_266 {strides = array<i32>} : memref<128xi32, #tpu.memory_space<vmem>>, vector<16xi32>,
    %add3A_269 = arith.constant 112 : i32
    %add3A_270 = arith.addi %add3A_219, %add3A_269 : i32
    %iota3A_271 = tpu.iota {dimensions = array<i32: 0>} : vector<16xi32>
    %add3A_272 = vector.broadcast %add3A_270 : i32 to vector<16xi32>
    %add3A_273 = arith.addi %add3A_272, %iota3A_271 : vector<16xi32>
    %swap3A_274 = arith.constant 112 : index
    %swap3A_275 = tpu.vector_load %arg9[%swap3A_274] {strides = array<i32>} : memref<128xi32, #tpu.memory_space<vmem>>, vector<16xi32>,
    tpu.vector_store %arg9[%swap3A_274], %add3A_273 {strides = array<i32>} : memref<128xi32, #tpu.memory_space<vmem>>, vector<16xi32>,
    "tpu.region"() ({
      %run_scoped3A = tpu.sem_alloc : memref<!tpu.dma_semaphore, #tpu.memory_space<semaphore_mem>>
      %dma_start3A_390 = arith.constant 0 : i32
      %dma_start3A_391 = arith.constant 0 : i32
      %dma_start3A_392 = tpu.memref_slice %arg7[%dma_start3A_390, %dma_start3A_391] : memref<10240x128xf32, #tpu.memory_space<vmem_shared>> -> memref<10240x128xf32, #tpu.memory_space<vmem_shared>>
      tpu.enqueue_indirect_dma source(%arg10 : memref<128x128xf32, #tpu.memory_space<vmem>>) target(%dma_start3A_392 : memref<10240x128xf32, #tpu.memory_space<vmem_shared>>) offsets(%arg9 : memref<128xi32, #tpu.memory_space<vmem>>) semaphore(%run_scoped3A : memref<!tpu.dma_semaphore, #tpu.memory_space<semaphore_mem>>)
      %dma_wait3A_393 = arith.constant 0 : i32
      %dma_wait3A_394 = arith.constant 0 : i32
      %dma_wait3A_395 = tpu.memref_slice %arg7[%dma_wait3A_393, %dma_wait3A_394] : memref<10240x128xf32, #tpu.memory_space<vmem_shared>> -> memref<10240x128xf32, #tpu.memory_space<vmem_shared>>
      tpu.wait_indirect_dma semaphore(%run_scoped3A : memref<!tpu.dma_semaphore, #tpu.memory_space<semaphore_mem>>) src(%arg10 : memref<128x128xf32, #tpu.memory_space<vmem>>) dst(%dma_wait3A_395 : memref<10240x128xf32, #tpu.memory_space<vmem_shared>>)
      tpu.yield
    }) : () -> ()
    %dma_start3A_276 = arith.constant 512 : i32
    %dma_start3A_277 = tpu.memref_slice %arg8[%dma_start3A_276] : memref<10240xi32, #tpu.memory_space<vmem>> -> memref<128xi32, #tpu.memory_space<vmem>>
    %dma_start3A_278 = arith.constant 0 : i32
    %dma_start3A_279 = arith.constant 0 : i32
    %dma_start3A_280 = tpu.memref_slice %arg4[%dma_start3A_278, %dma_start3A_279] : memref<100000x128xf32, #tpu.memory_space<hbm>> -> memref<100000x128xf32, #tpu.memory_space<hbm>>
    tpu.enqueue_indirect_dma source(%dma_start3A_280 : memref<100000x128xf32, #tpu.memory_space<hbm>>) target(%arg10 : memref<128x128xf32, #tpu.memory_space<vmem>>) offsets(%dma_start3A_277 : memref<128xi32, #tpu.memory_space<vmem>>) semaphore(%arg16 : memref<!tpu.dma_semaphore, #tpu.memory_space<semaphore_mem>>)
    %dma_wait3A_281 = arith.constant 512 : i32
    %dma_wait3A_282 = tpu.memref_slice %arg8[%dma_wait3A_281] : memref<10240xi32, #tpu.memory_space<vmem>> -> memref<128xi32, #tpu.memory_space<vmem>>
    %dma_wait3A_283 = arith.constant 0 : i32
    %dma_wait3A_284 = arith.constant 0 : i32
    %dma_wait3A_285 = tpu.memref_slice %arg4[%dma_wait3A_283, %dma_wait3A_284] : memref<100000x128xf32, #tpu.memory_space<hbm>> -> memref<100000x128xf32, #tpu.memory_space<hbm>>
    tpu.wait_indirect_dma semaphore(%arg16 : memref<!tpu.dma_semaphore, #tpu.memory_space<semaphore_mem>>) src(%dma_wait3A_285 : memref<100000x128xf32, #tpu.memory_space<hbm>>) dst(%arg10 : memref<128x128xf32, #tpu.memory_space<vmem>>)
    %mul3A_286 = arith.constant 640 : i32
    %mul3A_287 = arith.muli %arg1, %mul3A_286 : i32
    %add3A_288 = arith.constant 512 : i32
    %add3A_289 = arith.addi %mul3A_287, %add3A_288 : i32
    %add3A_290 = arith.constant 0 : i32
    %add3A_291 = arith.addi %add3A_289, %add3A_290 : i32
    %iota3A_292 = tpu.iota {dimensions = array<i32: 0>} : vector<16xi32>
    %add3A_293 = vector.broadcast %add3A_291 : i32 to vector<16xi32>
    %add3A_294 = arith.addi %add3A_293, %iota3A_292 : vector<16xi32>
    %swap3A_295 = arith.constant 0 : index
    %swap3A_296 = tpu.vector_load %arg9[%swap3A_295] {strides = array<i32>} : memref<128xi32, #tpu.memory_space<vmem>>, vector<16xi32>,
    tpu.vector_store %arg9[%swap3A_295], %add3A_294 {strides = array<i32>} : memref<128xi32, #tpu.memory_space<vmem>>, vector<16xi32>,
    %add3A_297 = arith.constant 16 : i32
    %add3A_298 = arith.addi %add3A_289, %add3A_297 : i32
    %iota3A_299 = tpu.iota {dimensions = array<i32: 0>} : vector<16xi32>
    %add3A_300 = vector.broadcast %add3A_298 : i32 to vector<16xi32>
    %add3A_301 = arith.addi %add3A_300, %iota3A_299 : vector<16xi32>
    %swap3A_302 = arith.constant 16 : index
    %swap3A_303 = tpu.vector_load %arg9[%swap3A_302] {strides = array<i32>} : memref<128xi32, #tpu.memory_space<vmem>>, vector<16xi32>,
    tpu.vector_store %arg9[%swap3A_302], %add3A_301 {strides = array<i32>} : memref<128xi32, #tpu.memory_space<vmem>>, vector<16xi32>,
    %add3A_304 = arith.constant 32 : i32
    %add3A_305 = arith.addi %add3A_289, %add3A_304 : i32
    %iota3A_306 = tpu.iota {dimensions = array<i32: 0>} : vector<16xi32>
    %add3A_307 = vector.broadcast %add3A_305 : i32 to vector<16xi32>
    %add3A_308 = arith.addi %add3A_307, %iota3A_306 : vector<16xi32>
    %swap3A_309 = arith.constant 32 : index
    %swap3A_310 = tpu.vector_load %arg9[%swap3A_309] {strides = array<i32>} : memref<128xi32, #tpu.memory_space<vmem>>, vector<16xi32>,
    tpu.vector_store %arg9[%swap3A_309], %add3A_308 {strides = array<i32>} : memref<128xi32, #tpu.memory_space<vmem>>, vector<16xi32>,
    %add3A_311 = arith.constant 48 : i32
    %add3A_312 = arith.addi %add3A_289, %add3A_311 : i32
    %iota3A_313 = tpu.iota {dimensions = array<i32: 0>} : vector<16xi32>
    %add3A_314 = vector.broadcast %add3A_312 : i32 to vector<16xi32>
    %add3A_315 = arith.addi %add3A_314, %iota3A_313 : vector<16xi32>
    %swap3A_316 = arith.constant 48 : index
    %swap3A_317 = tpu.vector_load %arg9[%swap3A_316] {strides = array<i32>} : memref<128xi32, #tpu.memory_space<vmem>>, vector<16xi32>,
    tpu.vector_store %arg9[%swap3A_316], %add3A_315 {strides = array<i32>} : memref<128xi32, #tpu.memory_space<vmem>>, vector<16xi32>,
    %add3A_318 = arith.constant 64 : i32
    %add3A_319 = arith.addi %add3A_289, %add3A_318 : i32
    %iota3A_320 = tpu.iota {dimensions = array<i32: 0>} : vector<16xi32>
    %add3A_321 = vector.broadcast %add3A_319 : i32 to vector<16xi32>
    %add3A_322 = arith.addi %add3A_321, %iota3A_320 : vector<16xi32>
    %swap3A_323 = arith.constant 64 : index
    %swap3A_324 = tpu.vector_load %arg9[%swap3A_323] {strides = array<i32>} : memref<128xi32, #tpu.memory_space<vmem>>, vector<16xi32>,
    tpu.vector_store %arg9[%swap3A_323], %add3A_322 {strides = array<i32>} : memref<128xi32, #tpu.memory_space<vmem>>, vector<16xi32>,
    %add3A_325 = arith.constant 80 : i32
    %add3A_326 = arith.addi %add3A_289, %add3A_325 : i32
    %iota3A_327 = tpu.iota {dimensions = array<i32: 0>} : vector<16xi32>
    %add3A_328 = vector.broadcast %add3A_326 : i32 to vector<16xi32>
    %add3A_329 = arith.addi %add3A_328, %iota3A_327 : vector<16xi32>
    %swap3A_330 = arith.constant 80 : index
    %swap3A_331 = tpu.vector_load %arg9[%swap3A_330] {strides = array<i32>} : memref<128xi32, #tpu.memory_space<vmem>>, vector<16xi32>,
    tpu.vector_store %arg9[%swap3A_330], %add3A_329 {strides = array<i32>} : memref<128xi32, #tpu.memory_space<vmem>>, vector<16xi32>,
    %add3A_332 = arith.constant 96 : i32
    %add3A_333 = arith.addi %add3A_289, %add3A_332 : i32
    %iota3A_334 = tpu.iota {dimensions = array<i32: 0>} : vector<16xi32>
    %add3A_335 = vector.broadcast %add3A_333 : i32 to vector<16xi32>
    %add3A_336 = arith.addi %add3A_335, %iota3A_334 : vector<16xi32>
    %swap3A_337 = arith.constant 96 : index
    %swap3A_338 = tpu.vector_load %arg9[%swap3A_337] {strides = array<i32>} : memref<128xi32, #tpu.memory_space<vmem>>, vector<16xi32>,
    tpu.vector_store %arg9[%swap3A_337], %add3A_336 {strides = array<i32>} : memref<128xi32, #tpu.memory_space<vmem>>, vector<16xi32>,
    %add3A_339 = arith.constant 112 : i32
    %add3A_340 = arith.addi %add3A_289, %add3A_339 : i32
    %iota3A_341 = tpu.iota {dimensions = array<i32: 0>} : vector<16xi32>
    %add3A_342 = vector.broadcast %add3A_340 : i32 to vector<16xi32>
    %add3A_343 = arith.addi %add3A_342, %iota3A_341 : vector<16xi32>
    %swap3A_344 = arith.constant 112 : index
    %swap3A_345 = tpu.vector_load %arg9[%swap3A_344] {strides = array<i32>} : memref<128xi32, #tpu.memory_space<vmem>>, vector<16xi32>,
    tpu.vector_store %arg9[%swap3A_344], %add3A_343 {strides = array<i32>} : memref<128xi32, #tpu.memory_space<vmem>>, vector<16xi32>,
    "tpu.region"() ({
      %run_scoped3A = tpu.sem_alloc : memref<!tpu.dma_semaphore, #tpu.memory_space<semaphore_mem>>
      %dma_start3A_390 = arith.constant 0 : i32
      %dma_start3A_391 = arith.constant 0 : i32
      %dma_start3A_392 = tpu.memref_slice %arg7[%dma_start3A_390, %dma_start3A_391] : memref<10240x128xf32, #tpu.memory_space<vmem_shared>> -> memref<10240x128xf32, #tpu.memory_space<vmem_shared>>
      tpu.enqueue_indirect_dma source(%arg10 : memref<128x128xf32, #tpu.memory_space<vmem>>) target(%dma_start3A_392 : memref<10240x128xf32, #tpu.memory_space<vmem_shared>>) offsets(%arg9 : memref<128xi32, #tpu.memory_space<vmem>>) semaphore(%run_scoped3A : memref<!tpu.dma_semaphore, #tpu.memory_space<semaphore_mem>>)
      %dma_wait3A_393 = arith.constant 0 : i32
      %dma_wait3A_394 = arith.constant 0 : i32
      %dma_wait3A_395 = tpu.memref_slice %arg7[%dma_wait3A_393, %dma_wait3A_394] : memref<10240x128xf32, #tpu.memory_space<vmem_shared>> -> memref<10240x128xf32, #tpu.memory_space<vmem_shared>>
      tpu.wait_indirect_dma semaphore(%run_scoped3A : memref<!tpu.dma_semaphore, #tpu.memory_space<semaphore_mem>>) src(%arg10 : memref<128x128xf32, #tpu.memory_space<vmem>>) dst(%dma_wait3A_395 : memref<10240x128xf32, #tpu.memory_space<vmem_shared>>)
      tpu.yield
    }) : () -> ()
    %barrier3A = arith.constant 0 : index
    tpu.barrier barrier_id(%barrier3A)
    %mul3A_346 = arith.constant 2 : i32
    %mul3A_347 = arith.muli %arg1, %mul3A_346 : i32
    %add3A_348 = arith.addi %mul3A_347, %arg0 : i32
    %mul3A_349 = arith.constant 80 : i32
    %mul3A_350 = arith.muli %add3A_348, %mul3A_349 : i32
    %mul3A_351 = arith.constant 128 : i32
    %mul3A_352 = arith.muli %mul3A_350, %mul3A_351 : i32
    "tpu.region"() ({
      %run_scoped3A = tpu.sem_alloc : memref<!tpu.dma_semaphore, #tpu.memory_space<semaphore_mem>>
      %dma_start3A_390 = tpu.memref_slice %arg3[%mul3A_352] : memref<327680xi32, #tpu.memory_space<hbm>> -> memref<10240xi32, #tpu.memory_space<hbm>>
      %dma_start3A_391 = tpu.memref_slice %arg3[%mul3A_352] : memref<327680xi32, #tpu.memory_space<hbm>> -> memref<10240xi32, #tpu.memory_space<hbm>>
      tpu.enqueue_dma source(%dma_start3A_391 : memref<10240xi32, #tpu.memory_space<hbm>>) target(%arg8 : memref<10240xi32, #tpu.memory_space<vmem>>) target_semaphore(%run_scoped3A : memref<!tpu.dma_semaphore, #tpu.memory_space<semaphore_mem>>)
      %dma_wait3A_392 = tpu.memref_slice %arg3[%mul3A_352] : memref<327680xi32, #tpu.memory_space<hbm>> -> memref<10240xi32, #tpu.memory_space<hbm>>
      %dma_wait3A_393 = tpu.memref_slice %arg3[%mul3A_352] : memref<327680xi32, #tpu.memory_space<hbm>> -> memref<10240xi32, #tpu.memory_space<hbm>>
      tpu.wait_dma2 semaphore(%run_scoped3A : memref<!tpu.dma_semaphore, #tpu.memory_space<semaphore_mem>>) src(%dma_wait3A_393 : memref<10240xi32, #tpu.memory_space<hbm>>) dst(%arg8 : memref<10240xi32, #tpu.memory_space<vmem>>)
      tpu.yield
    }) : () -> ()
    %dma_start3A_353 = arith.constant 0 : i32
    %dma_start3A_354 = tpu.memref_slice %arg8[%dma_start3A_353] : memref<10240xi32, #tpu.memory_space<vmem>> -> memref<128xi32, #tpu.memory_space<vmem>>
    %dma_start3A_355 = arith.constant 0 : i32
    %dma_start3A_356 = arith.constant 0 : i32
    %dma_start3A_357 = tpu.memref_slice %arg7[%dma_start3A_355, %dma_start3A_356] : memref<10240x128xf32, #tpu.memory_space<vmem_shared>> -> memref<10240x128xf32, #tpu.memory_space<vmem_shared>>
    tpu.enqueue_indirect_dma source(%dma_start3A_357 : memref<10240x128xf32, #tpu.memory_space<vmem_shared>>) target(%arg10 : memref<128x128xf32, #tpu.memory_space<vmem>>) offsets(%dma_start3A_354 : memref<128xi32, #tpu.memory_space<vmem>>) semaphore(%arg16 : memref<!tpu.dma_semaphore, #tpu.memory_space<semaphore_mem>>)
    %scan3A = arith.constant 0 : i32
    %scan3A_358 = arith.constant 0 : i32
    %scan3A_359 = arith.constant 40 : i32
    %scan3A_360 = arith.addi %scan3A_358, %scan3A_359 : i32
    %scan3A_361 = arith.constant 1 : i32
    scf.for %scan3A_390 = %scan3A_358 to %scan3A_360 step %scan3A_361  : i32 {
      %mul3A_391 = arith.constant 2 : i32
      %mul3A_392 = arith.muli %mul3A_391, %scan3A_390 : i32
      %add3A_393 = arith.constant 1 : i32
      %add3A_394 = arith.addi %mul3A_392, %add3A_393 : i32
      %mul3A_395 = arith.constant 128 : i32
      %mul3A_396 = arith.muli %add3A_394, %mul3A_395 : i32
      %dma_start3A_397 = tpu.memref_slice %arg8[%mul3A_396] : memref<10240xi32, #tpu.memory_space<vmem>> -> memref<128xi32, #tpu.memory_space<vmem>>
      %dma_start3A_398 = arith.constant 0 : i32
      %dma_start3A_399 = arith.constant 0 : i32
      %dma_start3A_400 = tpu.memref_slice %arg7[%dma_start3A_398, %dma_start3A_399] : memref<10240x128xf32, #tpu.memory_space<vmem_shared>> -> memref<10240x128xf32, #tpu.memory_space<vmem_shared>>
      tpu.enqueue_indirect_dma source(%dma_start3A_400 : memref<10240x128xf32, #tpu.memory_space<vmem_shared>>) target(%arg11 : memref<128x128xf32, #tpu.memory_space<vmem>>) offsets(%dma_start3A_397 : memref<128xi32, #tpu.memory_space<vmem>>) semaphore(%arg17 : memref<!tpu.dma_semaphore, #tpu.memory_space<semaphore_mem>>)
      %ge3A = arith.constant 1 : i32
      %ge3A_401 = arith.cmpi sge, %scan3A_390, %ge3A : i32
      %add3A_402 = arith.addi %mul3A_350, %mul3A_392 : i32
      %mul3A_403 = arith.constant 4 : i32
      %mul3A_404 = arith.muli %add3A_402, %mul3A_403 : i32
      %convert_element_type3A = arith.extui %ge3A_401 : i1 to i32
      %cond3A = arith.constant 0 : i32
      %cond3A_405 = arith.cmpi ne, %convert_element_type3A, %cond3A : i32
      scf.if %cond3A_405 {
        %dma_wait3A_460 = arith.constant 0 : i32
        %dma_wait3A_461 = tpu.memref_slice %arg5[%mul3A_404, %dma_wait3A_460] : memref<10240x128xf32, #tpu.memory_space<hbm>> -> memref<4x128xf32, #tpu.memory_space<hbm>>
        %dma_wait3A_462 = arith.constant 0 : i32
        %dma_wait3A_463 = tpu.memref_slice %arg5[%mul3A_404, %dma_wait3A_462] : memref<10240x128xf32, #tpu.memory_space<hbm>> -> memref<4x128xf32, #tpu.memory_space<hbm>>
        tpu.wait_dma2 semaphore(%arg18 : memref<!tpu.dma_semaphore, #tpu.memory_space<semaphore_mem>>) src(%arg12 : memref<4x128xf32, #tpu.memory_space<vmem>>) dst(%dma_wait3A_463 : memref<4x128xf32, #tpu.memory_space<hbm>>)
        %dma_wait3A_464 = arith.constant 0 : i32
        %dma_wait3A_465 = tpu.memref_slice %arg6[%mul3A_404, %dma_wait3A_464] : memref<10240x128xf32, #tpu.memory_space<hbm>> -> memref<4x128xf32, #tpu.memory_space<hbm>>
        %dma_wait3A_466 = arith.constant 0 : i32
        %dma_wait3A_467 = tpu.memref_slice %arg6[%mul3A_404, %dma_wait3A_466] : memref<10240x128xf32, #tpu.memory_space<hbm>> -> memref<4x128xf32, #tpu.memory_space<hbm>>
        tpu.wait_dma2 semaphore(%arg20 : memref<!tpu.dma_semaphore, #tpu.memory_space<semaphore_mem>>) src(%arg14 : memref<4x128xf32, #tpu.memory_space<vmem>>) dst(%dma_wait3A_467 : memref<4x128xf32, #tpu.memory_space<hbm>>)
      } else {
      }
      %mul3A_406 = arith.constant 128 : i32
      %mul3A_407 = arith.muli %mul3A_392, %mul3A_406 : i32
      %dma_wait3A_408 = tpu.memref_slice %arg8[%mul3A_407] : memref<10240xi32, #tpu.memory_space<vmem>> -> memref<128xi32, #tpu.memory_space<vmem>>
      %dma_wait3A_409 = arith.constant 0 : i32
      %dma_wait3A_410 = arith.constant 0 : i32
      %dma_wait3A_411 = tpu.memref_slice %arg7[%dma_wait3A_409, %dma_wait3A_410] : memref<10240x128xf32, #tpu.memory_space<vmem_shared>> -> memref<10240x128xf32, #tpu.memory_space<vmem_shared>>
      tpu.wait_indirect_dma semaphore(%arg16 : memref<!tpu.dma_semaphore, #tpu.memory_space<semaphore_mem>>) src(%dma_wait3A_411 : memref<10240x128xf32, #tpu.memory_space<vmem_shared>>) dst(%arg10 : memref<128x128xf32, #tpu.memory_space<vmem>>)
      %scan3A_412 = arith.constant 0 : i32
      %scan3A_413 = arith.constant 0 : i32
      %scan3A_414 = arith.constant 4 : i32
      %scan3A_415 = arith.addi %scan3A_413, %scan3A_414 : i32
      %scan3A_416 = arith.constant 1 : i32
      scf.for %scan3A_460 = %scan3A_413 to %scan3A_415 step %scan3A_416  : i32 {
        %mul3A_461 = arith.constant 32 : i32
        %mul3A_462 = arith.muli %scan3A_460, %mul3A_461 : i32
        %broadcast_in_dim3A = arith.constant 0.000000e+00 : f32
        %broadcast_in_dim3A_463 = vector.broadcast %broadcast_in_dim3A : f32 to vector<16xf32>
        %scan3A_464 = arith.constant 0 : i32
        %scan3A_465 = arith.constant 4 : i32
        %scan3A_466 = arith.addi %scan3A_464, %scan3A_465 : i32
        %scan3A_467 = arith.constant 1 : i32
        %scan3A_468:8 = scf.for %scan3A_573 = %scan3A_464 to %scan3A_466 step %scan3A_467 iter_args(%scan3A_574 = %broadcast_in_dim3A_463, %scan3A_575 = %broadcast_in_dim3A_463, %scan3A_576 = %broadcast_in_dim3A_463, %scan3A_577 = %broadcast_in_dim3A_463, %scan3A_578 = %broadcast_in_dim3A_463, %scan3A_579 = %broadcast_in_dim3A_463, %scan3A_580 = %broadcast_in_dim3A_463, %scan3A_581 = %broadcast_in_dim3A_463) -> (vector<16xf32>, vector<16xf32>, vector<16xf32>, vector<16xf32>, vector<16xf32>, vector<16xf32>, vector<16xf32>, vector<16xf32>)  : i32 {
          %mul3A_582 = arith.constant 8 : i32
          %mul3A_583 = arith.muli %scan3A_573, %mul3A_582 : i32
          %add3A_584 = arith.addi %mul3A_462, %mul3A_583 : i32
          %add3A_585 = arith.constant 0 : i32
          %add3A_586 = arith.addi %add3A_584, %add3A_585 : i32
          %get3A_587 = arith.index_cast %add3A_586 : i32 to index
          %get3A_588 = arith.constant 0 : index
          %get3A_589 = tpu.vector_load %arg10[%get3A_587, %get3A_588] {strides = array<i32>} : memref<128x128xf32, #tpu.memory_space<vmem>>, vector<16xf32>,
          %add3A_590 = arith.addf %scan3A_574, %get3A_589 : vector<16xf32>
          %add3A_591 = arith.constant 0 : i32
          %add3A_592 = arith.addi %add3A_584, %add3A_591 : i32
          %get3A_593 = arith.index_cast %add3A_592 : i32 to index
          %get3A_594 = arith.constant 16 : index
          %get3A_595 = tpu.vector_load %arg10[%get3A_593, %get3A_594] {strides = array<i32>} : memref<128x128xf32, #tpu.memory_space<vmem>>, vector<16xf32>,
          %add3A_596 = arith.addf %scan3A_575, %get3A_595 : vector<16xf32>
          %add3A_597 = arith.constant 0 : i32
          %add3A_598 = arith.addi %add3A_584, %add3A_597 : i32
          %get3A_599 = arith.index_cast %add3A_598 : i32 to index
          %get3A_600 = arith.constant 32 : index
          %get3A_601 = tpu.vector_load %arg10[%get3A_599, %get3A_600] {strides = array<i32>} : memref<128x128xf32, #tpu.memory_space<vmem>>, vector<16xf32>,
          %add3A_602 = arith.addf %scan3A_576, %get3A_601 : vector<16xf32>
          %add3A_603 = arith.constant 0 : i32
          %add3A_604 = arith.addi %add3A_584, %add3A_603 : i32
          %get3A_605 = arith.index_cast %add3A_604 : i32 to index
          %get3A_606 = arith.constant 48 : index
          %get3A_607 = tpu.vector_load %arg10[%get3A_605, %get3A_606] {strides = array<i32>} : memref<128x128xf32, #tpu.memory_space<vmem>>, vector<16xf32>,
          %add3A_608 = arith.addf %scan3A_577, %get3A_607 : vector<16xf32>
          %add3A_609 = arith.constant 0 : i32
          %add3A_610 = arith.addi %add3A_584, %add3A_609 : i32
          %get3A_611 = arith.index_cast %add3A_610 : i32 to index
          %get3A_612 = arith.constant 64 : index
          %get3A_613 = tpu.vector_load %arg10[%get3A_611, %get3A_612] {strides = array<i32>} : memref<128x128xf32, #tpu.memory_space<vmem>>, vector<16xf32>,
          %add3A_614 = arith.addf %scan3A_578, %get3A_613 : vector<16xf32>
          %add3A_615 = arith.constant 0 : i32
          %add3A_616 = arith.addi %add3A_584, %add3A_615 : i32
          %get3A_617 = arith.index_cast %add3A_616 : i32 to index
          %get3A_618 = arith.constant 80 : index
          %get3A_619 = tpu.vector_load %arg10[%get3A_617, %get3A_618] {strides = array<i32>} : memref<128x128xf32, #tpu.memory_space<vmem>>, vector<16xf32>,
          %add3A_620 = arith.addf %scan3A_579, %get3A_619 : vector<16xf32>
          %add3A_621 = arith.constant 0 : i32
          %add3A_622 = arith.addi %add3A_584, %add3A_621 : i32
          %get3A_623 = arith.index_cast %add3A_622 : i32 to index
          %get3A_624 = arith.constant 96 : index
          %get3A_625 = tpu.vector_load %arg10[%get3A_623, %get3A_624] {strides = array<i32>} : memref<128x128xf32, #tpu.memory_space<vmem>>, vector<16xf32>,
          %add3A_626 = arith.addf %scan3A_580, %get3A_625 : vector<16xf32>
          %add3A_627 = arith.constant 0 : i32
          %add3A_628 = arith.addi %add3A_584, %add3A_627 : i32
          %get3A_629 = arith.index_cast %add3A_628 : i32 to index
          %get3A_630 = arith.constant 112 : index
          %get3A_631 = tpu.vector_load %arg10[%get3A_629, %get3A_630] {strides = array<i32>} : memref<128x128xf32, #tpu.memory_space<vmem>>, vector<16xf32>,
          %add3A_632 = arith.addf %scan3A_581, %get3A_631 : vector<16xf32>
          %add3A_633 = arith.constant 1 : i32
          %add3A_634 = arith.addi %add3A_584, %add3A_633 : i32
          %get3A_635 = arith.index_cast %add3A_634 : i32 to index
          %get3A_636 = arith.constant 0 : index
          %get3A_637 = tpu.vector_load %arg10[%get3A_635, %get3A_636] {strides = array<i32>} : memref<128x128xf32, #tpu.memory_space<vmem>>, vector<16xf32>,
          %add3A_638 = arith.addf %add3A_590, %get3A_637 : vector<16xf32>
          %add3A_639 = arith.constant 1 : i32
          %add3A_640 = arith.addi %add3A_584, %add3A_639 : i32
          %get3A_641 = arith.index_cast %add3A_640 : i32 to index
          %get3A_642 = arith.constant 16 : index
          %get3A_643 = tpu.vector_load %arg10[%get3A_641, %get3A_642] {strides = array<i32>} : memref<128x128xf32, #tpu.memory_space<vmem>>, vector<16xf32>,
          %add3A_644 = arith.addf %add3A_596, %get3A_643 : vector<16xf32>
          %add3A_645 = arith.constant 1 : i32
          %add3A_646 = arith.addi %add3A_584, %add3A_645 : i32
          %get3A_647 = arith.index_cast %add3A_646 : i32 to index
          %get3A_648 = arith.constant 32 : index
          %get3A_649 = tpu.vector_load %arg10[%get3A_647, %get3A_648] {strides = array<i32>} : memref<128x128xf32, #tpu.memory_space<vmem>>, vector<16xf32>,
          %add3A_650 = arith.addf %add3A_602, %get3A_649 : vector<16xf32>
          %add3A_651 = arith.constant 1 : i32
          %add3A_652 = arith.addi %add3A_584, %add3A_651 : i32
          %get3A_653 = arith.index_cast %add3A_652 : i32 to index
          %get3A_654 = arith.constant 48 : index
          %get3A_655 = tpu.vector_load %arg10[%get3A_653, %get3A_654] {strides = array<i32>} : memref<128x128xf32, #tpu.memory_space<vmem>>, vector<16xf32>,
          %add3A_656 = arith.addf %add3A_608, %get3A_655 : vector<16xf32>
          %add3A_657 = arith.constant 1 : i32
          %add3A_658 = arith.addi %add3A_584, %add3A_657 : i32
          %get3A_659 = arith.index_cast %add3A_658 : i32 to index
          %get3A_660 = arith.constant 64 : index
          %get3A_661 = tpu.vector_load %arg10[%get3A_659, %get3A_660] {strides = array<i32>} : memref<128x128xf32, #tpu.memory_space<vmem>>, vector<16xf32>,
          %add3A_662 = arith.addf %add3A_614, %get3A_661 : vector<16xf32>
          %add3A_663 = arith.constant 1 : i32
          %add3A_664 = arith.addi %add3A_584, %add3A_663 : i32
          %get3A_665 = arith.index_cast %add3A_664 : i32 to index
          %get3A_666 = arith.constant 80 : index
          %get3A_667 = tpu.vector_load %arg10[%get3A_665, %get3A_666] {strides = array<i32>} : memref<128x128xf32, #tpu.memory_space<vmem>>, vector<16xf32>,
          %add3A_668 = arith.addf %add3A_620, %get3A_667 : vector<16xf32>
          %add3A_669 = arith.constant 1 : i32
          %add3A_670 = arith.addi %add3A_584, %add3A_669 : i32
          %get3A_671 = arith.index_cast %add3A_670 : i32 to index
          %get3A_672 = arith.constant 96 : index
          %get3A_673 = tpu.vector_load %arg10[%get3A_671, %get3A_672] {strides = array<i32>} : memref<128x128xf32, #tpu.memory_space<vmem>>, vector<16xf32>,
          %add3A_674 = arith.addf %add3A_626, %get3A_673 : vector<16xf32>
          %add3A_675 = arith.constant 1 : i32
          %add3A_676 = arith.addi %add3A_584, %add3A_675 : i32
          %get3A_677 = arith.index_cast %add3A_676 : i32 to index
          %get3A_678 = arith.constant 112 : index
          %get3A_679 = tpu.vector_load %arg10[%get3A_677, %get3A_678] {strides = array<i32>} : memref<128x128xf32, #tpu.memory_space<vmem>>, vector<16xf32>,
          %add3A_680 = arith.addf %add3A_632, %get3A_679 : vector<16xf32>
          %add3A_681 = arith.constant 2 : i32
          %add3A_682 = arith.addi %add3A_584, %add3A_681 : i32
          %get3A_683 = arith.index_cast %add3A_682 : i32 to index
          %get3A_684 = arith.constant 0 : index
          %get3A_685 = tpu.vector_load %arg10[%get3A_683, %get3A_684] {strides = array<i32>} : memref<128x128xf32, #tpu.memory_space<vmem>>, vector<16xf32>,
          %add3A_686 = arith.addf %add3A_638, %get3A_685 : vector<16xf32>
          %add3A_687 = arith.constant 2 : i32
          %add3A_688 = arith.addi %add3A_584, %add3A_687 : i32
          %get3A_689 = arith.index_cast %add3A_688 : i32 to index
          %get3A_690 = arith.constant 16 : index
          %get3A_691 = tpu.vector_load %arg10[%get3A_689, %get3A_690] {strides = array<i32>} : memref<128x128xf32, #tpu.memory_space<vmem>>, vector<16xf32>,
          %add3A_692 = arith.addf %add3A_644, %get3A_691 : vector<16xf32>
          %add3A_693 = arith.constant 2 : i32
          %add3A_694 = arith.addi %add3A_584, %add3A_693 : i32
          %get3A_695 = arith.index_cast %add3A_694 : i32 to index
          %get3A_696 = arith.constant 32 : index
          %get3A_697 = tpu.vector_load %arg10[%get3A_695, %get3A_696] {strides = array<i32>} : memref<128x128xf32, #tpu.memory_space<vmem>>, vector<16xf32>,
          %add3A_698 = arith.addf %add3A_650, %get3A_697 : vector<16xf32>
          %add3A_699 = arith.constant 2 : i32
          %add3A_700 = arith.addi %add3A_584, %add3A_699 : i32
          %get3A_701 = arith.index_cast %add3A_700 : i32 to index
          %get3A_702 = arith.constant 48 : index
          %get3A_703 = tpu.vector_load %arg10[%get3A_701, %get3A_702] {strides = array<i32>} : memref<128x128xf32, #tpu.memory_space<vmem>>, vector<16xf32>,
          %add3A_704 = arith.addf %add3A_656, %get3A_703 : vector<16xf32>
          %add3A_705 = arith.constant 2 : i32
          %add3A_706 = arith.addi %add3A_584, %add3A_705 : i32
          %get3A_707 = arith.index_cast %add3A_706 : i32 to index
          %get3A_708 = arith.constant 64 : index
          %get3A_709 = tpu.vector_load %arg10[%get3A_707, %get3A_708] {strides = array<i32>} : memref<128x128xf32, #tpu.memory_space<vmem>>, vector<16xf32>,
          %add3A_710 = arith.addf %add3A_662, %get3A_709 : vector<16xf32>
          %add3A_711 = arith.constant 2 : i32
          %add3A_712 = arith.addi %add3A_584, %add3A_711 : i32
          %get3A_713 = arith.index_cast %add3A_712 : i32 to index
          %get3A_714 = arith.constant 80 : index
          %get3A_715 = tpu.vector_load %arg10[%get3A_713, %get3A_714] {strides = array<i32>} : memref<128x128xf32, #tpu.memory_space<vmem>>, vector<16xf32>,
          %add3A_716 = arith.addf %add3A_668, %get3A_715 : vector<16xf32>
          %add3A_717 = arith.constant 2 : i32
          %add3A_718 = arith.addi %add3A_584, %add3A_717 : i32
          %get3A_719 = arith.index_cast %add3A_718 : i32 to index
          %get3A_720 = arith.constant 96 : index
          %get3A_721 = tpu.vector_load %arg10[%get3A_719, %get3A_720] {strides = array<i32>} : memref<128x128xf32, #tpu.memory_space<vmem>>, vector<16xf32>,
          %add3A_722 = arith.addf %add3A_674, %get3A_721 : vector<16xf32>
          %add3A_723 = arith.constant 2 : i32
          %add3A_724 = arith.addi %add3A_584, %add3A_723 : i32
          %get3A_725 = arith.index_cast %add3A_724 : i32 to index
          %get3A_726 = arith.constant 112 : index
          %get3A_727 = tpu.vector_load %arg10[%get3A_725, %get3A_726] {strides = array<i32>} : memref<128x128xf32, #tpu.memory_space<vmem>>, vector<16xf32>,
          %add3A_728 = arith.addf %add3A_680, %get3A_727 : vector<16xf32>
          %add3A_729 = arith.constant 3 : i32
          %add3A_730 = arith.addi %add3A_584, %add3A_729 : i32
          %get3A_731 = arith.index_cast %add3A_730 : i32 to index
          %get3A_732 = arith.constant 0 : index
          %get3A_733 = tpu.vector_load %arg10[%get3A_731, %get3A_732] {strides = array<i32>} : memref<128x128xf32, #tpu.memory_space<vmem>>, vector<16xf32>,
          %add3A_734 = arith.addf %add3A_686, %get3A_733 : vector<16xf32>
          %add3A_735 = arith.constant 3 : i32
          %add3A_736 = arith.addi %add3A_584, %add3A_735 : i32
          %get3A_737 = arith.index_cast %add3A_736 : i32 to index
          %get3A_738 = arith.constant 16 : index
          %get3A_739 = tpu.vector_load %arg10[%get3A_737, %get3A_738] {strides = array<i32>} : memref<128x128xf32, #tpu.memory_space<vmem>>, vector<16xf32>,
          %add3A_740 = arith.addf %add3A_692, %get3A_739 : vector<16xf32>
          %add3A_741 = arith.constant 3 : i32
          %add3A_742 = arith.addi %add3A_584, %add3A_741 : i32
          %get3A_743 = arith.index_cast %add3A_742 : i32 to index
          %get3A_744 = arith.constant 32 : index
          %get3A_745 = tpu.vector_load %arg10[%get3A_743, %get3A_744] {strides = array<i32>} : memref<128x128xf32, #tpu.memory_space<vmem>>, vector<16xf32>,
          %add3A_746 = arith.addf %add3A_698, %get3A_745 : vector<16xf32>
          %add3A_747 = arith.constant 3 : i32
          %add3A_748 = arith.addi %add3A_584, %add3A_747 : i32
          %get3A_749 = arith.index_cast %add3A_748 : i32 to index
          %get3A_750 = arith.constant 48 : index
          %get3A_751 = tpu.vector_load %arg10[%get3A_749, %get3A_750] {strides = array<i32>} : memref<128x128xf32, #tpu.memory_space<vmem>>, vector<16xf32>,
          %add3A_752 = arith.addf %add3A_704, %get3A_751 : vector<16xf32>
          %add3A_753 = arith.constant 3 : i32
          %add3A_754 = arith.addi %add3A_584, %add3A_753 : i32
          %get3A_755 = arith.index_cast %add3A_754 : i32 to index
          %get3A_756 = arith.constant 64 : index
          %get3A_757 = tpu.vector_load %arg10[%get3A_755, %get3A_756] {strides = array<i32>} : memref<128x128xf32, #tpu.memory_space<vmem>>, vector<16xf32>,
          %add3A_758 = arith.addf %add3A_710, %get3A_757 : vector<16xf32>
          %add3A_759 = arith.constant 3 : i32
          %add3A_760 = arith.addi %add3A_584, %add3A_759 : i32
          %get3A_761 = arith.index_cast %add3A_760 : i32 to index
          %get3A_762 = arith.constant 80 : index
          %get3A_763 = tpu.vector_load %arg10[%get3A_761, %get3A_762] {strides = array<i32>} : memref<128x128xf32, #tpu.memory_space<vmem>>, vector<16xf32>,
          %add3A_764 = arith.addf %add3A_716, %get3A_763 : vector<16xf32>
          %add3A_765 = arith.constant 3 : i32
          %add3A_766 = arith.addi %add3A_584, %add3A_765 : i32
          %get3A_767 = arith.index_cast %add3A_766 : i32 to index
          %get3A_768 = arith.constant 96 : index
          %get3A_769 = tpu.vector_load %arg10[%get3A_767, %get3A_768] {strides = array<i32>} : memref<128x128xf32, #tpu.memory_space<vmem>>, vector<16xf32>,
          %add3A_770 = arith.addf %add3A_722, %get3A_769 : vector<16xf32>
          %add3A_771 = arith.constant 3 : i32
          %add3A_772 = arith.addi %add3A_584, %add3A_771 : i32
          %get3A_773 = arith.index_cast %add3A_772 : i32 to index
          %get3A_774 = arith.constant 112 : index
          %get3A_775 = tpu.vector_load %arg10[%get3A_773, %get3A_774] {strides = array<i32>} : memref<128x128xf32, #tpu.memory_space<vmem>>, vector<16xf32>,
          %add3A_776 = arith.addf %add3A_728, %get3A_775 : vector<16xf32>
          %add3A_777 = arith.constant 4 : i32
          %add3A_778 = arith.addi %add3A_584, %add3A_777 : i32
          %get3A_779 = arith.index_cast %add3A_778 : i32 to index
          %get3A_780 = arith.constant 0 : index
          %get3A_781 = tpu.vector_load %arg10[%get3A_779, %get3A_780] {strides = array<i32>} : memref<128x128xf32, #tpu.memory_space<vmem>>, vector<16xf32>,
          %add3A_782 = arith.addf %add3A_734, %get3A_781 : vector<16xf32>
          %add3A_783 = arith.constant 4 : i32
          %add3A_784 = arith.addi %add3A_584, %add3A_783 : i32
          %get3A_785 = arith.index_cast %add3A_784 : i32 to index
          %get3A_786 = arith.constant 16 : index
          %get3A_787 = tpu.vector_load %arg10[%get3A_785, %get3A_786] {strides = array<i32>} : memref<128x128xf32, #tpu.memory_space<vmem>>, vector<16xf32>,
          %add3A_788 = arith.addf %add3A_740, %get3A_787 : vector<16xf32>
          %add3A_789 = arith.constant 4 : i32
          %add3A_790 = arith.addi %add3A_584, %add3A_789 : i32
          %get3A_791 = arith.index_cast %add3A_790 : i32 to index
          %get3A_792 = arith.constant 32 : index
          %get3A_793 = tpu.vector_load %arg10[%get3A_791, %get3A_792] {strides = array<i32>} : memref<128x128xf32, #tpu.memory_space<vmem>>, vector<16xf32>,
          %add3A_794 = arith.addf %add3A_746, %get3A_793 : vector<16xf32>
          %add3A_795 = arith.constant 4 : i32
          %add3A_796 = arith.addi %add3A_584, %add3A_795 : i32
          %get3A_797 = arith.index_cast %add3A_796 : i32 to index
          %get3A_798 = arith.constant 48 : index
          %get3A_799 = tpu.vector_load %arg10[%get3A_797, %get3A_798] {strides = array<i32>} : memref<128x128xf32, #tpu.memory_space<vmem>>, vector<16xf32>,
          %add3A_800 = arith.addf %add3A_752, %get3A_799 : vector<16xf32>
          %add3A_801 = arith.constant 4 : i32
          %add3A_802 = arith.addi %add3A_584, %add3A_801 : i32
          %get3A_803 = arith.index_cast %add3A_802 : i32 to index
          %get3A_804 = arith.constant 64 : index
          %get3A_805 = tpu.vector_load %arg10[%get3A_803, %get3A_804] {strides = array<i32>} : memref<128x128xf32, #tpu.memory_space<vmem>>, vector<16xf32>,
          %add3A_806 = arith.addf %add3A_758, %get3A_805 : vector<16xf32>
          %add3A_807 = arith.constant 4 : i32
          %add3A_808 = arith.addi %add3A_584, %add3A_807 : i32
          %get3A_809 = arith.index_cast %add3A_808 : i32 to index
          %get3A_810 = arith.constant 80 : index
          %get3A_811 = tpu.vector_load %arg10[%get3A_809, %get3A_810] {strides = array<i32>} : memref<128x128xf32, #tpu.memory_space<vmem>>, vector<16xf32>,
          %add3A_812 = arith.addf %add3A_764, %get3A_811 : vector<16xf32>
          %add3A_813 = arith.constant 4 : i32
          %add3A_814 = arith.addi %add3A_584, %add3A_813 : i32
          %get3A_815 = arith.index_cast %add3A_814 : i32 to index
          %get3A_816 = arith.constant 96 : index
          %get3A_817 = tpu.vector_load %arg10[%get3A_815, %get3A_816] {strides = array<i32>} : memref<128x128xf32, #tpu.memory_space<vmem>>, vector<16xf32>,
          %add3A_818 = arith.addf %add3A_770, %get3A_817 : vector<16xf32>
          %add3A_819 = arith.constant 4 : i32
          %add3A_820 = arith.addi %add3A_584, %add3A_819 : i32
          %get3A_821 = arith.index_cast %add3A_820 : i32 to index
          %get3A_822 = arith.constant 112 : index
          %get3A_823 = tpu.vector_load %arg10[%get3A_821, %get3A_822] {strides = array<i32>} : memref<128x128xf32, #tpu.memory_space<vmem>>, vector<16xf32>,
          %add3A_824 = arith.addf %add3A_776, %get3A_823 : vector<16xf32>
          %add3A_825 = arith.constant 5 : i32
          %add3A_826 = arith.addi %add3A_584, %add3A_825 : i32
          %get3A_827 = arith.index_cast %add3A_826 : i32 to index
          %get3A_828 = arith.constant 0 : index
          %get3A_829 = tpu.vector_load %arg10[%get3A_827, %get3A_828] {strides = array<i32>} : memref<128x128xf32, #tpu.memory_space<vmem>>, vector<16xf32>,
          %add3A_830 = arith.addf %add3A_782, %get3A_829 : vector<16xf32>
          %add3A_831 = arith.constant 5 : i32
          %add3A_832 = arith.addi %add3A_584, %add3A_831 : i32
          %get3A_833 = arith.index_cast %add3A_832 : i32 to index
          %get3A_834 = arith.constant 16 : index
          %get3A_835 = tpu.vector_load %arg10[%get3A_833, %get3A_834] {strides = array<i32>} : memref<128x128xf32, #tpu.memory_space<vmem>>, vector<16xf32>,
          %add3A_836 = arith.addf %add3A_788, %get3A_835 : vector<16xf32>
          %add3A_837 = arith.constant 5 : i32
          %add3A_838 = arith.addi %add3A_584, %add3A_837 : i32
          %get3A_839 = arith.index_cast %add3A_838 : i32 to index
          %get3A_840 = arith.constant 32 : index
          %get3A_841 = tpu.vector_load %arg10[%get3A_839, %get3A_840] {strides = array<i32>} : memref<128x128xf32, #tpu.memory_space<vmem>>, vector<16xf32>,
          %add3A_842 = arith.addf %add3A_794, %get3A_841 : vector<16xf32>
          %add3A_843 = arith.constant 5 : i32
          %add3A_844 = arith.addi %add3A_584, %add3A_843 : i32
          %get3A_845 = arith.index_cast %add3A_844 : i32 to index
          %get3A_846 = arith.constant 48 : index
          %get3A_847 = tpu.vector_load %arg10[%get3A_845, %get3A_846] {strides = array<i32>} : memref<128x128xf32, #tpu.memory_space<vmem>>, vector<16xf32>,
          %add3A_848 = arith.addf %add3A_800, %get3A_847 : vector<16xf32>
          %add3A_849 = arith.constant 5 : i32
          %add3A_850 = arith.addi %add3A_584, %add3A_849 : i32
          %get3A_851 = arith.index_cast %add3A_850 : i32 to index
          %get3A_852 = arith.constant 64 : index
          %get3A_853 = tpu.vector_load %arg10[%get3A_851, %get3A_852] {strides = array<i32>} : memref<128x128xf32, #tpu.memory_space<vmem>>, vector<16xf32>,
          %add3A_854 = arith.addf %add3A_806, %get3A_853 : vector<16xf32>
          %add3A_855 = arith.constant 5 : i32
          %add3A_856 = arith.addi %add3A_584, %add3A_855 : i32
          %get3A_857 = arith.index_cast %add3A_856 : i32 to index
          %get3A_858 = arith.constant 80 : index
          %get3A_859 = tpu.vector_load %arg10[%get3A_857, %get3A_858] {strides = array<i32>} : memref<128x128xf32, #tpu.memory_space<vmem>>, vector<16xf32>,
          %add3A_860 = arith.addf %add3A_812, %get3A_859 : vector<16xf32>
          %add3A_861 = arith.constant 5 : i32
          %add3A_862 = arith.addi %add3A_584, %add3A_861 : i32
          %get3A_863 = arith.index_cast %add3A_862 : i32 to index
          %get3A_864 = arith.constant 96 : index
          %get3A_865 = tpu.vector_load %arg10[%get3A_863, %get3A_864] {strides = array<i32>} : memref<128x128xf32, #tpu.memory_space<vmem>>, vector<16xf32>,
          %add3A_866 = arith.addf %add3A_818, %get3A_865 : vector<16xf32>
          %add3A_867 = arith.constant 5 : i32
          %add3A_868 = arith.addi %add3A_584, %add3A_867 : i32
          %get3A_869 = arith.index_cast %add3A_868 : i32 to index
          %get3A_870 = arith.constant 112 : index
          %get3A_871 = tpu.vector_load %arg10[%get3A_869, %get3A_870] {strides = array<i32>} : memref<128x128xf32, #tpu.memory_space<vmem>>, vector<16xf32>,
          %add3A_872 = arith.addf %add3A_824, %get3A_871 : vector<16xf32>
          %add3A_873 = arith.constant 6 : i32
          %add3A_874 = arith.addi %add3A_584, %add3A_873 : i32
          %get3A_875 = arith.index_cast %add3A_874 : i32 to index
          %get3A_876 = arith.constant 0 : index
          %get3A_877 = tpu.vector_load %arg10[%get3A_875, %get3A_876] {strides = array<i32>} : memref<128x128xf32, #tpu.memory_space<vmem>>, vector<16xf32>,
          %add3A_878 = arith.addf %add3A_830, %get3A_877 : vector<16xf32>
          %add3A_879 = arith.constant 6 : i32
          %add3A_880 = arith.addi %add3A_584, %add3A_879 : i32
          %get3A_881 = arith.index_cast %add3A_880 : i32 to index
          %get3A_882 = arith.constant 16 : index
          %get3A_883 = tpu.vector_load %arg10[%get3A_881, %get3A_882] {strides = array<i32>} : memref<128x128xf32, #tpu.memory_space<vmem>>, vector<16xf32>,
          %add3A_884 = arith.addf %add3A_836, %get3A_883 : vector<16xf32>
          %add3A_885 = arith.constant 6 : i32
          %add3A_886 = arith.addi %add3A_584, %add3A_885 : i32
          %get3A_887 = arith.index_cast %add3A_886 : i32 to index
          %get3A_888 = arith.constant 32 : index
          %get3A_889 = tpu.vector_load %arg10[%get3A_887, %get3A_888] {strides = array<i32>} : memref<128x128xf32, #tpu.memory_space<vmem>>, vector<16xf32>,
          %add3A_890 = arith.addf %add3A_842, %get3A_889 : vector<16xf32>
          %add3A_891 = arith.constant 6 : i32
          %add3A_892 = arith.addi %add3A_584, %add3A_891 : i32
          %get3A_893 = arith.index_cast %add3A_892 : i32 to index
          %get3A_894 = arith.constant 48 : index
          %get3A_895 = tpu.vector_load %arg10[%get3A_893, %get3A_894] {strides = array<i32>} : memref<128x128xf32, #tpu.memory_space<vmem>>, vector<16xf32>,
          %add3A_896 = arith.addf %add3A_848, %get3A_895 : vector<16xf32>
          %add3A_897 = arith.constant 6 : i32
          %add3A_898 = arith.addi %add3A_584, %add3A_897 : i32
          %get3A_899 = arith.index_cast %add3A_898 : i32 to index
          %get3A_900 = arith.constant 64 : index
          %get3A_901 = tpu.vector_load %arg10[%get3A_899, %get3A_900] {strides = array<i32>} : memref<128x128xf32, #tpu.memory_space<vmem>>, vector<16xf32>,
          %add3A_902 = arith.addf %add3A_854, %get3A_901 : vector<16xf32>
          %add3A_903 = arith.constant 6 : i32
          %add3A_904 = arith.addi %add3A_584, %add3A_903 : i32
          %get3A_905 = arith.index_cast %add3A_904 : i32 to index
          %get3A_906 = arith.constant 80 : index
          %get3A_907 = tpu.vector_load %arg10[%get3A_905, %get3A_906] {strides = array<i32>} : memref<128x128xf32, #tpu.memory_space<vmem>>, vector<16xf32>,
          %add3A_908 = arith.addf %add3A_860, %get3A_907 : vector<16xf32>
          %add3A_909 = arith.constant 6 : i32
          %add3A_910 = arith.addi %add3A_584, %add3A_909 : i32
          %get3A_911 = arith.index_cast %add3A_910 : i32 to index
          %get3A_912 = arith.constant 96 : index
          %get3A_913 = tpu.vector_load %arg10[%get3A_911, %get3A_912] {strides = array<i32>} : memref<128x128xf32, #tpu.memory_space<vmem>>, vector<16xf32>,
          %add3A_914 = arith.addf %add3A_866, %get3A_913 : vector<16xf32>
          %add3A_915 = arith.constant 6 : i32
          %add3A_916 = arith.addi %add3A_584, %add3A_915 : i32
          %get3A_917 = arith.index_cast %add3A_916 : i32 to index
          %get3A_918 = arith.constant 112 : index
          %get3A_919 = tpu.vector_load %arg10[%get3A_917, %get3A_918] {strides = array<i32>} : memref<128x128xf32, #tpu.memory_space<vmem>>, vector<16xf32>,
          %add3A_920 = arith.addf %add3A_872, %get3A_919 : vector<16xf32>
          %add3A_921 = arith.constant 7 : i32
          %add3A_922 = arith.addi %add3A_584, %add3A_921 : i32
          %get3A_923 = arith.index_cast %add3A_922 : i32 to index
          %get3A_924 = arith.constant 0 : index
          %get3A_925 = tpu.vector_load %arg10[%get3A_923, %get3A_924] {strides = array<i32>} : memref<128x128xf32, #tpu.memory_space<vmem>>, vector<16xf32>,
          %add3A_926 = arith.addf %add3A_878, %get3A_925 : vector<16xf32>
          %add3A_927 = arith.constant 7 : i32
          %add3A_928 = arith.addi %add3A_584, %add3A_927 : i32
          %get3A_929 = arith.index_cast %add3A_928 : i32 to index
          %get3A_930 = arith.constant 16 : index
          %get3A_931 = tpu.vector_load %arg10[%get3A_929, %get3A_930] {strides = array<i32>} : memref<128x128xf32, #tpu.memory_space<vmem>>, vector<16xf32>,
          %add3A_932 = arith.addf %add3A_884, %get3A_931 : vector<16xf32>
          %add3A_933 = arith.constant 7 : i32
          %add3A_934 = arith.addi %add3A_584, %add3A_933 : i32
          %get3A_935 = arith.index_cast %add3A_934 : i32 to index
          %get3A_936 = arith.constant 32 : index
          %get3A_937 = tpu.vector_load %arg10[%get3A_935, %get3A_936] {strides = array<i32>} : memref<128x128xf32, #tpu.memory_space<vmem>>, vector<16xf32>,
          %add3A_938 = arith.addf %add3A_890, %get3A_937 : vector<16xf32>
          %add3A_939 = arith.constant 7 : i32
          %add3A_940 = arith.addi %add3A_584, %add3A_939 : i32
          %get3A_941 = arith.index_cast %add3A_940 : i32 to index
          %get3A_942 = arith.constant 48 : index
          %get3A_943 = tpu.vector_load %arg10[%get3A_941, %get3A_942] {strides = array<i32>} : memref<128x128xf32, #tpu.memory_space<vmem>>, vector<16xf32>,
          %add3A_944 = arith.addf %add3A_896, %get3A_943 : vector<16xf32>
          %add3A_945 = arith.constant 7 : i32
          %add3A_946 = arith.addi %add3A_584, %add3A_945 : i32
          %get3A_947 = arith.index_cast %add3A_946 : i32 to index
          %get3A_948 = arith.constant 64 : index
          %get3A_949 = tpu.vector_load %arg10[%get3A_947, %get3A_948] {strides = array<i32>} : memref<128x128xf32, #tpu.memory_space<vmem>>, vector<16xf32>,
          %add3A_950 = arith.addf %add3A_902, %get3A_949 : vector<16xf32>
          %add3A_951 = arith.constant 7 : i32
          %add3A_952 = arith.addi %add3A_584, %add3A_951 : i32
          %get3A_953 = arith.index_cast %add3A_952 : i32 to index
          %get3A_954 = arith.constant 80 : index
          %get3A_955 = tpu.vector_load %arg10[%get3A_953, %get3A_954] {strides = array<i32>} : memref<128x128xf32, #tpu.memory_space<vmem>>, vector<16xf32>,
          %add3A_956 = arith.addf %add3A_908, %get3A_955 : vector<16xf32>
          %add3A_957 = arith.constant 7 : i32
          %add3A_958 = arith.addi %add3A_584, %add3A_957 : i32
          %get3A_959 = arith.index_cast %add3A_958 : i32 to index
          %get3A_960 = arith.constant 96 : index
          %get3A_961 = tpu.vector_load %arg10[%get3A_959, %get3A_960] {strides = array<i32>} : memref<128x128xf32, #tpu.memory_space<vmem>>, vector<16xf32>,
          %add3A_962 = arith.addf %add3A_914, %get3A_961 : vector<16xf32>
          %add3A_963 = arith.constant 7 : i32
          %add3A_964 = arith.addi %add3A_584, %add3A_963 : i32
          %get3A_965 = arith.index_cast %add3A_964 : i32 to index
          %get3A_966 = arith.constant 112 : index
          %get3A_967 = tpu.vector_load %arg10[%get3A_965, %get3A_966] {strides = array<i32>} : memref<128x128xf32, #tpu.memory_space<vmem>>, vector<16xf32>,
          %add3A_968 = arith.addf %add3A_920, %get3A_967 : vector<16xf32>
          scf.yield %add3A_926, %add3A_932, %add3A_938, %add3A_944, %add3A_950, %add3A_956, %add3A_962, %add3A_968 : vector<16xf32>, vector<16xf32>, vector<16xf32>, vector<16xf32>, vector<16xf32>, vector<16xf32>, vector<16xf32>, vector<16xf32>
        }
        %scan3A_469 = arith.constant 4 : i32
        %swap3A_470 = arith.index_cast %scan3A_460 : i32 to index
        %swap3A_471 = arith.constant 0 : index
        %swap3A_472 = tpu.vector_load %arg12[%swap3A_470, %swap3A_471] {strides = array<i32>} : memref<4x128xf32, #tpu.memory_space<vmem>>, vector<16xf32>,
        tpu.vector_store %arg12[%swap3A_470, %swap3A_471], %scan3A_468#0 {strides = array<i32>} : memref<4x128xf32, #tpu.memory_space<vmem>>, vector<16xf32>,
        %add3A_473 = arith.constant 32 : i32
        %add3A_474 = arith.addi %mul3A_462, %add3A_473 : i32
        %sub3A_475 = arith.constant 1 : i32
        %sub3A_476 = arith.subi %add3A_474, %sub3A_475 : i32
        %get3A = arith.index_cast %sub3A_476 : i32 to index
        %get3A_477 = arith.constant 0 : index
        %get3A_478 = tpu.vector_load %arg10[%get3A, %get3A_477] {strides = array<i32>} : memref<128x128xf32, #tpu.memory_space<vmem>>, vector<16xf32>,
        %swap3A_479 = arith.index_cast %scan3A_460 : i32 to index
        %swap3A_480 = arith.constant 0 : index
        %swap3A_481 = tpu.vector_load %arg14[%swap3A_479, %swap3A_480] {strides = array<i32>} : memref<4x128xf32, #tpu.memory_space<vmem>>, vector<16xf32>,
        tpu.vector_store %arg14[%swap3A_479, %swap3A_480], %get3A_478 {strides = array<i32>} : memref<4x128xf32, #tpu.memory_space<vmem>>, vector<16xf32>,
        %swap3A_482 = arith.index_cast %scan3A_460 : i32 to index
        %swap3A_483 = arith.constant 16 : index
        %swap3A_484 = tpu.vector_load %arg12[%swap3A_482, %swap3A_483] {strides = array<i32>} : memref<4x128xf32, #tpu.memory_space<vmem>>, vector<16xf32>,
        tpu.vector_store %arg12[%swap3A_482, %swap3A_483], %scan3A_468#1 {strides = array<i32>} : memref<4x128xf32, #tpu.memory_space<vmem>>, vector<16xf32>,
        %add3A_485 = arith.constant 32 : i32
        %add3A_486 = arith.addi %mul3A_462, %add3A_485 : i32
        %sub3A_487 = arith.constant 1 : i32
        %sub3A_488 = arith.subi %add3A_486, %sub3A_487 : i32
        %get3A_489 = arith.index_cast %sub3A_488 : i32 to index
        %get3A_490 = arith.constant 16 : index
        %get3A_491 = tpu.vector_load %arg10[%get3A_489, %get3A_490] {strides = array<i32>} : memref<128x128xf32, #tpu.memory_space<vmem>>, vector<16xf32>,
        %swap3A_492 = arith.index_cast %scan3A_460 : i32 to index
        %swap3A_493 = arith.constant 16 : index
        %swap3A_494 = tpu.vector_load %arg14[%swap3A_492, %swap3A_493] {strides = array<i32>} : memref<4x128xf32, #tpu.memory_space<vmem>>, vector<16xf32>,
        tpu.vector_store %arg14[%swap3A_492, %swap3A_493], %get3A_491 {strides = array<i32>} : memref<4x128xf32, #tpu.memory_space<vmem>>, vector<16xf32>,
        %swap3A_495 = arith.index_cast %scan3A_460 : i32 to index
        %swap3A_496 = arith.constant 32 : index
        %swap3A_497 = tpu.vector_load %arg12[%swap3A_495, %swap3A_496] {strides = array<i32>} : memref<4x128xf32, #tpu.memory_space<vmem>>, vector<16xf32>,
        tpu.vector_store %arg12[%swap3A_495, %swap3A_496], %scan3A_468#2 {strides = array<i32>} : memref<4x128xf32, #tpu.memory_space<vmem>>, vector<16xf32>,
        %add3A_498 = arith.constant 32 : i32
        %add3A_499 = arith.addi %mul3A_462, %add3A_498 : i32
        %sub3A_500 = arith.constant 1 : i32
        %sub3A_501 = arith.subi %add3A_499, %sub3A_500 : i32
        %get3A_502 = arith.index_cast %sub3A_501 : i32 to index
        %get3A_503 = arith.constant 32 : index
        %get3A_504 = tpu.vector_load %arg10[%get3A_502, %get3A_503] {strides = array<i32>} : memref<128x128xf32, #tpu.memory_space<vmem>>, vector<16xf32>,
        %swap3A_505 = arith.index_cast %scan3A_460 : i32 to index
        %swap3A_506 = arith.constant 32 : index
        %swap3A_507 = tpu.vector_load %arg14[%swap3A_505, %swap3A_506] {strides = array<i32>} : memref<4x128xf32, #tpu.memory_space<vmem>>, vector<16xf32>,
        tpu.vector_store %arg14[%swap3A_505, %swap3A_506], %get3A_504 {strides = array<i32>} : memref<4x128xf32, #tpu.memory_space<vmem>>, vector<16xf32>,
        %swap3A_508 = arith.index_cast %scan3A_460 : i32 to index
        %swap3A_509 = arith.constant 48 : index
        %swap3A_510 = tpu.vector_load %arg12[%swap3A_508, %swap3A_509] {strides = array<i32>} : memref<4x128xf32, #tpu.memory_space<vmem>>, vector<16xf32>,
        tpu.vector_store %arg12[%swap3A_508, %swap3A_509], %scan3A_468#3 {strides = array<i32>} : memref<4x128xf32, #tpu.memory_space<vmem>>, vector<16xf32>,
        %add3A_511 = arith.constant 32 : i32
        %add3A_512 = arith.addi %mul3A_462, %add3A_511 : i32
        %sub3A_513 = arith.constant 1 : i32
        %sub3A_514 = arith.subi %add3A_512, %sub3A_513 : i32
        %get3A_515 = arith.index_cast %sub3A_514 : i32 to index
        %get3A_516 = arith.constant 48 : index
        %get3A_517 = tpu.vector_load %arg10[%get3A_515, %get3A_516] {strides = array<i32>} : memref<128x128xf32, #tpu.memory_space<vmem>>, vector<16xf32>,
        %swap3A_518 = arith.index_cast %scan3A_460 : i32 to index
        %swap3A_519 = arith.constant 48 : index
        %swap3A_520 = tpu.vector_load %arg14[%swap3A_518, %swap3A_519] {strides = array<i32>} : memref<4x128xf32, #tpu.memory_space<vmem>>, vector<16xf32>,
        tpu.vector_store %arg14[%swap3A_518, %swap3A_519], %get3A_517 {strides = array<i32>} : memref<4x128xf32, #tpu.memory_space<vmem>>, vector<16xf32>,
        %swap3A_521 = arith.index_cast %scan3A_460 : i32 to index
        %swap3A_522 = arith.constant 64 : index
        %swap3A_523 = tpu.vector_load %arg12[%swap3A_521, %swap3A_522] {strides = array<i32>} : memref<4x128xf32, #tpu.memory_space<vmem>>, vector<16xf32>,
        tpu.vector_store %arg12[%swap3A_521, %swap3A_522], %scan3A_468#4 {strides = array<i32>} : memref<4x128xf32, #tpu.memory_space<vmem>>, vector<16xf32>,
        %add3A_524 = arith.constant 32 : i32
        %add3A_525 = arith.addi %mul3A_462, %add3A_524 : i32
        %sub3A_526 = arith.constant 1 : i32
        %sub3A_527 = arith.subi %add3A_525, %sub3A_526 : i32
        %get3A_528 = arith.index_cast %sub3A_527 : i32 to index
        %get3A_529 = arith.constant 64 : index
        %get3A_530 = tpu.vector_load %arg10[%get3A_528, %get3A_529] {strides = array<i32>} : memref<128x128xf32, #tpu.memory_space<vmem>>, vector<16xf32>,
        %swap3A_531 = arith.index_cast %scan3A_460 : i32 to index
        %swap3A_532 = arith.constant 64 : index
        %swap3A_533 = tpu.vector_load %arg14[%swap3A_531, %swap3A_532] {strides = array<i32>} : memref<4x128xf32, #tpu.memory_space<vmem>>, vector<16xf32>,
        tpu.vector_store %arg14[%swap3A_531, %swap3A_532], %get3A_530 {strides = array<i32>} : memref<4x128xf32, #tpu.memory_space<vmem>>, vector<16xf32>,
        %swap3A_534 = arith.index_cast %scan3A_460 : i32 to index
        %swap3A_535 = arith.constant 80 : index
        %swap3A_536 = tpu.vector_load %arg12[%swap3A_534, %swap3A_535] {strides = array<i32>} : memref<4x128xf32, #tpu.memory_space<vmem>>, vector<16xf32>,
        tpu.vector_store %arg12[%swap3A_534, %swap3A_535], %scan3A_468#5 {strides = array<i32>} : memref<4x128xf32, #tpu.memory_space<vmem>>, vector<16xf32>,
        %add3A_537 = arith.constant 32 : i32
        %add3A_538 = arith.addi %mul3A_462, %add3A_537 : i32
        %sub3A_539 = arith.constant 1 : i32
        %sub3A_540 = arith.subi %add3A_538, %sub3A_539 : i32
        %get3A_541 = arith.index_cast %sub3A_540 : i32 to index
        %get3A_542 = arith.constant 80 : index
        %get3A_543 = tpu.vector_load %arg10[%get3A_541, %get3A_542] {strides = array<i32>} : memref<128x128xf32, #tpu.memory_space<vmem>>, vector<16xf32>,
        %swap3A_544 = arith.index_cast %scan3A_460 : i32 to index
        %swap3A_545 = arith.constant 80 : index
        %swap3A_546 = tpu.vector_load %arg14[%swap3A_544, %swap3A_545] {strides = array<i32>} : memref<4x128xf32, #tpu.memory_space<vmem>>, vector<16xf32>,
        tpu.vector_store %arg14[%swap3A_544, %swap3A_545], %get3A_543 {strides = array<i32>} : memref<4x128xf32, #tpu.memory_space<vmem>>, vector<16xf32>,
        %swap3A_547 = arith.index_cast %scan3A_460 : i32 to index
        %swap3A_548 = arith.constant 96 : index
        %swap3A_549 = tpu.vector_load %arg12[%swap3A_547, %swap3A_548] {strides = array<i32>} : memref<4x128xf32, #tpu.memory_space<vmem>>, vector<16xf32>,
        tpu.vector_store %arg12[%swap3A_547, %swap3A_548], %scan3A_468#6 {strides = array<i32>} : memref<4x128xf32, #tpu.memory_space<vmem>>, vector<16xf32>,
        %add3A_550 = arith.constant 32 : i32
        %add3A_551 = arith.addi %mul3A_462, %add3A_550 : i32
        %sub3A_552 = arith.constant 1 : i32
        %sub3A_553 = arith.subi %add3A_551, %sub3A_552 : i32
        %get3A_554 = arith.index_cast %sub3A_553 : i32 to index
        %get3A_555 = arith.constant 96 : index
        %get3A_556 = tpu.vector_load %arg10[%get3A_554, %get3A_555] {strides = array<i32>} : memref<128x128xf32, #tpu.memory_space<vmem>>, vector<16xf32>,
        %swap3A_557 = arith.index_cast %scan3A_460 : i32 to index
        %swap3A_558 = arith.constant 96 : index
        %swap3A_559 = tpu.vector_load %arg14[%swap3A_557, %swap3A_558] {strides = array<i32>} : memref<4x128xf32, #tpu.memory_space<vmem>>, vector<16xf32>,
        tpu.vector_store %arg14[%swap3A_557, %swap3A_558], %get3A_556 {strides = array<i32>} : memref<4x128xf32, #tpu.memory_space<vmem>>, vector<16xf32>,
        %swap3A_560 = arith.index_cast %scan3A_460 : i32 to index
        %swap3A_561 = arith.constant 112 : index
        %swap3A_562 = tpu.vector_load %arg12[%swap3A_560, %swap3A_561] {strides = array<i32>} : memref<4x128xf32, #tpu.memory_space<vmem>>, vector<16xf32>,
        tpu.vector_store %arg12[%swap3A_560, %swap3A_561], %scan3A_468#7 {strides = array<i32>} : memref<4x128xf32, #tpu.memory_space<vmem>>, vector<16xf32>,
        %add3A_563 = arith.constant 32 : i32
        %add3A_564 = arith.addi %mul3A_462, %add3A_563 : i32
        %sub3A_565 = arith.constant 1 : i32
        %sub3A_566 = arith.subi %add3A_564, %sub3A_565 : i32
        %get3A_567 = arith.index_cast %sub3A_566 : i32 to index
        %get3A_568 = arith.constant 112 : index
        %get3A_569 = tpu.vector_load %arg10[%get3A_567, %get3A_568] {strides = array<i32>} : memref<128x128xf32, #tpu.memory_space<vmem>>, vector<16xf32>,
        %swap3A_570 = arith.index_cast %scan3A_460 : i32 to index
        %swap3A_571 = arith.constant 112 : index
        %swap3A_572 = tpu.vector_load %arg14[%swap3A_570, %swap3A_571] {strides = array<i32>} : memref<4x128xf32, #tpu.memory_space<vmem>>, vector<16xf32>,
        tpu.vector_store %arg14[%swap3A_570, %swap3A_571], %get3A_569 {strides = array<i32>} : memref<4x128xf32, #tpu.memory_space<vmem>>, vector<16xf32>,
      }
      %scan3A_417 = arith.constant 4 : i32
      %dma_start3A_418 = arith.constant 0 : i32
      %dma_start3A_419 = tpu.memref_slice %arg5[%mul3A_404, %dma_start3A_418] : memref<10240x128xf32, #tpu.memory_space<hbm>> -> memref<4x128xf32, #tpu.memory_space<hbm>>
      %dma_start3A_420 = arith.constant 0 : i32
      %dma_start3A_421 = tpu.memref_slice %arg5[%mul3A_404, %dma_start3A_420] : memref<10240x128xf32, #tpu.memory_space<hbm>> -> memref<4x128xf32, #tpu.memory_space<hbm>>
      tpu.enqueue_dma source(%arg12 : memref<4x128xf32, #tpu.memory_space<vmem>>) target(%dma_start3A_421 : memref<4x128xf32, #tpu.memory_space<hbm>>) target_semaphore(%arg18 : memref<!tpu.dma_semaphore, #tpu.memory_space<semaphore_mem>>)
      %dma_start3A_422 = arith.constant 0 : i32
      %dma_start3A_423 = tpu.memref_slice %arg6[%mul3A_404, %dma_start3A_422] : memref<10240x128xf32, #tpu.memory_space<hbm>> -> memref<4x128xf32, #tpu.memory_space<hbm>>
      %dma_start3A_424 = arith.constant 0 : i32
      %dma_start3A_425 = tpu.memref_slice %arg6[%mul3A_404, %dma_start3A_424] : memref<10240x128xf32, #tpu.memory_space<hbm>> -> memref<4x128xf32, #tpu.memory_space<hbm>>
      tpu.enqueue_dma source(%arg14 : memref<4x128xf32, #tpu.memory_space<vmem>>) target(%dma_start3A_425 : memref<4x128xf32, #tpu.memory_space<hbm>>) target_semaphore(%arg20 : memref<!tpu.dma_semaphore, #tpu.memory_space<semaphore_mem>>)
      %lt3A = arith.constant 39 : i32
      %lt3A_426 = arith.cmpi slt, %scan3A_390, %lt3A : i32
      %convert_element_type3A_427 = arith.extui %lt3A_426 : i1 to i32
      %cond3A_428 = arith.constant 0 : i32
      %cond3A_429 = arith.cmpi ne, %convert_element_type3A_427, %cond3A_428 : i32
      scf.if %cond3A_429 {
        %add3A_460 = arith.constant 2 : i32
        %add3A_461 = arith.addi %mul3A_392, %add3A_460 : i32
        %mul3A_462 = arith.constant 128 : i32
        %mul3A_463 = arith.muli %add3A_461, %mul3A_462 : i32
        %dma_start3A_464 = tpu.memref_slice %arg8[%mul3A_463] : memref<10240xi32, #tpu.memory_space<vmem>> -> memref<128xi32, #tpu.memory_space<vmem>>
        %dma_start3A_465 = arith.constant 0 : i32
        %dma_start3A_466 = arith.constant 0 : i32
        %dma_start3A_467 = tpu.memref_slice %arg7[%dma_start3A_465, %dma_start3A_466] : memref<10240x128xf32, #tpu.memory_space<vmem_shared>> -> memref<10240x128xf32, #tpu.memory_space<vmem_shared>>
        tpu.enqueue_indirect_dma source(%dma_start3A_467 : memref<10240x128xf32, #tpu.memory_space<vmem_shared>>) target(%arg10 : memref<128x128xf32, #tpu.memory_space<vmem>>) offsets(%dma_start3A_464 : memref<128xi32, #tpu.memory_space<vmem>>) semaphore(%arg16 : memref<!tpu.dma_semaphore, #tpu.memory_space<semaphore_mem>>)
      } else {
      }
      %add3A_430 = arith.constant 1 : i32
      %add3A_431 = arith.addi %mul3A_392, %add3A_430 : i32
      %ge3A_432 = arith.constant 1 : i32
      %ge3A_433 = arith.cmpi sge, %scan3A_390, %ge3A_432 : i32
      %add3A_434 = arith.addi %mul3A_350, %add3A_431 : i32
      %mul3A_435 = arith.constant 4 : i32
      %mul3A_436 = arith.muli %add3A_434, %mul3A_435 : i32
      %convert_element_type3A_437 = arith.extui %ge3A_433 : i1 to i32
      %cond3A_438 = arith.constant 0 : i32
      %cond3A_439 = arith.cmpi ne, %convert_element_type3A_437, %cond3A_438 : i32
      scf.if %cond3A_439 {
        %dma_wait3A_460 = arith.constant 0 : i32
        %dma_wait3A_461 = tpu.memref_slice %arg5[%mul3A_436, %dma_wait3A_460] : memref<10240x128xf32, #tpu.memory_space<hbm>> -> memref<4x128xf32, #tpu.memory_space<hbm>>
        %dma_wait3A_462 = arith.constant 0 : i32
        %dma_wait3A_463 = tpu.memref_slice %arg5[%mul3A_436, %dma_wait3A_462] : memref<10240x128xf32, #tpu.memory_space<hbm>> -> memref<4x128xf32, #tpu.memory_space<hbm>>
        tpu.wait_dma2 semaphore(%arg19 : memref<!tpu.dma_semaphore, #tpu.memory_space<semaphore_mem>>) src(%arg13 : memref<4x128xf32, #tpu.memory_space<vmem>>) dst(%dma_wait3A_463 : memref<4x128xf32, #tpu.memory_space<hbm>>)
        %dma_wait3A_464 = arith.constant 0 : i32
        %dma_wait3A_465 = tpu.memref_slice %arg6[%mul3A_436, %dma_wait3A_464] : memref<10240x128xf32, #tpu.memory_space<hbm>> -> memref<4x128xf32, #tpu.memory_space<hbm>>
        %dma_wait3A_466 = arith.constant 0 : i32
        %dma_wait3A_467 = tpu.memref_slice %arg6[%mul3A_436, %dma_wait3A_466] : memref<10240x128xf32, #tpu.memory_space<hbm>> -> memref<4x128xf32, #tpu.memory_space<hbm>>
        tpu.wait_dma2 semaphore(%arg21 : memref<!tpu.dma_semaphore, #tpu.memory_space<semaphore_mem>>) src(%arg15 : memref<4x128xf32, #tpu.memory_space<vmem>>) dst(%dma_wait3A_467 : memref<4x128xf32, #tpu.memory_space<hbm>>)
      } else {
      }
      %mul3A_440 = arith.constant 128 : i32
      %mul3A_441 = arith.muli %add3A_431, %mul3A_440 : i32
      %dma_wait3A_442 = tpu.memref_slice %arg8[%mul3A_441] : memref<10240xi32, #tpu.memory_space<vmem>> -> memref<128xi32, #tpu.memory_space<vmem>>
      %dma_wait3A_443 = arith.constant 0 : i32
      %dma_wait3A_444 = arith.constant 0 : i32
      %dma_wait3A_445 = tpu.memref_slice %arg7[%dma_wait3A_443, %dma_wait3A_444] : memref<10240x128xf32, #tpu.memory_space<vmem_shared>> -> memref<10240x128xf32, #tpu.memory_space<vmem_shared>>
      tpu.wait_indirect_dma semaphore(%arg17 : memref<!tpu.dma_semaphore, #tpu.memory_space<semaphore_mem>>) src(%dma_wait3A_445 : memref<10240x128xf32, #tpu.memory_space<vmem_shared>>) dst(%arg11 : memref<128x128xf32, #tpu.memory_space<vmem>>)
      %scan3A_446 = arith.constant 0 : i32
      %scan3A_447 = arith.constant 0 : i32
      %scan3A_448 = arith.constant 4 : i32
      %scan3A_449 = arith.addi %scan3A_447, %scan3A_448 : i32
      %scan3A_450 = arith.constant 1 : i32
      scf.for %scan3A_460 = %scan3A_447 to %scan3A_449 step %scan3A_450  : i32 {
        %mul3A_461 = arith.constant 32 : i32
        %mul3A_462 = arith.muli %scan3A_460, %mul3A_461 : i32
        %broadcast_in_dim3A = arith.constant 0.000000e+00 : f32
        %broadcast_in_dim3A_463 = vector.broadcast %broadcast_in_dim3A : f32 to vector<16xf32>
        %scan3A_464 = arith.constant 0 : i32
        %scan3A_465 = arith.constant 4 : i32
        %scan3A_466 = arith.addi %scan3A_464, %scan3A_465 : i32
        %scan3A_467 = arith.constant 1 : i32
        %scan3A_468:8 = scf.for %scan3A_573 = %scan3A_464 to %scan3A_466 step %scan3A_467 iter_args(%scan3A_574 = %broadcast_in_dim3A_463, %scan3A_575 = %broadcast_in_dim3A_463, %scan3A_576 = %broadcast_in_dim3A_463, %scan3A_577 = %broadcast_in_dim3A_463, %scan3A_578 = %broadcast_in_dim3A_463, %scan3A_579 = %broadcast_in_dim3A_463, %scan3A_580 = %broadcast_in_dim3A_463, %scan3A_581 = %broadcast_in_dim3A_463) -> (vector<16xf32>, vector<16xf32>, vector<16xf32>, vector<16xf32>, vector<16xf32>, vector<16xf32>, vector<16xf32>, vector<16xf32>)  : i32 {
          %mul3A_582 = arith.constant 8 : i32
          %mul3A_583 = arith.muli %scan3A_573, %mul3A_582 : i32
          %add3A_584 = arith.addi %mul3A_462, %mul3A_583 : i32
          %add3A_585 = arith.constant 0 : i32
          %add3A_586 = arith.addi %add3A_584, %add3A_585 : i32
          %get3A_587 = arith.index_cast %add3A_586 : i32 to index
          %get3A_588 = arith.constant 0 : index
          %get3A_589 = tpu.vector_load %arg11[%get3A_587, %get3A_588] {strides = array<i32>} : memref<128x128xf32, #tpu.memory_space<vmem>>, vector<16xf32>,
          %add3A_590 = arith.addf %scan3A_574, %get3A_589 : vector<16xf32>
          %add3A_591 = arith.constant 0 : i32
          %add3A_592 = arith.addi %add3A_584, %add3A_591 : i32
          %get3A_593 = arith.index_cast %add3A_592 : i32 to index
          %get3A_594 = arith.constant 16 : index
          %get3A_595 = tpu.vector_load %arg11[%get3A_593, %get3A_594] {strides = array<i32>} : memref<128x128xf32, #tpu.memory_space<vmem>>, vector<16xf32>,
          %add3A_596 = arith.addf %scan3A_575, %get3A_595 : vector<16xf32>
          %add3A_597 = arith.constant 0 : i32
          %add3A_598 = arith.addi %add3A_584, %add3A_597 : i32
          %get3A_599 = arith.index_cast %add3A_598 : i32 to index
          %get3A_600 = arith.constant 32 : index
          %get3A_601 = tpu.vector_load %arg11[%get3A_599, %get3A_600] {strides = array<i32>} : memref<128x128xf32, #tpu.memory_space<vmem>>, vector<16xf32>,
          %add3A_602 = arith.addf %scan3A_576, %get3A_601 : vector<16xf32>
          %add3A_603 = arith.constant 0 : i32
          %add3A_604 = arith.addi %add3A_584, %add3A_603 : i32
          %get3A_605 = arith.index_cast %add3A_604 : i32 to index
          %get3A_606 = arith.constant 48 : index
          %get3A_607 = tpu.vector_load %arg11[%get3A_605, %get3A_606] {strides = array<i32>} : memref<128x128xf32, #tpu.memory_space<vmem>>, vector<16xf32>,
          %add3A_608 = arith.addf %scan3A_577, %get3A_607 : vector<16xf32>
          %add3A_609 = arith.constant 0 : i32
          %add3A_610 = arith.addi %add3A_584, %add3A_609 : i32
          %get3A_611 = arith.index_cast %add3A_610 : i32 to index
          %get3A_612 = arith.constant 64 : index
          %get3A_613 = tpu.vector_load %arg11[%get3A_611, %get3A_612] {strides = array<i32>} : memref<128x128xf32, #tpu.memory_space<vmem>>, vector<16xf32>,
          %add3A_614 = arith.addf %scan3A_578, %get3A_613 : vector<16xf32>
          %add3A_615 = arith.constant 0 : i32
          %add3A_616 = arith.addi %add3A_584, %add3A_615 : i32
          %get3A_617 = arith.index_cast %add3A_616 : i32 to index
          %get3A_618 = arith.constant 80 : index
          %get3A_619 = tpu.vector_load %arg11[%get3A_617, %get3A_618] {strides = array<i32>} : memref<128x128xf32, #tpu.memory_space<vmem>>, vector<16xf32>,
          %add3A_620 = arith.addf %scan3A_579, %get3A_619 : vector<16xf32>
          %add3A_621 = arith.constant 0 : i32
          %add3A_622 = arith.addi %add3A_584, %add3A_621 : i32
          %get3A_623 = arith.index_cast %add3A_622 : i32 to index
          %get3A_624 = arith.constant 96 : index
          %get3A_625 = tpu.vector_load %arg11[%get3A_623, %get3A_624] {strides = array<i32>} : memref<128x128xf32, #tpu.memory_space<vmem>>, vector<16xf32>,
          %add3A_626 = arith.addf %scan3A_580, %get3A_625 : vector<16xf32>
          %add3A_627 = arith.constant 0 : i32
          %add3A_628 = arith.addi %add3A_584, %add3A_627 : i32
          %get3A_629 = arith.index_cast %add3A_628 : i32 to index
          %get3A_630 = arith.constant 112 : index
          %get3A_631 = tpu.vector_load %arg11[%get3A_629, %get3A_630] {strides = array<i32>} : memref<128x128xf32, #tpu.memory_space<vmem>>, vector<16xf32>,
          %add3A_632 = arith.addf %scan3A_581, %get3A_631 : vector<16xf32>
          %add3A_633 = arith.constant 1 : i32
          %add3A_634 = arith.addi %add3A_584, %add3A_633 : i32
          %get3A_635 = arith.index_cast %add3A_634 : i32 to index
          %get3A_636 = arith.constant 0 : index
          %get3A_637 = tpu.vector_load %arg11[%get3A_635, %get3A_636] {strides = array<i32>} : memref<128x128xf32, #tpu.memory_space<vmem>>, vector<16xf32>,
          %add3A_638 = arith.addf %add3A_590, %get3A_637 : vector<16xf32>
          %add3A_639 = arith.constant 1 : i32
          %add3A_640 = arith.addi %add3A_584, %add3A_639 : i32
          %get3A_641 = arith.index_cast %add3A_640 : i32 to index
          %get3A_642 = arith.constant 16 : index
          %get3A_643 = tpu.vector_load %arg11[%get3A_641, %get3A_642] {strides = array<i32>} : memref<128x128xf32, #tpu.memory_space<vmem>>, vector<16xf32>,
          %add3A_644 = arith.addf %add3A_596, %get3A_643 : vector<16xf32>
          %add3A_645 = arith.constant 1 : i32
          %add3A_646 = arith.addi %add3A_584, %add3A_645 : i32
          %get3A_647 = arith.index_cast %add3A_646 : i32 to index
          %get3A_648 = arith.constant 32 : index
          %get3A_649 = tpu.vector_load %arg11[%get3A_647, %get3A_648] {strides = array<i32>} : memref<128x128xf32, #tpu.memory_space<vmem>>, vector<16xf32>,
          %add3A_650 = arith.addf %add3A_602, %get3A_649 : vector<16xf32>
          %add3A_651 = arith.constant 1 : i32
          %add3A_652 = arith.addi %add3A_584, %add3A_651 : i32
          %get3A_653 = arith.index_cast %add3A_652 : i32 to index
          %get3A_654 = arith.constant 48 : index
          %get3A_655 = tpu.vector_load %arg11[%get3A_653, %get3A_654] {strides = array<i32>} : memref<128x128xf32, #tpu.memory_space<vmem>>, vector<16xf32>,
          %add3A_656 = arith.addf %add3A_608, %get3A_655 : vector<16xf32>
          %add3A_657 = arith.constant 1 : i32
          %add3A_658 = arith.addi %add3A_584, %add3A_657 : i32
          %get3A_659 = arith.index_cast %add3A_658 : i32 to index
          %get3A_660 = arith.constant 64 : index
          %get3A_661 = tpu.vector_load %arg11[%get3A_659, %get3A_660] {strides = array<i32>} : memref<128x128xf32, #tpu.memory_space<vmem>>, vector<16xf32>,
          %add3A_662 = arith.addf %add3A_614, %get3A_661 : vector<16xf32>
          %add3A_663 = arith.constant 1 : i32
          %add3A_664 = arith.addi %add3A_584, %add3A_663 : i32
          %get3A_665 = arith.index_cast %add3A_664 : i32 to index
          %get3A_666 = arith.constant 80 : index
          %get3A_667 = tpu.vector_load %arg11[%get3A_665, %get3A_666] {strides = array<i32>} : memref<128x128xf32, #tpu.memory_space<vmem>>, vector<16xf32>,
          %add3A_668 = arith.addf %add3A_620, %get3A_667 : vector<16xf32>
          %add3A_669 = arith.constant 1 : i32
          %add3A_670 = arith.addi %add3A_584, %add3A_669 : i32
          %get3A_671 = arith.index_cast %add3A_670 : i32 to index
          %get3A_672 = arith.constant 96 : index
          %get3A_673 = tpu.vector_load %arg11[%get3A_671, %get3A_672] {strides = array<i32>} : memref<128x128xf32, #tpu.memory_space<vmem>>, vector<16xf32>,
          %add3A_674 = arith.addf %add3A_626, %get3A_673 : vector<16xf32>
          %add3A_675 = arith.constant 1 : i32
          %add3A_676 = arith.addi %add3A_584, %add3A_675 : i32
          %get3A_677 = arith.index_cast %add3A_676 : i32 to index
          %get3A_678 = arith.constant 112 : index
          %get3A_679 = tpu.vector_load %arg11[%get3A_677, %get3A_678] {strides = array<i32>} : memref<128x128xf32, #tpu.memory_space<vmem>>, vector<16xf32>,
          %add3A_680 = arith.addf %add3A_632, %get3A_679 : vector<16xf32>
          %add3A_681 = arith.constant 2 : i32
          %add3A_682 = arith.addi %add3A_584, %add3A_681 : i32
          %get3A_683 = arith.index_cast %add3A_682 : i32 to index
          %get3A_684 = arith.constant 0 : index
          %get3A_685 = tpu.vector_load %arg11[%get3A_683, %get3A_684] {strides = array<i32>} : memref<128x128xf32, #tpu.memory_space<vmem>>, vector<16xf32>,
          %add3A_686 = arith.addf %add3A_638, %get3A_685 : vector<16xf32>
          %add3A_687 = arith.constant 2 : i32
          %add3A_688 = arith.addi %add3A_584, %add3A_687 : i32
          %get3A_689 = arith.index_cast %add3A_688 : i32 to index
          %get3A_690 = arith.constant 16 : index
          %get3A_691 = tpu.vector_load %arg11[%get3A_689, %get3A_690] {strides = array<i32>} : memref<128x128xf32, #tpu.memory_space<vmem>>, vector<16xf32>,
          %add3A_692 = arith.addf %add3A_644, %get3A_691 : vector<16xf32>
          %add3A_693 = arith.constant 2 : i32
          %add3A_694 = arith.addi %add3A_584, %add3A_693 : i32
          %get3A_695 = arith.index_cast %add3A_694 : i32 to index
          %get3A_696 = arith.constant 32 : index
          %get3A_697 = tpu.vector_load %arg11[%get3A_695, %get3A_696] {strides = array<i32>} : memref<128x128xf32, #tpu.memory_space<vmem>>, vector<16xf32>,
          %add3A_698 = arith.addf %add3A_650, %get3A_697 : vector<16xf32>
          %add3A_699 = arith.constant 2 : i32
          %add3A_700 = arith.addi %add3A_584, %add3A_699 : i32
          %get3A_701 = arith.index_cast %add3A_700 : i32 to index
          %get3A_702 = arith.constant 48 : index
          %get3A_703 = tpu.vector_load %arg11[%get3A_701, %get3A_702] {strides = array<i32>} : memref<128x128xf32, #tpu.memory_space<vmem>>, vector<16xf32>,
          %add3A_704 = arith.addf %add3A_656, %get3A_703 : vector<16xf32>
          %add3A_705 = arith.constant 2 : i32
          %add3A_706 = arith.addi %add3A_584, %add3A_705 : i32
          %get3A_707 = arith.index_cast %add3A_706 : i32 to index
          %get3A_708 = arith.constant 64 : index
          %get3A_709 = tpu.vector_load %arg11[%get3A_707, %get3A_708] {strides = array<i32>} : memref<128x128xf32, #tpu.memory_space<vmem>>, vector<16xf32>,
          %add3A_710 = arith.addf %add3A_662, %get3A_709 : vector<16xf32>
          %add3A_711 = arith.constant 2 : i32
          %add3A_712 = arith.addi %add3A_584, %add3A_711 : i32
          %get3A_713 = arith.index_cast %add3A_712 : i32 to index
          %get3A_714 = arith.constant 80 : index
          %get3A_715 = tpu.vector_load %arg11[%get3A_713, %get3A_714] {strides = array<i32>} : memref<128x128xf32, #tpu.memory_space<vmem>>, vector<16xf32>,
          %add3A_716 = arith.addf %add3A_668, %get3A_715 : vector<16xf32>
          %add3A_717 = arith.constant 2 : i32
          %add3A_718 = arith.addi %add3A_584, %add3A_717 : i32
          %get3A_719 = arith.index_cast %add3A_718 : i32 to index
          %get3A_720 = arith.constant 96 : index
          %get3A_721 = tpu.vector_load %arg11[%get3A_719, %get3A_720] {strides = array<i32>} : memref<128x128xf32, #tpu.memory_space<vmem>>, vector<16xf32>,
          %add3A_722 = arith.addf %add3A_674, %get3A_721 : vector<16xf32>
          %add3A_723 = arith.constant 2 : i32
          %add3A_724 = arith.addi %add3A_584, %add3A_723 : i32
          %get3A_725 = arith.index_cast %add3A_724 : i32 to index
          %get3A_726 = arith.constant 112 : index
          %get3A_727 = tpu.vector_load %arg11[%get3A_725, %get3A_726] {strides = array<i32>} : memref<128x128xf32, #tpu.memory_space<vmem>>, vector<16xf32>,
          %add3A_728 = arith.addf %add3A_680, %get3A_727 : vector<16xf32>
          %add3A_729 = arith.constant 3 : i32
          %add3A_730 = arith.addi %add3A_584, %add3A_729 : i32
          %get3A_731 = arith.index_cast %add3A_730 : i32 to index
          %get3A_732 = arith.constant 0 : index
          %get3A_733 = tpu.vector_load %arg11[%get3A_731, %get3A_732] {strides = array<i32>} : memref<128x128xf32, #tpu.memory_space<vmem>>, vector<16xf32>,
          %add3A_734 = arith.addf %add3A_686, %get3A_733 : vector<16xf32>
          %add3A_735 = arith.constant 3 : i32
          %add3A_736 = arith.addi %add3A_584, %add3A_735 : i32
          %get3A_737 = arith.index_cast %add3A_736 : i32 to index
          %get3A_738 = arith.constant 16 : index
          %get3A_739 = tpu.vector_load %arg11[%get3A_737, %get3A_738] {strides = array<i32>} : memref<128x128xf32, #tpu.memory_space<vmem>>, vector<16xf32>,
          %add3A_740 = arith.addf %add3A_692, %get3A_739 : vector<16xf32>
          %add3A_741 = arith.constant 3 : i32
          %add3A_742 = arith.addi %add3A_584, %add3A_741 : i32
          %get3A_743 = arith.index_cast %add3A_742 : i32 to index
          %get3A_744 = arith.constant 32 : index
          %get3A_745 = tpu.vector_load %arg11[%get3A_743, %get3A_744] {strides = array<i32>} : memref<128x128xf32, #tpu.memory_space<vmem>>, vector<16xf32>,
          %add3A_746 = arith.addf %add3A_698, %get3A_745 : vector<16xf32>
          %add3A_747 = arith.constant 3 : i32
          %add3A_748 = arith.addi %add3A_584, %add3A_747 : i32
          %get3A_749 = arith.index_cast %add3A_748 : i32 to index
          %get3A_750 = arith.constant 48 : index
          %get3A_751 = tpu.vector_load %arg11[%get3A_749, %get3A_750] {strides = array<i32>} : memref<128x128xf32, #tpu.memory_space<vmem>>, vector<16xf32>,
          %add3A_752 = arith.addf %add3A_704, %get3A_751 : vector<16xf32>
          %add3A_753 = arith.constant 3 : i32
          %add3A_754 = arith.addi %add3A_584, %add3A_753 : i32
          %get3A_755 = arith.index_cast %add3A_754 : i32 to index
          %get3A_756 = arith.constant 64 : index
          %get3A_757 = tpu.vector_load %arg11[%get3A_755, %get3A_756] {strides = array<i32>} : memref<128x128xf32, #tpu.memory_space<vmem>>, vector<16xf32>,
          %add3A_758 = arith.addf %add3A_710, %get3A_757 : vector<16xf32>
          %add3A_759 = arith.constant 3 : i32
          %add3A_760 = arith.addi %add3A_584, %add3A_759 : i32
          %get3A_761 = arith.index_cast %add3A_760 : i32 to index
          %get3A_762 = arith.constant 80 : index
          %get3A_763 = tpu.vector_load %arg11[%get3A_761, %get3A_762] {strides = array<i32>} : memref<128x128xf32, #tpu.memory_space<vmem>>, vector<16xf32>,
          %add3A_764 = arith.addf %add3A_716, %get3A_763 : vector<16xf32>
          %add3A_765 = arith.constant 3 : i32
          %add3A_766 = arith.addi %add3A_584, %add3A_765 : i32
          %get3A_767 = arith.index_cast %add3A_766 : i32 to index
          %get3A_768 = arith.constant 96 : index
          %get3A_769 = tpu.vector_load %arg11[%get3A_767, %get3A_768] {strides = array<i32>} : memref<128x128xf32, #tpu.memory_space<vmem>>, vector<16xf32>,
          %add3A_770 = arith.addf %add3A_722, %get3A_769 : vector<16xf32>
          %add3A_771 = arith.constant 3 : i32
          %add3A_772 = arith.addi %add3A_584, %add3A_771 : i32
          %get3A_773 = arith.index_cast %add3A_772 : i32 to index
          %get3A_774 = arith.constant 112 : index
          %get3A_775 = tpu.vector_load %arg11[%get3A_773, %get3A_774] {strides = array<i32>} : memref<128x128xf32, #tpu.memory_space<vmem>>, vector<16xf32>,
          %add3A_776 = arith.addf %add3A_728, %get3A_775 : vector<16xf32>
          %add3A_777 = arith.constant 4 : i32
          %add3A_778 = arith.addi %add3A_584, %add3A_777 : i32
          %get3A_779 = arith.index_cast %add3A_778 : i32 to index
          %get3A_780 = arith.constant 0 : index
          %get3A_781 = tpu.vector_load %arg11[%get3A_779, %get3A_780] {strides = array<i32>} : memref<128x128xf32, #tpu.memory_space<vmem>>, vector<16xf32>,
          %add3A_782 = arith.addf %add3A_734, %get3A_781 : vector<16xf32>
          %add3A_783 = arith.constant 4 : i32
          %add3A_784 = arith.addi %add3A_584, %add3A_783 : i32
          %get3A_785 = arith.index_cast %add3A_784 : i32 to index
          %get3A_786 = arith.constant 16 : index
          %get3A_787 = tpu.vector_load %arg11[%get3A_785, %get3A_786] {strides = array<i32>} : memref<128x128xf32, #tpu.memory_space<vmem>>, vector<16xf32>,
          %add3A_788 = arith.addf %add3A_740, %get3A_787 : vector<16xf32>
          %add3A_789 = arith.constant 4 : i32
          %add3A_790 = arith.addi %add3A_584, %add3A_789 : i32
          %get3A_791 = arith.index_cast %add3A_790 : i32 to index
          %get3A_792 = arith.constant 32 : index
          %get3A_793 = tpu.vector_load %arg11[%get3A_791, %get3A_792] {strides = array<i32>} : memref<128x128xf32, #tpu.memory_space<vmem>>, vector<16xf32>,
          %add3A_794 = arith.addf %add3A_746, %get3A_793 : vector<16xf32>
          %add3A_795 = arith.constant 4 : i32
          %add3A_796 = arith.addi %add3A_584, %add3A_795 : i32
          %get3A_797 = arith.index_cast %add3A_796 : i32 to index
          %get3A_798 = arith.constant 48 : index
          %get3A_799 = tpu.vector_load %arg11[%get3A_797, %get3A_798] {strides = array<i32>} : memref<128x128xf32, #tpu.memory_space<vmem>>, vector<16xf32>,
          %add3A_800 = arith.addf %add3A_752, %get3A_799 : vector<16xf32>
          %add3A_801 = arith.constant 4 : i32
          %add3A_802 = arith.addi %add3A_584, %add3A_801 : i32
          %get3A_803 = arith.index_cast %add3A_802 : i32 to index
          %get3A_804 = arith.constant 64 : index
          %get3A_805 = tpu.vector_load %arg11[%get3A_803, %get3A_804] {strides = array<i32>} : memref<128x128xf32, #tpu.memory_space<vmem>>, vector<16xf32>,
          %add3A_806 = arith.addf %add3A_758, %get3A_805 : vector<16xf32>
          %add3A_807 = arith.constant 4 : i32
          %add3A_808 = arith.addi %add3A_584, %add3A_807 : i32
          %get3A_809 = arith.index_cast %add3A_808 : i32 to index
          %get3A_810 = arith.constant 80 : index
          %get3A_811 = tpu.vector_load %arg11[%get3A_809, %get3A_810] {strides = array<i32>} : memref<128x128xf32, #tpu.memory_space<vmem>>, vector<16xf32>,
          %add3A_812 = arith.addf %add3A_764, %get3A_811 : vector<16xf32>
          %add3A_813 = arith.constant 4 : i32
          %add3A_814 = arith.addi %add3A_584, %add3A_813 : i32
          %get3A_815 = arith.index_cast %add3A_814 : i32 to index
          %get3A_816 = arith.constant 96 : index
          %get3A_817 = tpu.vector_load %arg11[%get3A_815, %get3A_816] {strides = array<i32>} : memref<128x128xf32, #tpu.memory_space<vmem>>, vector<16xf32>,
          %add3A_818 = arith.addf %add3A_770, %get3A_817 : vector<16xf32>
          %add3A_819 = arith.constant 4 : i32
          %add3A_820 = arith.addi %add3A_584, %add3A_819 : i32
          %get3A_821 = arith.index_cast %add3A_820 : i32 to index
          %get3A_822 = arith.constant 112 : index
          %get3A_823 = tpu.vector_load %arg11[%get3A_821, %get3A_822] {strides = array<i32>} : memref<128x128xf32, #tpu.memory_space<vmem>>, vector<16xf32>,
          %add3A_824 = arith.addf %add3A_776, %get3A_823 : vector<16xf32>
          %add3A_825 = arith.constant 5 : i32
          %add3A_826 = arith.addi %add3A_584, %add3A_825 : i32
          %get3A_827 = arith.index_cast %add3A_826 : i32 to index
          %get3A_828 = arith.constant 0 : index
          %get3A_829 = tpu.vector_load %arg11[%get3A_827, %get3A_828] {strides = array<i32>} : memref<128x128xf32, #tpu.memory_space<vmem>>, vector<16xf32>,
          %add3A_830 = arith.addf %add3A_782, %get3A_829 : vector<16xf32>
          %add3A_831 = arith.constant 5 : i32
          %add3A_832 = arith.addi %add3A_584, %add3A_831 : i32
          %get3A_833 = arith.index_cast %add3A_832 : i32 to index
          %get3A_834 = arith.constant 16 : index
          %get3A_835 = tpu.vector_load %arg11[%get3A_833, %get3A_834] {strides = array<i32>} : memref<128x128xf32, #tpu.memory_space<vmem>>, vector<16xf32>,
          %add3A_836 = arith.addf %add3A_788, %get3A_835 : vector<16xf32>
          %add3A_837 = arith.constant 5 : i32
          %add3A_838 = arith.addi %add3A_584, %add3A_837 : i32
          %get3A_839 = arith.index_cast %add3A_838 : i32 to index
          %get3A_840 = arith.constant 32 : index
          %get3A_841 = tpu.vector_load %arg11[%get3A_839, %get3A_840] {strides = array<i32>} : memref<128x128xf32, #tpu.memory_space<vmem>>, vector<16xf32>,
          %add3A_842 = arith.addf %add3A_794, %get3A_841 : vector<16xf32>
          %add3A_843 = arith.constant 5 : i32
          %add3A_844 = arith.addi %add3A_584, %add3A_843 : i32
          %get3A_845 = arith.index_cast %add3A_844 : i32 to index
          %get3A_846 = arith.constant 48 : index
          %get3A_847 = tpu.vector_load %arg11[%get3A_845, %get3A_846] {strides = array<i32>} : memref<128x128xf32, #tpu.memory_space<vmem>>, vector<16xf32>,
          %add3A_848 = arith.addf %add3A_800, %get3A_847 : vector<16xf32>
          %add3A_849 = arith.constant 5 : i32
          %add3A_850 = arith.addi %add3A_584, %add3A_849 : i32
          %get3A_851 = arith.index_cast %add3A_850 : i32 to index
          %get3A_852 = arith.constant 64 : index
          %get3A_853 = tpu.vector_load %arg11[%get3A_851, %get3A_852] {strides = array<i32>} : memref<128x128xf32, #tpu.memory_space<vmem>>, vector<16xf32>,
          %add3A_854 = arith.addf %add3A_806, %get3A_853 : vector<16xf32>
          %add3A_855 = arith.constant 5 : i32
          %add3A_856 = arith.addi %add3A_584, %add3A_855 : i32
          %get3A_857 = arith.index_cast %add3A_856 : i32 to index
          %get3A_858 = arith.constant 80 : index
          %get3A_859 = tpu.vector_load %arg11[%get3A_857, %get3A_858] {strides = array<i32>} : memref<128x128xf32, #tpu.memory_space<vmem>>, vector<16xf32>,
          %add3A_860 = arith.addf %add3A_812, %get3A_859 : vector<16xf32>
          %add3A_861 = arith.constant 5 : i32
          %add3A_862 = arith.addi %add3A_584, %add3A_861 : i32
          %get3A_863 = arith.index_cast %add3A_862 : i32 to index
          %get3A_864 = arith.constant 96 : index
          %get3A_865 = tpu.vector_load %arg11[%get3A_863, %get3A_864] {strides = array<i32>} : memref<128x128xf32, #tpu.memory_space<vmem>>, vector<16xf32>,
          %add3A_866 = arith.addf %add3A_818, %get3A_865 : vector<16xf32>
          %add3A_867 = arith.constant 5 : i32
          %add3A_868 = arith.addi %add3A_584, %add3A_867 : i32
          %get3A_869 = arith.index_cast %add3A_868 : i32 to index
          %get3A_870 = arith.constant 112 : index
          %get3A_871 = tpu.vector_load %arg11[%get3A_869, %get3A_870] {strides = array<i32>} : memref<128x128xf32, #tpu.memory_space<vmem>>, vector<16xf32>,
          %add3A_872 = arith.addf %add3A_824, %get3A_871 : vector<16xf32>
          %add3A_873 = arith.constant 6 : i32
          %add3A_874 = arith.addi %add3A_584, %add3A_873 : i32
          %get3A_875 = arith.index_cast %add3A_874 : i32 to index
          %get3A_876 = arith.constant 0 : index
          %get3A_877 = tpu.vector_load %arg11[%get3A_875, %get3A_876] {strides = array<i32>} : memref<128x128xf32, #tpu.memory_space<vmem>>, vector<16xf32>,
          %add3A_878 = arith.addf %add3A_830, %get3A_877 : vector<16xf32>
          %add3A_879 = arith.constant 6 : i32
          %add3A_880 = arith.addi %add3A_584, %add3A_879 : i32
          %get3A_881 = arith.index_cast %add3A_880 : i32 to index
          %get3A_882 = arith.constant 16 : index
          %get3A_883 = tpu.vector_load %arg11[%get3A_881, %get3A_882] {strides = array<i32>} : memref<128x128xf32, #tpu.memory_space<vmem>>, vector<16xf32>,
          %add3A_884 = arith.addf %add3A_836, %get3A_883 : vector<16xf32>
          %add3A_885 = arith.constant 6 : i32
          %add3A_886 = arith.addi %add3A_584, %add3A_885 : i32
          %get3A_887 = arith.index_cast %add3A_886 : i32 to index
          %get3A_888 = arith.constant 32 : index
          %get3A_889 = tpu.vector_load %arg11[%get3A_887, %get3A_888] {strides = array<i32>} : memref<128x128xf32, #tpu.memory_space<vmem>>, vector<16xf32>,
          %add3A_890 = arith.addf %add3A_842, %get3A_889 : vector<16xf32>
          %add3A_891 = arith.constant 6 : i32
          %add3A_892 = arith.addi %add3A_584, %add3A_891 : i32
          %get3A_893 = arith.index_cast %add3A_892 : i32 to index
          %get3A_894 = arith.constant 48 : index
          %get3A_895 = tpu.vector_load %arg11[%get3A_893, %get3A_894] {strides = array<i32>} : memref<128x128xf32, #tpu.memory_space<vmem>>, vector<16xf32>,
          %add3A_896 = arith.addf %add3A_848, %get3A_895 : vector<16xf32>
          %add3A_897 = arith.constant 6 : i32
          %add3A_898 = arith.addi %add3A_584, %add3A_897 : i32
          %get3A_899 = arith.index_cast %add3A_898 : i32 to index
          %get3A_900 = arith.constant 64 : index
          %get3A_901 = tpu.vector_load %arg11[%get3A_899, %get3A_900] {strides = array<i32>} : memref<128x128xf32, #tpu.memory_space<vmem>>, vector<16xf32>,
          %add3A_902 = arith.addf %add3A_854, %get3A_901 : vector<16xf32>
          %add3A_903 = arith.constant 6 : i32
          %add3A_904 = arith.addi %add3A_584, %add3A_903 : i32
          %get3A_905 = arith.index_cast %add3A_904 : i32 to index
          %get3A_906 = arith.constant 80 : index
          %get3A_907 = tpu.vector_load %arg11[%get3A_905, %get3A_906] {strides = array<i32>} : memref<128x128xf32, #tpu.memory_space<vmem>>, vector<16xf32>,
          %add3A_908 = arith.addf %add3A_860, %get3A_907 : vector<16xf32>
          %add3A_909 = arith.constant 6 : i32
          %add3A_910 = arith.addi %add3A_584, %add3A_909 : i32
          %get3A_911 = arith.index_cast %add3A_910 : i32 to index
          %get3A_912 = arith.constant 96 : index
          %get3A_913 = tpu.vector_load %arg11[%get3A_911, %get3A_912] {strides = array<i32>} : memref<128x128xf32, #tpu.memory_space<vmem>>, vector<16xf32>,
          %add3A_914 = arith.addf %add3A_866, %get3A_913 : vector<16xf32>
          %add3A_915 = arith.constant 6 : i32
          %add3A_916 = arith.addi %add3A_584, %add3A_915 : i32
          %get3A_917 = arith.index_cast %add3A_916 : i32 to index
          %get3A_918 = arith.constant 112 : index
          %get3A_919 = tpu.vector_load %arg11[%get3A_917, %get3A_918] {strides = array<i32>} : memref<128x128xf32, #tpu.memory_space<vmem>>, vector<16xf32>,
          %add3A_920 = arith.addf %add3A_872, %get3A_919 : vector<16xf32>
          %add3A_921 = arith.constant 7 : i32
          %add3A_922 = arith.addi %add3A_584, %add3A_921 : i32
          %get3A_923 = arith.index_cast %add3A_922 : i32 to index
          %get3A_924 = arith.constant 0 : index
          %get3A_925 = tpu.vector_load %arg11[%get3A_923, %get3A_924] {strides = array<i32>} : memref<128x128xf32, #tpu.memory_space<vmem>>, vector<16xf32>,
          %add3A_926 = arith.addf %add3A_878, %get3A_925 : vector<16xf32>
          %add3A_927 = arith.constant 7 : i32
          %add3A_928 = arith.addi %add3A_584, %add3A_927 : i32
          %get3A_929 = arith.index_cast %add3A_928 : i32 to index
          %get3A_930 = arith.constant 16 : index
          %get3A_931 = tpu.vector_load %arg11[%get3A_929, %get3A_930] {strides = array<i32>} : memref<128x128xf32, #tpu.memory_space<vmem>>, vector<16xf32>,
          %add3A_932 = arith.addf %add3A_884, %get3A_931 : vector<16xf32>
          %add3A_933 = arith.constant 7 : i32
          %add3A_934 = arith.addi %add3A_584, %add3A_933 : i32
          %get3A_935 = arith.index_cast %add3A_934 : i32 to index
          %get3A_936 = arith.constant 32 : index
          %get3A_937 = tpu.vector_load %arg11[%get3A_935, %get3A_936] {strides = array<i32>} : memref<128x128xf32, #tpu.memory_space<vmem>>, vector<16xf32>,
          %add3A_938 = arith.addf %add3A_890, %get3A_937 : vector<16xf32>
          %add3A_939 = arith.constant 7 : i32
          %add3A_940 = arith.addi %add3A_584, %add3A_939 : i32
          %get3A_941 = arith.index_cast %add3A_940 : i32 to index
          %get3A_942 = arith.constant 48 : index
          %get3A_943 = tpu.vector_load %arg11[%get3A_941, %get3A_942] {strides = array<i32>} : memref<128x128xf32, #tpu.memory_space<vmem>>, vector<16xf32>,
          %add3A_944 = arith.addf %add3A_896, %get3A_943 : vector<16xf32>
          %add3A_945 = arith.constant 7 : i32
          %add3A_946 = arith.addi %add3A_584, %add3A_945 : i32
          %get3A_947 = arith.index_cast %add3A_946 : i32 to index
          %get3A_948 = arith.constant 64 : index
          %get3A_949 = tpu.vector_load %arg11[%get3A_947, %get3A_948] {strides = array<i32>} : memref<128x128xf32, #tpu.memory_space<vmem>>, vector<16xf32>,
          %add3A_950 = arith.addf %add3A_902, %get3A_949 : vector<16xf32>
          %add3A_951 = arith.constant 7 : i32
          %add3A_952 = arith.addi %add3A_584, %add3A_951 : i32
          %get3A_953 = arith.index_cast %add3A_952 : i32 to index
          %get3A_954 = arith.constant 80 : index
          %get3A_955 = tpu.vector_load %arg11[%get3A_953, %get3A_954] {strides = array<i32>} : memref<128x128xf32, #tpu.memory_space<vmem>>, vector<16xf32>,
          %add3A_956 = arith.addf %add3A_908, %get3A_955 : vector<16xf32>
          %add3A_957 = arith.constant 7 : i32
          %add3A_958 = arith.addi %add3A_584, %add3A_957 : i32
          %get3A_959 = arith.index_cast %add3A_958 : i32 to index
          %get3A_960 = arith.constant 96 : index
          %get3A_961 = tpu.vector_load %arg11[%get3A_959, %get3A_960] {strides = array<i32>} : memref<128x128xf32, #tpu.memory_space<vmem>>, vector<16xf32>,
          %add3A_962 = arith.addf %add3A_914, %get3A_961 : vector<16xf32>
          %add3A_963 = arith.constant 7 : i32
          %add3A_964 = arith.addi %add3A_584, %add3A_963 : i32
          %get3A_965 = arith.index_cast %add3A_964 : i32 to index
          %get3A_966 = arith.constant 112 : index
          %get3A_967 = tpu.vector_load %arg11[%get3A_965, %get3A_966] {strides = array<i32>} : memref<128x128xf32, #tpu.memory_space<vmem>>, vector<16xf32>,
          %add3A_968 = arith.addf %add3A_920, %get3A_967 : vector<16xf32>
          scf.yield %add3A_926, %add3A_932, %add3A_938, %add3A_944, %add3A_950, %add3A_956, %add3A_962, %add3A_968 : vector<16xf32>, vector<16xf32>, vector<16xf32>, vector<16xf32>, vector<16xf32>, vector<16xf32>, vector<16xf32>, vector<16xf32>
        }
        %scan3A_469 = arith.constant 4 : i32
        %swap3A_470 = arith.index_cast %scan3A_460 : i32 to index
        %swap3A_471 = arith.constant 0 : index
        %swap3A_472 = tpu.vector_load %arg13[%swap3A_470, %swap3A_471] {strides = array<i32>} : memref<4x128xf32, #tpu.memory_space<vmem>>, vector<16xf32>,
        tpu.vector_store %arg13[%swap3A_470, %swap3A_471], %scan3A_468#0 {strides = array<i32>} : memref<4x128xf32, #tpu.memory_space<vmem>>, vector<16xf32>,
        %add3A_473 = arith.constant 32 : i32
        %add3A_474 = arith.addi %mul3A_462, %add3A_473 : i32
        %sub3A_475 = arith.constant 1 : i32
        %sub3A_476 = arith.subi %add3A_474, %sub3A_475 : i32
        %get3A = arith.index_cast %sub3A_476 : i32 to index
        %get3A_477 = arith.constant 0 : index
        %get3A_478 = tpu.vector_load %arg11[%get3A, %get3A_477] {strides = array<i32>} : memref<128x128xf32, #tpu.memory_space<vmem>>, vector<16xf32>,
        %swap3A_479 = arith.index_cast %scan3A_460 : i32 to index
        %swap3A_480 = arith.constant 0 : index
        %swap3A_481 = tpu.vector_load %arg15[%swap3A_479, %swap3A_480] {strides = array<i32>} : memref<4x128xf32, #tpu.memory_space<vmem>>, vector<16xf32>,
        tpu.vector_store %arg15[%swap3A_479, %swap3A_480], %get3A_478 {strides = array<i32>} : memref<4x128xf32, #tpu.memory_space<vmem>>, vector<16xf32>,
        %swap3A_482 = arith.index_cast %scan3A_460 : i32 to index
        %swap3A_483 = arith.constant 16 : index
        %swap3A_484 = tpu.vector_load %arg13[%swap3A_482, %swap3A_483] {strides = array<i32>} : memref<4x128xf32, #tpu.memory_space<vmem>>, vector<16xf32>,
        tpu.vector_store %arg13[%swap3A_482, %swap3A_483], %scan3A_468#1 {strides = array<i32>} : memref<4x128xf32, #tpu.memory_space<vmem>>, vector<16xf32>,
        %add3A_485 = arith.constant 32 : i32
        %add3A_486 = arith.addi %mul3A_462, %add3A_485 : i32
        %sub3A_487 = arith.constant 1 : i32
        %sub3A_488 = arith.subi %add3A_486, %sub3A_487 : i32
        %get3A_489 = arith.index_cast %sub3A_488 : i32 to index
        %get3A_490 = arith.constant 16 : index
        %get3A_491 = tpu.vector_load %arg11[%get3A_489, %get3A_490] {strides = array<i32>} : memref<128x128xf32, #tpu.memory_space<vmem>>, vector<16xf32>,
        %swap3A_492 = arith.index_cast %scan3A_460 : i32 to index
        %swap3A_493 = arith.constant 16 : index
        %swap3A_494 = tpu.vector_load %arg15[%swap3A_492, %swap3A_493] {strides = array<i32>} : memref<4x128xf32, #tpu.memory_space<vmem>>, vector<16xf32>,
        tpu.vector_store %arg15[%swap3A_492, %swap3A_493], %get3A_491 {strides = array<i32>} : memref<4x128xf32, #tpu.memory_space<vmem>>, vector<16xf32>,
        %swap3A_495 = arith.index_cast %scan3A_460 : i32 to index
        %swap3A_496 = arith.constant 32 : index
        %swap3A_497 = tpu.vector_load %arg13[%swap3A_495, %swap3A_496] {strides = array<i32>} : memref<4x128xf32, #tpu.memory_space<vmem>>, vector<16xf32>,
        tpu.vector_store %arg13[%swap3A_495, %swap3A_496], %scan3A_468#2 {strides = array<i32>} : memref<4x128xf32, #tpu.memory_space<vmem>>, vector<16xf32>,
        %add3A_498 = arith.constant 32 : i32
        %add3A_499 = arith.addi %mul3A_462, %add3A_498 : i32
        %sub3A_500 = arith.constant 1 : i32
        %sub3A_501 = arith.subi %add3A_499, %sub3A_500 : i32
        %get3A_502 = arith.index_cast %sub3A_501 : i32 to index
        %get3A_503 = arith.constant 32 : index
        %get3A_504 = tpu.vector_load %arg11[%get3A_502, %get3A_503] {strides = array<i32>} : memref<128x128xf32, #tpu.memory_space<vmem>>, vector<16xf32>,
        %swap3A_505 = arith.index_cast %scan3A_460 : i32 to index
        %swap3A_506 = arith.constant 32 : index
        %swap3A_507 = tpu.vector_load %arg15[%swap3A_505, %swap3A_506] {strides = array<i32>} : memref<4x128xf32, #tpu.memory_space<vmem>>, vector<16xf32>,
        tpu.vector_store %arg15[%swap3A_505, %swap3A_506], %get3A_504 {strides = array<i32>} : memref<4x128xf32, #tpu.memory_space<vmem>>, vector<16xf32>,
        %swap3A_508 = arith.index_cast %scan3A_460 : i32 to index
        %swap3A_509 = arith.constant 48 : index
        %swap3A_510 = tpu.vector_load %arg13[%swap3A_508, %swap3A_509] {strides = array<i32>} : memref<4x128xf32, #tpu.memory_space<vmem>>, vector<16xf32>,
        tpu.vector_store %arg13[%swap3A_508, %swap3A_509], %scan3A_468#3 {strides = array<i32>} : memref<4x128xf32, #tpu.memory_space<vmem>>, vector<16xf32>,
        %add3A_511 = arith.constant 32 : i32
        %add3A_512 = arith.addi %mul3A_462, %add3A_511 : i32
        %sub3A_513 = arith.constant 1 : i32
        %sub3A_514 = arith.subi %add3A_512, %sub3A_513 : i32
        %get3A_515 = arith.index_cast %sub3A_514 : i32 to index
        %get3A_516 = arith.constant 48 : index
        %get3A_517 = tpu.vector_load %arg11[%get3A_515, %get3A_516] {strides = array<i32>} : memref<128x128xf32, #tpu.memory_space<vmem>>, vector<16xf32>,
        %swap3A_518 = arith.index_cast %scan3A_460 : i32 to index
        %swap3A_519 = arith.constant 48 : index
        %swap3A_520 = tpu.vector_load %arg15[%swap3A_518, %swap3A_519] {strides = array<i32>} : memref<4x128xf32, #tpu.memory_space<vmem>>, vector<16xf32>,
        tpu.vector_store %arg15[%swap3A_518, %swap3A_519], %get3A_517 {strides = array<i32>} : memref<4x128xf32, #tpu.memory_space<vmem>>, vector<16xf32>,
        %swap3A_521 = arith.index_cast %scan3A_460 : i32 to index
        %swap3A_522 = arith.constant 64 : index
        %swap3A_523 = tpu.vector_load %arg13[%swap3A_521, %swap3A_522] {strides = array<i32>} : memref<4x128xf32, #tpu.memory_space<vmem>>, vector<16xf32>,
        tpu.vector_store %arg13[%swap3A_521, %swap3A_522], %scan3A_468#4 {strides = array<i32>} : memref<4x128xf32, #tpu.memory_space<vmem>>, vector<16xf32>,
        %add3A_524 = arith.constant 32 : i32
        %add3A_525 = arith.addi %mul3A_462, %add3A_524 : i32
        %sub3A_526 = arith.constant 1 : i32
        %sub3A_527 = arith.subi %add3A_525, %sub3A_526 : i32
        %get3A_528 = arith.index_cast %sub3A_527 : i32 to index
        %get3A_529 = arith.constant 64 : index
        %get3A_530 = tpu.vector_load %arg11[%get3A_528, %get3A_529] {strides = array<i32>} : memref<128x128xf32, #tpu.memory_space<vmem>>, vector<16xf32>,
        %swap3A_531 = arith.index_cast %scan3A_460 : i32 to index
        %swap3A_532 = arith.constant 64 : index
        %swap3A_533 = tpu.vector_load %arg15[%swap3A_531, %swap3A_532] {strides = array<i32>} : memref<4x128xf32, #tpu.memory_space<vmem>>, vector<16xf32>,
        tpu.vector_store %arg15[%swap3A_531, %swap3A_532], %get3A_530 {strides = array<i32>} : memref<4x128xf32, #tpu.memory_space<vmem>>, vector<16xf32>,
        %swap3A_534 = arith.index_cast %scan3A_460 : i32 to index
        %swap3A_535 = arith.constant 80 : index
        %swap3A_536 = tpu.vector_load %arg13[%swap3A_534, %swap3A_535] {strides = array<i32>} : memref<4x128xf32, #tpu.memory_space<vmem>>, vector<16xf32>,
        tpu.vector_store %arg13[%swap3A_534, %swap3A_535], %scan3A_468#5 {strides = array<i32>} : memref<4x128xf32, #tpu.memory_space<vmem>>, vector<16xf32>,
        %add3A_537 = arith.constant 32 : i32
        %add3A_538 = arith.addi %mul3A_462, %add3A_537 : i32
        %sub3A_539 = arith.constant 1 : i32
        %sub3A_540 = arith.subi %add3A_538, %sub3A_539 : i32
        %get3A_541 = arith.index_cast %sub3A_540 : i32 to index
        %get3A_542 = arith.constant 80 : index
        %get3A_543 = tpu.vector_load %arg11[%get3A_541, %get3A_542] {strides = array<i32>} : memref<128x128xf32, #tpu.memory_space<vmem>>, vector<16xf32>,
        %swap3A_544 = arith.index_cast %scan3A_460 : i32 to index
        %swap3A_545 = arith.constant 80 : index
        %swap3A_546 = tpu.vector_load %arg15[%swap3A_544, %swap3A_545] {strides = array<i32>} : memref<4x128xf32, #tpu.memory_space<vmem>>, vector<16xf32>,
        tpu.vector_store %arg15[%swap3A_544, %swap3A_545], %get3A_543 {strides = array<i32>} : memref<4x128xf32, #tpu.memory_space<vmem>>, vector<16xf32>,
        %swap3A_547 = arith.index_cast %scan3A_460 : i32 to index
        %swap3A_548 = arith.constant 96 : index
        %swap3A_549 = tpu.vector_load %arg13[%swap3A_547, %swap3A_548] {strides = array<i32>} : memref<4x128xf32, #tpu.memory_space<vmem>>, vector<16xf32>,
        tpu.vector_store %arg13[%swap3A_547, %swap3A_548], %scan3A_468#6 {strides = array<i32>} : memref<4x128xf32, #tpu.memory_space<vmem>>, vector<16xf32>,
        %add3A_550 = arith.constant 32 : i32
        %add3A_551 = arith.addi %mul3A_462, %add3A_550 : i32
        %sub3A_552 = arith.constant 1 : i32
        %sub3A_553 = arith.subi %add3A_551, %sub3A_552 : i32
        %get3A_554 = arith.index_cast %sub3A_553 : i32 to index
        %get3A_555 = arith.constant 96 : index
        %get3A_556 = tpu.vector_load %arg11[%get3A_554, %get3A_555] {strides = array<i32>} : memref<128x128xf32, #tpu.memory_space<vmem>>, vector<16xf32>,
        %swap3A_557 = arith.index_cast %scan3A_460 : i32 to index
        %swap3A_558 = arith.constant 96 : index
        %swap3A_559 = tpu.vector_load %arg15[%swap3A_557, %swap3A_558] {strides = array<i32>} : memref<4x128xf32, #tpu.memory_space<vmem>>, vector<16xf32>,
        tpu.vector_store %arg15[%swap3A_557, %swap3A_558], %get3A_556 {strides = array<i32>} : memref<4x128xf32, #tpu.memory_space<vmem>>, vector<16xf32>,
        %swap3A_560 = arith.index_cast %scan3A_460 : i32 to index
        %swap3A_561 = arith.constant 112 : index
        %swap3A_562 = tpu.vector_load %arg13[%swap3A_560, %swap3A_561] {strides = array<i32>} : memref<4x128xf32, #tpu.memory_space<vmem>>, vector<16xf32>,
        tpu.vector_store %arg13[%swap3A_560, %swap3A_561], %scan3A_468#7 {strides = array<i32>} : memref<4x128xf32, #tpu.memory_space<vmem>>, vector<16xf32>,
        %add3A_563 = arith.constant 32 : i32
        %add3A_564 = arith.addi %mul3A_462, %add3A_563 : i32
        %sub3A_565 = arith.constant 1 : i32
        %sub3A_566 = arith.subi %add3A_564, %sub3A_565 : i32
        %get3A_567 = arith.index_cast %sub3A_566 : i32 to index
        %get3A_568 = arith.constant 112 : index
        %get3A_569 = tpu.vector_load %arg11[%get3A_567, %get3A_568] {strides = array<i32>} : memref<128x128xf32, #tpu.memory_space<vmem>>, vector<16xf32>,
        %swap3A_570 = arith.index_cast %scan3A_460 : i32 to index
        %swap3A_571 = arith.constant 112 : index
        %swap3A_572 = tpu.vector_load %arg15[%swap3A_570, %swap3A_571] {strides = array<i32>} : memref<4x128xf32, #tpu.memory_space<vmem>>, vector<16xf32>,
        tpu.vector_store %arg15[%swap3A_570, %swap3A_571], %get3A_569 {strides = array<i32>} : memref<4x128xf32, #tpu.memory_space<vmem>>, vector<16xf32>,
      }
      %scan3A_451 = arith.constant 4 : i32
      %dma_start3A_452 = arith.constant 0 : i32
      %dma_start3A_453 = tpu.memref_slice %arg5[%mul3A_436, %dma_start3A_452] : memref<10240x128xf32, #tpu.memory_space<hbm>> -> memref<4x128xf32, #tpu.memory_space<hbm>>
      %dma_start3A_454 = arith.constant 0 : i32
      %dma_start3A_455 = tpu.memref_slice %arg5[%mul3A_436, %dma_start3A_454] : memref<10240x128xf32, #tpu.memory_space<hbm>> -> memref<4x128xf32, #tpu.memory_space<hbm>>
      tpu.enqueue_dma source(%arg13 : memref<4x128xf32, #tpu.memory_space<vmem>>) target(%dma_start3A_455 : memref<4x128xf32, #tpu.memory_space<hbm>>) target_semaphore(%arg19 : memref<!tpu.dma_semaphore, #tpu.memory_space<semaphore_mem>>)
      %dma_start3A_456 = arith.constant 0 : i32
      %dma_start3A_457 = tpu.memref_slice %arg6[%mul3A_436, %dma_start3A_456] : memref<10240x128xf32, #tpu.memory_space<hbm>> -> memref<4x128xf32, #tpu.memory_space<hbm>>
      %dma_start3A_458 = arith.constant 0 : i32
      %dma_start3A_459 = tpu.memref_slice %arg6[%mul3A_436, %dma_start3A_458] : memref<10240x128xf32, #tpu.memory_space<hbm>> -> memref<4x128xf32, #tpu.memory_space<hbm>>
      tpu.enqueue_dma source(%arg15 : memref<4x128xf32, #tpu.memory_space<vmem>>) target(%dma_start3A_459 : memref<4x128xf32, #tpu.memory_space<hbm>>) target_semaphore(%arg21 : memref<!tpu.dma_semaphore, #tpu.memory_space<semaphore_mem>>)
    }
    %scan3A_362 = arith.constant 40 : i32
    %add3A_363 = arith.constant 80 : i32
    %add3A_364 = arith.addi %mul3A_350, %add3A_363 : i32
    %sub3A = arith.constant 2 : i32
    %sub3A_365 = arith.subi %add3A_364, %sub3A : i32
    %mul3A_366 = arith.constant 4 : i32
    %mul3A_367 = arith.muli %sub3A_365, %mul3A_366 : i32
    %add3A_368 = arith.constant 80 : i32
    %add3A_369 = arith.addi %mul3A_350, %add3A_368 : i32
    %sub3A_370 = arith.constant 1 : i32
    %sub3A_371 = arith.subi %add3A_369, %sub3A_370 : i32
    %mul3A_372 = arith.constant 4 : i32
    %mul3A_373 = arith.muli %sub3A_371, %mul3A_372 : i32
    %dma_wait3A_374 = arith.constant 0 : i32
    %dma_wait3A_375 = tpu.memref_slice %arg5[%mul3A_367, %dma_wait3A_374] : memref<10240x128xf32, #tpu.memory_space<hbm>> -> memref<4x128xf32, #tpu.memory_space<hbm>>
    %dma_wait3A_376 = arith.constant 0 : i32
    %dma_wait3A_377 = tpu.memref_slice %arg5[%mul3A_367, %dma_wait3A_376] : memref<10240x128xf32, #tpu.memory_space<hbm>> -> memref<4x128xf32, #tpu.memory_space<hbm>>
    tpu.wait_dma2 semaphore(%arg18 : memref<!tpu.dma_semaphore, #tpu.memory_space<semaphore_mem>>) src(%arg12 : memref<4x128xf32, #tpu.memory_space<vmem>>) dst(%dma_wait3A_377 : memref<4x128xf32, #tpu.memory_space<hbm>>)
    %dma_wait3A_378 = arith.constant 0 : i32
    %dma_wait3A_379 = tpu.memref_slice %arg6[%mul3A_367, %dma_wait3A_378] : memref<10240x128xf32, #tpu.memory_space<hbm>> -> memref<4x128xf32, #tpu.memory_space<hbm>>
    %dma_wait3A_380 = arith.constant 0 : i32
    %dma_wait3A_381 = tpu.memref_slice %arg6[%mul3A_367, %dma_wait3A_380] : memref<10240x128xf32, #tpu.memory_space<hbm>> -> memref<4x128xf32, #tpu.memory_space<hbm>>
    tpu.wait_dma2 semaphore(%arg20 : memref<!tpu.dma_semaphore, #tpu.memory_space<semaphore_mem>>) src(%arg14 : memref<4x128xf32, #tpu.memory_space<vmem>>) dst(%dma_wait3A_381 : memref<4x128xf32, #tpu.memory_space<hbm>>)
    %dma_wait3A_382 = arith.constant 0 : i32
    %dma_wait3A_383 = tpu.memref_slice %arg5[%mul3A_373, %dma_wait3A_382] : memref<10240x128xf32, #tpu.memory_space<hbm>> -> memref<4x128xf32, #tpu.memory_space<hbm>>
    %dma_wait3A_384 = arith.constant 0 : i32
    %dma_wait3A_385 = tpu.memref_slice %arg5[%mul3A_373, %dma_wait3A_384] : memref<10240x128xf32, #tpu.memory_space<hbm>> -> memref<4x128xf32, #tpu.memory_space<hbm>>
    tpu.wait_dma2 semaphore(%arg19 : memref<!tpu.dma_semaphore, #tpu.memory_space<semaphore_mem>>) src(%arg13 : memref<4x128xf32, #tpu.memory_space<vmem>>) dst(%dma_wait3A_385 : memref<4x128xf32, #tpu.memory_space<hbm>>)
    %dma_wait3A_386 = arith.constant 0 : i32
    %dma_wait3A_387 = tpu.memref_slice %arg6[%mul3A_373, %dma_wait3A_386] : memref<10240x128xf32, #tpu.memory_space<hbm>> -> memref<4x128xf32, #tpu.memory_space<hbm>>
    %dma_wait3A_388 = arith.constant 0 : i32
    %dma_wait3A_389 = tpu.memref_slice %arg6[%mul3A_373, %dma_wait3A_388] : memref<10240x128xf32, #tpu.memory_space<hbm>> -> memref<4x128xf32, #tpu.memory_space<hbm>>
    tpu.wait_dma2 semaphore(%arg21 : memref<!tpu.dma_semaphore, #tpu.memory_space<semaphore_mem>>) src(%arg15 : memref<4x128xf32, #tpu.memory_space<vmem>>) dst(%dma_wait3A_389 : memref<4x128xf32, #tpu.memory_space<hbm>>)
    return
  }
}

module attributes {stable_mosaic.version = 14 : i64} {
  func.func @_tc_body(%arg0: i32, %arg1: memref<1024x128xf32, #tpu.memory_space<vmem>>, %arg2: memref<1024x128xf32, #tpu.memory_space<vmem>>, %arg3: memref<128x384xf32, #tpu.memory_space<vmem>>, %arg4: memref<128x384xf32, #tpu.memory_space<vmem>>, %arg5: memref<1x384xf32, #tpu.memory_space<vmem>>, %arg6: memref<1x384xf32, #tpu.memory_space<vmem>>, %arg7: memref<1x128xf32, #tpu.memory_space<vmem>>, %arg8: memref<1x128xf32, #tpu.memory_space<vmem>>, %arg9: memref<128x128xf32, #tpu.memory_space<vmem>>, %arg10: memref<1x128xf32, #tpu.memory_space<vmem>>, %arg11: memref<1024x128xf32, #tpu.memory_space<vmem>>) attributes {dimension_semantics = [#tpu.dimension_semantics<arbitrary>], iteration_bounds = array<i64: 10>, scalar_prefetch = 0 : i64, scratch_operands = 0 : i64, tpu.core_type = #tpu.core_type<tc>, window_params = [{transform_indices = @transform_0, window_bounds = array<i64: 1024, 128>}, {transform_indices = @transform_1, window_bounds = array<i64: 1024, 128>}, {pipeline_mode = #tpu.pipeline_mode<synchronous>, transform_indices = @transform_2, window_bounds = array<i64: 128, 384>}, {pipeline_mode = #tpu.pipeline_mode<synchronous>, transform_indices = @transform_3, window_bounds = array<i64: 128, 384>}, {pipeline_mode = #tpu.pipeline_mode<synchronous>, transform_indices = @transform_4, window_bounds = array<i64: 1, 384>}, {pipeline_mode = #tpu.pipeline_mode<synchronous>, transform_indices = @transform_5, window_bounds = array<i64: 1, 384>}, {pipeline_mode = #tpu.pipeline_mode<synchronous>, transform_indices = @transform_6, window_bounds = array<i64: 1, 128>}, {pipeline_mode = #tpu.pipeline_mode<synchronous>, transform_indices = @transform_7, window_bounds = array<i64: 1, 128>}, {pipeline_mode = #tpu.pipeline_mode<synchronous>, transform_indices = @transform_8, window_bounds = array<i64: 128, 128>}, {pipeline_mode = #tpu.pipeline_mode<synchronous>, transform_indices = @transform_9, window_bounds = array<i64: 1, 128>}, {transform_indices = @transform_10, window_bounds = array<i64: 1024, 128>}]} {
    %get3A = arith.constant 0 : index
    %get3A_0 = arith.constant 0 : index
    %get3A_1 = vector.load %arg1[%get3A, %get3A_0] : memref<1024x128xf32, #tpu.memory_space<vmem>>, vector<1024x128xf32>
    %get3A_2 = arith.constant 0 : index
    %get3A_3 = arith.constant 0 : index
    %get3A_4 = vector.load %arg2[%get3A_2, %get3A_3] : memref<1024x128xf32, #tpu.memory_space<vmem>>, vector<1024x128xf32>
    %sub3A = arith.subf %get3A_4, %get3A_1 : vector<1024x128xf32>
    %get3A_5 = arith.constant 0 : index
    %get3A_6 = arith.constant 0 : index
    %get3A_7 = vector.load %arg3[%get3A_5, %get3A_6] : memref<128x384xf32, #tpu.memory_space<vmem>>, vector<128x384xf32>
    %dot_general3A = arith.constant dense<0.000000e+00> : vector<1024x384xf32>
    %dot_general3A_8 = tpu.matmul %get3A_1, %get3A_7, %dot_general3A {dimension_numbers = #tpu.dot_dimension_numbers<[1], [0], [0], [1], [0, 0, 1, 1], [], []>, transpose_lhs_hint = false} : vector<1024x128xf32>, vector<128x384xf32>, vector<1024x384xf32> -> vector<1024x384xf32>
    %get3A_9 = arith.constant 0 : index
    %get3A_10 = arith.constant 0 : index
    %get3A_11 = vector.load %arg5[%get3A_9, %get3A_10] : memref<1x384xf32, #tpu.memory_space<vmem>>, vector<1x384xf32>
    %add3A = vector.broadcast %get3A_11 : vector<1x384xf32> to vector<1024x384xf32>
    %add3A_12 = arith.addf %dot_general3A_8, %add3A : vector<1024x384xf32>
    %get3A_13 = arith.constant 0 : index
    %get3A_14 = arith.constant 0 : index
    %get3A_15 = vector.load %arg4[%get3A_13, %get3A_14] : memref<128x384xf32, #tpu.memory_space<vmem>>, vector<128x384xf32>
    %dot_general3A_16 = arith.constant dense<0.000000e+00> : vector<1024x384xf32>
    %dot_general3A_17 = tpu.matmul %sub3A, %get3A_15, %dot_general3A_16 {dimension_numbers = #tpu.dot_dimension_numbers<[1], [0], [0], [1], [0, 0, 1, 1], [], []>, transpose_lhs_hint = false} : vector<1024x128xf32>, vector<128x384xf32>, vector<1024x384xf32> -> vector<1024x384xf32>
    %get3A_18 = arith.constant 0 : index
    %get3A_19 = arith.constant 0 : index
    %get3A_20 = vector.load %arg6[%get3A_18, %get3A_19] : memref<1x384xf32, #tpu.memory_space<vmem>>, vector<1x384xf32>
    %add3A_21 = vector.broadcast %get3A_20 : vector<1x384xf32> to vector<1024x384xf32>
    %add3A_22 = arith.addf %dot_general3A_17, %add3A_21 : vector<1024x384xf32>
    %slice3A = vector.extract_strided_slice %add3A_12 {offsets = [0, 0], sizes = [1024, 128], strides = [1, 1]} : vector<1024x384xf32> to vector<1024x128xf32>
    %slice3A_23 = vector.extract_strided_slice %add3A_22 {offsets = [0, 0], sizes = [1024, 128], strides = [1, 1]} : vector<1024x384xf32> to vector<1024x128xf32>
    %add3A_24 = arith.addf %slice3A, %slice3A_23 : vector<1024x128xf32>
    %logistic3A = arith.negf %add3A_24 : vector<1024x128xf32>
    %logistic3A_25 = math.exp %logistic3A : vector<1024x128xf32>
    %logistic3A_26 = arith.constant 1.000000e+00 : f32
    %logistic3A_27 = vector.broadcast %logistic3A_26 : f32 to vector<1024x128xf32>
    %logistic3A_28 = arith.addf %logistic3A_27, %logistic3A_25 : vector<1024x128xf32>
    %logistic3A_29 = arith.divf %logistic3A_27, %logistic3A_28 : vector<1024x128xf32>
    %slice3A_30 = vector.extract_strided_slice %add3A_12 {offsets = [0, 128], sizes = [1024, 128], strides = [1, 1]} : vector<1024x384xf32> to vector<1024x128xf32>
    %slice3A_31 = vector.extract_strided_slice %add3A_22 {offsets = [0, 128], sizes = [1024, 128], strides = [1, 1]} : vector<1024x384xf32> to vector<1024x128xf32>
    %add3A_32 = arith.addf %slice3A_30, %slice3A_31 : vector<1024x128xf32>
    %logistic3A_33 = arith.negf %add3A_32 : vector<1024x128xf32>
    %logistic3A_34 = math.exp %logistic3A_33 : vector<1024x128xf32>
    %logistic3A_35 = arith.constant 1.000000e+00 : f32
    %logistic3A_36 = vector.broadcast %logistic3A_35 : f32 to vector<1024x128xf32>
    %logistic3A_37 = arith.addf %logistic3A_36, %logistic3A_34 : vector<1024x128xf32>
    %logistic3A_38 = arith.divf %logistic3A_36, %logistic3A_37 : vector<1024x128xf32>
    %slice3A_39 = vector.extract_strided_slice %add3A_12 {offsets = [0, 256], sizes = [1024, 128], strides = [1, 1]} : vector<1024x384xf32> to vector<1024x128xf32>
    %slice3A_40 = vector.extract_strided_slice %add3A_22 {offsets = [0, 256], sizes = [1024, 128], strides = [1, 1]} : vector<1024x384xf32> to vector<1024x128xf32>
    %mul3A = arith.mulf %logistic3A_29, %slice3A_40 : vector<1024x128xf32>
    %add3A_41 = arith.addf %slice3A_39, %mul3A : vector<1024x128xf32>
    %tanh3A = math.tanh %add3A_41 : vector<1024x128xf32>
    %sub3A_42 = arith.constant 1.000000e+00 : f32
    %sub3A_43 = vector.broadcast %sub3A_42 : f32 to vector<1024x128xf32>
    %sub3A_44 = arith.subf %sub3A_43, %logistic3A_38 : vector<1024x128xf32>
    %mul3A_45 = arith.mulf %sub3A_44, %tanh3A : vector<1024x128xf32>
    %mul3A_46 = arith.mulf %logistic3A_38, %sub3A : vector<1024x128xf32>
    %add3A_47 = arith.addf %mul3A_45, %mul3A_46 : vector<1024x128xf32>
    %reduce_sum3A = arith.constant dense<0.000000e+00> : vector<1024xf32>
    %reduce_sum3A_48 = vector.multi_reduction <add>, %add3A_47, %reduce_sum3A [1] : vector<1024x128xf32> to vector<1024xf32>
    %broadcast_in_dim3A = vector.shape_cast %reduce_sum3A_48 : vector<1024xf32> to vector<1024x1xf32>
    %div3A = arith.constant 1.280000e+02 : f32
    %div3A_49 = vector.broadcast %div3A : f32 to vector<1024x1xf32>
    %div3A_50 = arith.divf %broadcast_in_dim3A, %div3A_49 : vector<1024x1xf32>
    %sub3A_51 = vector.broadcast %div3A_50 : vector<1024x1xf32> to vector<1024x128xf32>
    %sub3A_52 = arith.subf %add3A_47, %sub3A_51 : vector<1024x128xf32>
    %integer_pow3A = arith.mulf %sub3A_52, %sub3A_52 : vector<1024x128xf32>
    %reduce_sum3A_53 = arith.constant dense<0.000000e+00> : vector<1024xf32>
    %reduce_sum3A_54 = vector.multi_reduction <add>, %integer_pow3A, %reduce_sum3A_53 [1] : vector<1024x128xf32> to vector<1024xf32>
    %broadcast_in_dim3A_55 = vector.shape_cast %reduce_sum3A_54 : vector<1024xf32> to vector<1024x1xf32>
    %div3A_56 = arith.constant 1.280000e+02 : f32
    %div3A_57 = vector.broadcast %div3A_56 : f32 to vector<1024x1xf32>
    %div3A_58 = arith.divf %broadcast_in_dim3A_55, %div3A_57 : vector<1024x1xf32>
    %get3A_59 = arith.constant 0 : index
    %get3A_60 = arith.constant 0 : index
    %get3A_61 = vector.load %arg7[%get3A_59, %get3A_60] : memref<1x128xf32, #tpu.memory_space<vmem>>, vector<1x128xf32>
    %sub3A_62 = vector.broadcast %div3A_50 : vector<1024x1xf32> to vector<1024x128xf32>
    %sub3A_63 = arith.subf %add3A_47, %sub3A_62 : vector<1024x128xf32>
    %mul3A_64 = vector.broadcast %get3A_61 : vector<1x128xf32> to vector<1024x128xf32>
    %mul3A_65 = arith.mulf %mul3A_64, %sub3A_63 : vector<1024x128xf32>
    %add3A_66 = arith.constant 9.99999974E-6 : f32
    %add3A_67 = vector.broadcast %add3A_66 : f32 to vector<1024x1xf32>
    %add3A_68 = arith.addf %div3A_58, %add3A_67 : vector<1024x1xf32>
    %sqrt3A = math.sqrt %add3A_68 : vector<1024x1xf32>
    %div3A_69 = vector.broadcast %sqrt3A : vector<1024x1xf32> to vector<1024x128xf32>
    %div3A_70 = arith.divf %mul3A_65, %div3A_69 : vector<1024x128xf32>
    %get3A_71 = arith.constant 0 : index
    %get3A_72 = arith.constant 0 : index
    %get3A_73 = vector.load %arg8[%get3A_71, %get3A_72] : memref<1x128xf32, #tpu.memory_space<vmem>>, vector<1x128xf32>
    %add3A_74 = vector.broadcast %get3A_73 : vector<1x128xf32> to vector<1024x128xf32>
    %add3A_75 = arith.addf %div3A_70, %add3A_74 : vector<1024x128xf32>
    %get3A_76 = arith.constant 0 : index
    %get3A_77 = arith.constant 0 : index
    %get3A_78 = vector.load %arg9[%get3A_76, %get3A_77] : memref<128x128xf32, #tpu.memory_space<vmem>>, vector<128x128xf32>
    %dot_general3A_79 = arith.constant dense<0.000000e+00> : vector<1024x128xf32>
    %dot_general3A_80 = tpu.matmul %add3A_75, %get3A_78, %dot_general3A_79 {dimension_numbers = #tpu.dot_dimension_numbers<[1], [0], [0], [1], [0, 0, 1, 1], [], []>, transpose_lhs_hint = false} : vector<1024x128xf32>, vector<128x128xf32>, vector<1024x128xf32> -> vector<1024x128xf32>
    %get3A_81 = arith.constant 0 : index
    %get3A_82 = arith.constant 0 : index
    %get3A_83 = vector.load %arg10[%get3A_81, %get3A_82] : memref<1x128xf32, #tpu.memory_space<vmem>>, vector<1x128xf32>
    %add3A_84 = vector.broadcast %get3A_83 : vector<1x128xf32> to vector<1024x128xf32>
    %add3A_85 = arith.addf %dot_general3A_80, %add3A_84 : vector<1024x128xf32>
    %swap3A = arith.constant 0 : index
    %swap3A_86 = arith.constant 0 : index
    %swap3A_87 = vector.load %arg11[%swap3A, %swap3A_86] : memref<1024x128xf32, #tpu.memory_space<vmem>>, vector<1024x128xf32>
    tpu.vector_store %arg11[%swap3A, %swap3A_86], %add3A_85 {strides = array<i32>} : memref<1024x128xf32, #tpu.memory_space<vmem>>, vector<1024x128xf32>,
    return
  }
  func.func @transform_0(%arg0: i32) -> (i32, i32) {
    %c0_i32 = arith.constant 0 : i32
    %c0_i32_0 = arith.constant 0 : i32
    return %arg0, %c0_i32 : i32, i32
  }
  func.func @transform_1(%arg0: i32) -> (i32, i32) {
    %c0_i32 = arith.constant 0 : i32
    %c0_i32_0 = arith.constant 0 : i32
    return %arg0, %c0_i32 : i32, i32
  }
  func.func @transform_2(%arg0: i32) -> (i32, i32) {
    %c0_i32 = arith.constant 0 : i32
    %c0_i32_0 = arith.constant 0 : i32
    %c0_i32_1 = arith.constant 0 : i32
    return %c0_i32, %c0_i32_0 : i32, i32
  }
  func.func @transform_3(%arg0: i32) -> (i32, i32) {
    %c0_i32 = arith.constant 0 : i32
    %c0_i32_0 = arith.constant 0 : i32
    %c0_i32_1 = arith.constant 0 : i32
    return %c0_i32, %c0_i32_0 : i32, i32
  }
  func.func @transform_4(%arg0: i32) -> (i32, i32) {
    %c0_i32 = arith.constant 0 : i32
    %c0_i32_0 = arith.constant 0 : i32
    %c0_i32_1 = arith.constant 0 : i32
    return %c0_i32, %c0_i32_0 : i32, i32
  }
  func.func @transform_5(%arg0: i32) -> (i32, i32) {
    %c0_i32 = arith.constant 0 : i32
    %c0_i32_0 = arith.constant 0 : i32
    %c0_i32_1 = arith.constant 0 : i32
    return %c0_i32, %c0_i32_0 : i32, i32
  }
  func.func @transform_6(%arg0: i32) -> (i32, i32) {
    %c0_i32 = arith.constant 0 : i32
    %c0_i32_0 = arith.constant 0 : i32
    %c0_i32_1 = arith.constant 0 : i32
    return %c0_i32, %c0_i32_0 : i32, i32
  }
  func.func @transform_7(%arg0: i32) -> (i32, i32) {
    %c0_i32 = arith.constant 0 : i32
    %c0_i32_0 = arith.constant 0 : i32
    %c0_i32_1 = arith.constant 0 : i32
    return %c0_i32, %c0_i32_0 : i32, i32
  }
  func.func @transform_8(%arg0: i32) -> (i32, i32) {
    %c0_i32 = arith.constant 0 : i32
    %c0_i32_0 = arith.constant 0 : i32
    %c0_i32_1 = arith.constant 0 : i32
    return %c0_i32, %c0_i32_0 : i32, i32
  }
  func.func @transform_9(%arg0: i32) -> (i32, i32) {
    %c0_i32 = arith.constant 0 : i32
    %c0_i32_0 = arith.constant 0 : i32
    %c0_i32_1 = arith.constant 0 : i32
    return %c0_i32, %c0_i32_0 : i32, i32
  }
  func.func @transform_10(%arg0: i32) -> (i32, i32) {
    %c0_i32 = arith.constant 0 : i32
    %c0_i32_0 = arith.constant 0 : i32
    return %arg0, %c0_i32 : i32, i32
  }
}

</mosaic_0001>

<sc_bundles>
// kernel: kernel.4.cloned.1.call-start
scs
__scs_entry_jumppad:
0x0: {  	(pc) =	sbr.rel $0x88, $3  }
0x1: {  	(tag) =	ssettag $0x0;
	lr =	simm.s32 $0x1  }
0x2: {  	[smem:$0x3F96] =	sst lr;
	_ =	strace $0xD0000000  }
0x3: {  	_ = 	snop  }
0x4: {  	_ = 	snop  }
0x5: {  	_ = 	snop  }
0x6: {  	_ = 	snop  }
0x7: {  	_ = 	snop  }
__scs_overlays_trampoline_lowered:
0x8: {  	[smem:$0x3FA5] =	sst s0  }
0x9: {  	[smem:$0x3FA6] =	sst s1  }
0xa: {  	[smem:$0x3FA7] =	sst s2  }
0xb: {  	[smem:$0x3FA8] =	sst s3  }
0xc: {  	[smem:$0x3FA9] =	sst s4  }
0xd: {  	[smem:$0x3FAA] =	sst s5  }
0xe: {  	[smem:$0x3FAB] =	sst s6  }
0xf: {  	[smem:$0x3FAC] =	sst s7  }
0x10: {  	[smem:$0x3FAD] =	sst s8  }
0x11: {  	[smem:$0x3FAE] =	sst s9;
	s0 =	simm.s32 @!p0 $0x0  }
0x12: {  	s1 =	sld [smem:$0x3F94];
	s0 =	simm.s32 @p0 $0x1  }
0x13: {  	[smem:$0x3FAF] =	sst s0;
	s0 =	simm.s32 @!p1 $0x0  }
0x14: {  	s2 =	sld [smem:$0x3F93];
	s0 =	simm.s32 @p1 $0x1  }
0x15: {  	[smem:$0x3FB0] =	sst s0;
	s0 =	simm.s32 @!p2 $0x0  }
0x16: {  	s3 =	sld [smem:$0x3FDB];
	s0 =	simm.s32 @p2 $0x1  }
0x17: {  	s4 =	simm.s32 $0x1BF5;
	[smem:$0x3FB2] =	sst s0  }
0x18: {  	s0 =	sld [smem:$0x3F95];
	_ =	swait.ge [sflag:s4], $0x0  }
0x19: {  	s7 =	sld [smem:$0x3F96]  }
0x1a: {  	s8 =	sadd.s32 $0xFFFFE003, lr  }
0x1b: {  	s9 =	sadd.s32 $0xFFFFFEF7, lr;
	s5 =	simm.s32 $0xFFFFFFFF;
	p2 =	slt.u32 s8, $0xFFFFF086  }
0x1c: {  	p1 =	slt.u32 s9, $0xF7A;
	s5 =	simm.s32 @!p2 $0x0  }
0x1d: {  	s5 =	simm.s32 @p1 $0x1;
	p0 =	seq.s32 s7, s2  }
0x1e: {  	s7 =	smul.u32 @!p0 $0xF7A, s2;
	p2 =	seq.s32 @!p0 s5, $0x0  }
0x1f: {  	s9 =	smul.u32 $0xF7A, s1;
	s8 =	simm.s32 @!p0 $0x1BF5;
	p2 =	por !p2, p0  }
0x20: {  	[sflag:s8] =	ssyncset.s32 @!p0 $0xFFFFF086;
	s6 =	sadd.s32 @!p0 s3, s7;
	s7 =	simm.s32 @!p0 $0x108  }
0x21: {  	s3 =	sadd.s32 s3, s9;
	s6 =	sadd.s32 @!p0 $0x88, s6;
	s7 =	simm.s32 @p2 $0x1082  }
0x22: {  	[simem:s7], [sflag:s8] =	dma.local @!p0 [hbm:s6], $0xF7A  }
0x23: {  	s9 =	sor.u32 $0xD0000000, s2;
	s6 =	simm.s32 $0x108;
	_ =	swait.ge @!p0 [sflag:s8], $0x0  }
0x24: {  	s3 =	sadd.s32 $0x88, s3;
	s6 =	simm.s32 @!p1 $0x1082;
	[sflag:s4] =	ssyncset.s32 $0xFFFFF086  }
0x25: {  	[simem:s6], [sflag:s4] =	dma.local [hbm:s3], $0xF7A  }
0x26: {  	[smem:$0x3F96] =	sst s1;
	(tag) =	ssettag s2;
	_ =	strace s9  }
0x27: {  	s1 =	sld [smem:$0x3FA6]  }
0x28: {  	s2 =	sld [smem:$0x3FA7]  }
0x29: {  	s4 =	sld [smem:$0x3FA9]  }
0x2a: {  	p0 =	seq.s32 s5, $0x0;
	s5 =	sld [smem:$0x3FAA]  }
0x2b: {  	s6 =	sld [smem:$0x3FAB]  }
0x2c: {  	s7 =	sld [smem:$0x3FAC]  }
0x2d: {  	s3 =	simm.s32 $0x108;
	s8 =	sld [smem:$0x3FAD]  }
0x2e: {  	s3 =	simm.s32 @!p0 $0x1082;
	s9 =	sld [smem:$0x3FAE]  }
0x2f: {  	lr =	sadd.s32 s0, s3;
	s0 =	sld [smem:$0x3FA5]  }
0x30: {  	s3 =	sld [smem:$0x3FA8]  }
0x31: {  	[smem:$0x3FB1] =	sst s10  }
0x32: {  	s10 =	sld [smem:$0x3FAF];
	_ =	sdelay $0x3  }
0x33: {  	p0 =	seq.s32 s10, $0x1;
	s10 =	sld [smem:$0x3FB1];
	_ =	sdelay $0x3  }
0x34: {  	[smem:$0x3FB1] =	sst s10  }
0x35: {  	s10 =	sld [smem:$0x3FB0];
	_ =	sdelay $0x3  }
0x36: {  	p1 =	seq.s32 s10, $0x1;
	s10 =	sld [smem:$0x3FB1];
	_ =	sdelay $0x3  }
0x37: {  	[smem:$0x3FB1] =	sst s10  }
0x38: {  	s10 =	sld [smem:$0x3FB2]  }
0x39: {  	_ = 	snop;
	(pc) =	sbr.ind lr, $3  }
0x3a: {  	_ = 	snop  }
0x3b: {  	_ = 	snop  }
0x3c: {  	p2 =	seq.s32 s10, $0x1;
	s10 =	sld [smem:$0x3FB1]  }
0x3d: {  	_ =	shalt  }
0x3e: {  	_ =	shalt  }
0x3f: {  	_ =	shalt  }
0x40: {  	_ =	shalt  }
0x41: {  	_ =	shalt  }
0x42: {  	_ =	shalt  }
0x43: {  	_ =	shalt  }
0x44: {  	_ =	shalt  }
0x45: {  	_ =	shalt  }
0x46: {  	_ =	shalt  }
0x47: {  	_ =	shalt  }
0x48: {  	_ =	shalt  }
0x49: {  	_ =	shalt  }
0x4a: {  	_ =	shalt  }
0x4b: {  	_ =	shalt  }
0x4c: {  	_ =	shalt  }
0x4d: {  	_ =	shalt  }
0x4e: {  	_ =	shalt  }
0x4f: {  	_ =	shalt  }
0x50: {  	_ =	shalt  }
0x51: {  	_ =	shalt  }
0x52: {  	_ =	shalt  }
0x53: {  	_ =	shalt  }
0x54: {  	_ =	shalt  }
0x55: {  	_ =	shalt  }
0x56: {  	_ =	shalt  }
0x57: {  	_ =	shalt  }
0x58: {  	_ =	shalt  }
0x59: {  	_ =	shalt  }
0x5a: {  	_ =	shalt  }
0x5b: {  	_ =	shalt  }
0x5c: {  	_ =	shalt  }
0x5d: {  	_ =	shalt  }
0x5e: {  	_ =	shalt  }
0x5f: {  	_ =	shalt  }
0x60: {  	_ =	shalt  }
0x61: {  	_ =	shalt  }
0x62: {  	_ =	shalt  }
0x63: {  	_ =	shalt  }
0x64: {  	_ =	shalt  }
0x65: {  	_ =	shalt  }
0x66: {  	_ =	shalt  }
0x67: {  	_ =	shalt  }
0x68: {  	_ =	shalt  }
0x69: {  	_ =	shalt  }
0x6a: {  	_ =	shalt  }
0x6b: {  	_ =	shalt  }
0x6c: {  	_ =	shalt  }
0x6d: {  	_ =	shalt  }
0x6e: {  	_ =	shalt  }
0x6f: {  	_ =	shalt  }
0x70: {  	_ =	shalt  }
0x71: {  	_ =	shalt  }
0x72: {  	_ =	shalt  }
0x73: {  	_ =	shalt  }
0x74: {  	_ =	shalt  }
0x75: {  	_ =	shalt  }
0x76: {  	_ =	shalt  }
0x77: {  	_ =	shalt  }
0x78: {  	_ =	shalt  }
0x79: {  	_ =	shalt  }
0x7a: {  	_ =	shalt  }
0x7b: {  	_ =	shalt  }
0x7c: {  	_ =	shalt  }
0x7d: {  	_ =	shalt  }
0x7e: {  	_ =	shalt  }
0x7f: {  	_ =	shalt  }
0x80: {  	_ =	shalt  }
0x81: {  	_ =	shalt  }
0x82: {  	_ =	shalt  }
0x83: {  	_ =	shalt  }
0x84: {  	_ =	shalt  }
0x85: {  	_ =	shalt  }
0x86: {  	_ =	shalt  }
0x87: {  	_ =	shalt  }
.Lfunc_end0:
.L_simem_size_0:
called_computation_lowered:
.L_overlay_start_0:
0x88: {  	s2 =	sld [smem:$0x3FD9]  }
0x89: {  	s3 =	sld [smem:$0x3FFE];
	_ =	sdelay $0x1  }
0x8a: {  	s1 =	srdreg.scid  }
0x8b: {  	s0 =	sand.u32 $0x1, s1  }
0x8c: {  	s17 =	sshll.u32 s0, $0xA;
	s2 =	sadd.s32 s3, s2  }
0x8d: {  	s2 =	sadd.s32 s2, s17  }
0x8e: {  	[smem:$0x3FBD] =	sst s2  }
0x8f: {  	_ = 	snop  }
0x90: {  	s2 =	sld [smem:$0x3FC7]  }
0x91: {  	s18 =	sld [smem:$0x3FD0];
	(tm) =	ssettm $0x1  }
0x92: {  	s4 =	sld [smem:$0x3FFB];
	_ =	sdelay $0x3  }
0x93: {  	_ =	strace s4  }
0x94: {  	s4 =	sld [smem:$0x3FFC];
	_ =	sdelay $0x3  }
0x95: {  	_ =	strace s4  }
0x96: {  	s4 =	sld [smem:$0x3FFD];
	_ =	sdelay $0x3  }
0x97: {  	_ =	strace s4  }
0x98: {  	_ =	strace $0x8FFFFFFF  }
0x99: {  	s19 =	sld [smem:$0x3FDB];
	_ =	sdelay $0x1  }
0x9a: {  	s5 =	simm.s32 $_scs_section_size  }
0x9b: {  	s6 =	simm.s32 $_size__tile_overlayer_lowered;
	s7 =	simm.s32 $_tile_overlayer_lowered  }
0x9c: {  	s22 =	simm.s32 $0x1BFF;
	s21 =	sshll.u32 s7, $0x1;
	s4 =	sadd.s32 s5, s19  }
0x9d: {  	s8 =	simm.s32 $0x0;
	s20 =	sshll.u32 s6, $0x1;
	s6 =	sadd.s32 s21, s4  }
0x9e: {  	[timem:s8], [sflag:s22] =	dma.local [hbm:s6], s20  }
0x9f: {  	_ =	swait.ge [sflag:s22], s20  }
0xa0: {  	s5 =	ssub.s32 $0x0, s20;
	[sflag:s22] =	ssyncset.done $0x0  }
0xa1: {  	[sflag:s22] =	ssyncadd.s32 s5;
	_ =	sdelay $0x1  }
0xa2: {  	s23 =	simm.s32 $0x1B8B  }
0xa3: {  	_ =	swait.ge [sflag:s23], $0x1  }
0xa4: {  	[sflag:s23] =	ssyncset.done $0x0  }
0xa5: {  	s25 =	simm.s32 $0x1B8E;
	s24 =	sld [smem:$0x3FFE];
	[sflag:s23] =	ssyncadd.s32 $0xFFFFFFFF  }
0xa6: {  	s26 =	simm.s32 $execute0_lowered;
	[smem:$0x3FD2] =	sst s25  }
0xa7: {  	s6 =	sshll.u32 s26, $0x1;
	_ =	strace $0x80000046;
	[dreg:$0x1] =	wrdreg $0xFFFFFFFF  }
0xa8: {  	s28 =	simm.s32 $_size_execute0_lowered;
	s4 =	sadd.s32 s4, s6;
	[dreg:$0x0] =	wrdreg $0x0  }
0xa9: {  	s6 =	sshll.u32 s28, $0x1;
	[dreg:$0x2] =	wrdreg s4  }
0xaa: {  	[dreg:$0x3] =	wrdreg s6  }
0xab: {  	[dreg:$0x4] =	wrdreg $0xC0  }
0xac: {  	_ =	task [dreg:s8], $0x5FFFF  }
0xad: {  	[dreg:$0x1] =	wrdreg $0xFFFFFFFF  }
0xae: {  	[dreg:$0x0] =	wrdreg $0x60  }
0xaf: {  	[dreg:$0x2] =	wrdreg s18  }
0xb0: {  	[dreg:$0x3] =	wrdreg s24  }
0xb1: {  	[dreg:$0x4] =	wrdreg s2  }
0xb2: {  	[dreg:$0x5] =	wrdreg $0x0  }
0xb3: {  	[dreg:$0x6] =	wrdreg $0x9  }
0xb4: {  	_ =	task.clear_ibuf [dreg:s8], $0x7FFFF;
	_ =	strace $0x90000046  }
0xb5: {  	s29 =	simm.s32 $0x9;
	_ =	strace $0x80000048  }
0xb6: {  	_ =	swait.ge [sflag:s29], $0x1  }
0xb7: {  	[sflag:s29] =	ssyncadd.s32 $0xFFFFFFFF  }
0xb8: {  	_ =	strace $0x90000048  }
0xb9: {  	_ =	sfence  }
0xba: {  	s30 =	sld [smem:$0x0];
	_ =	sdelay $0x2  }
0xbb: {  	s31 =	sshll.u32 s1, $0xD;
	s1 =	sshrl.u32 s1, $0x2  }
0xbc: {  	s3 =	sand.u32 $0x4000, s31;
	s1 =	sadd.s32 s1, s30  }
0xbd: {  	s0 =	sor.u32 s3, s0;
	s1 =	sshll.u32 s1, $0x11  }
0xbe: {  	s0 =	sor.u32 s1, s0  }
0xbf: {  	s0 =	sadd.s32 $0x8F2B, s0  }
0xc0: {  	[sflag:s0] =	ssyncadd.remote.s32 $0x1  }
0xc1: {  	_ =	sfence.sel $0xFFFF  }
0xc2: {  	[dreg:$0x0] =	wrdreg $0xFFFFFFFF;
	(pc) =	sbr.abs _section_cstart, $3  }
0xc3: {  	[dreg:$0x1] =	wrdreg $0xFFFFFFFF  }
0xc4: {  	_ =	task.clear_ibuf [dreg:s8], $0x2FFFF;
	_ =	strace $0x9FFFFFFF  }
0xc5: {  	(tm) =	ssettm $0x7FFFFFFF  }
tec
execute0_lowered:
.L_overlay_start_1:
0x0: {  	(tag) =	ssettag $0x1  }
0x1: {  	s8 =	rddreg [dreg:$0x0]  }
0x2: {  	s6 =	rddreg [dreg:$0x1]  }
0x3: {  	s0 =	srdreg.scid;
	s2 =	rddreg [dreg:$0x2]  }
0x4: {  	s7 =	stileid.u32;
	s3 =	rddreg [dreg:$0x3];
	s4 =	simm.s32 $0x0  }
0x5: {  	s5 =	sand.u32 $0x1, s0;
	s25 =	sshll.u32 s7, $0x1;
	[smem:$0x7FF] =	sst s4  }
0x6: {  	s7 =	smul.u32 $0x280, s7;
	s0 =	sor.u32 s5, s25;
	_ =	strace $0x80000047  }
0x7: {  	s9 =	ssub.s32 $0x2, s5;
	s5 =	sadd.s32 $0xBA00, s6;
	s1 =	smul.u32 $0x500, s0  }
0x8: {  	s10 =	sshrl.u32 s9, $0x1;
	s11 =	sshrl.u32 s7, $0x3;
	s12 =	sor.u32 $0x40, s7  }
0x9: {  	s13 =	sor.u32 $0x50, s7;
	s14 =	sor.u32 $0x60, s7;
	s15 =	sor.u32 $0x70, s7  }
0xa: {  	s16 =	sadd.s32 $0x80, s7;
	s17 =	sadd.s32 $0x90, s7;
	s18 =	sadd.s32 $0xA0, s7  }
0xb: {  	s19 =	sadd.s32 $0xB0, s7;
	s20 =	sadd.s32 $0xC0, s7;
	s26 =	ssub.s32 s9, s10  }
0xc: {  	v0 =	vlaneseq.u32;
	s21 =	sadd.s32 $0xD0, s7;
	s8 =	sadd.s32 s8, s11;
	[dreg:$0x9] =	wrdreg s26  }
0xd: {  	s22 =	sadd.s32 $0xE0, s7;
	v55 =	vor.u32 s7, v0;
	v43 =	vor.u32 s12, v0;
	s12 =	sadd.s32 $0x1A0, s7;
	[dreg:$0x5] =	wrdreg s8  }
0xe: {  	s23 =	sadd.s32 $0xF0, s7;
	v44 =	vor.u32 s13, v0;
	s13 =	sadd.s32 $0x1D0, s7;
	[tilespmem:$0x1FF70] =	vst v55;
	[dreg:$0xa] =	wrdreg s12  }
0xf: {  	s24 =	sadd.s32 $0x100, s7;
	v45 =	vor.u32 s14, v0;
	s14 =	sadd.s32 $0x1E0, s7;
	[tilespmem:$0x1FEB0] =	vst v43;
	[dreg:$0xd] =	wrdreg s13  }
0x10: {  	s25 =	sadd.s32 $0x110, s7;
	v46 =	vor.u32 s15, v0;
	s15 =	sadd.s32 $0x210, s7;
	[tilespmem:$0x1FEC0] =	vst v44;
	[dreg:$0xe] =	wrdreg s14  }
0x11: {  	s28 =	sadd.s32 $0x130, s7;
	v47 =	vor.u32 s16, v0;
	s16 =	sadd.s32 $0x240, s7;
	[tilespmem:$0x1FED0] =	vst v45;
	[dreg:$0xf] =	wrdreg s15  }
0x12: {  	s29 =	sadd.s32 $0x140, s7;
	v52 =	vor.u32 s21, v0;
	s21 =	sadd.s32 $0x250, s7;
	[tilespmem:$0x1FEE0] =	vst v46;
	[dreg:$0x10] =	wrdreg s16  }
0x13: {  	s30 =	sadd.s32 $0x150, s7;
	v48 =	vor.u32 s17, v0;
	v53 =	vor.u32 s22, v0;
	s22 =	sadd.s32 $0x260, s7;
	[tilespmem:$0x1FEF0] =	vst v47;
	[dreg:$0x11] =	wrdreg s21  }
0x14: {  	s11 =	sor.u32 $0x30, s7;
	v49 =	vor.u32 s18, v0;
	s1 =	sadd.s32 s1, s6;
	[tilespmem:$0x1FF00] =	vst v48;
	[dreg:$0x12] =	wrdreg s22  }
0x15: {  	s31 =	sadd.s32 $0x160, s7;
	v50 =	vor.u32 s19, v0;
	v42 =	vor.u32 s11, v0;
	s11 =	sadd.s32 $0x1B0, s7;
	[tilespmem:$0x1FF10] =	vst v49;
	[dreg:$0x8] =	wrdreg s1  }
0x16: {  	s9 =	sor.u32 $0x10, s7;
	v51 =	vor.u32 s20, v0;
	s12 =	sadd.s32 $0x1C0, s7;
	[tilespmem:$0x1FF20] =	vst v50;
	[dreg:$0xb] =	wrdreg s11  }
0x17: {  	s10 =	sor.u32 $0x20, s7;
	s17 =	sadd.s32 $0x1F0, s7;
	[tilespmem:$0x1FF30] =	vst v51;
	[dreg:$0xc] =	wrdreg s12  }
0x18: {  	s18 =	sadd.s32 $0x200, s7;
	s19 =	sadd.s32 $0x220, s7;
	v56 =	vor.u32 s24, v0;
	[tilespmem:$0x1FF40] =	vst v52;
	s24 =	rddreg [dreg:$0x9]  }
0x19: {  	s20 =	sadd.s32 $0x230, s7;
	v54 =	vor.u32 s23, v0;
	v57 =	vor.u32 s25, v0;
	v1 =	vor.u32 s9, v0;
	s9 =	sadd.s32 $0x180, s7;
	[tilespmem:$0x1FF50] =	vst v53;
	s25 =	rddreg [dreg:$0xa]  }
0x1a: {  	v59 =	vor.u32 s28, v0;
	s28 =	simm.s32 $0x1EA80;
	v41 =	vor.u32 s10, v0;
	s10 =	sadd.s32 $0x190, s7;
	[tilespmem:$0x1FF60] =	vst v54;
	v24 =	vor.u32 s9, v0;
	s9 =	rddreg [dreg:$0xd]  }
0x1b: {  	v60 =	vor.u32 s29, v0;
	v61 =	vor.u32 s30, v0;
	s29 =	simm.s32 $0x1EE80;
	s30 =	simm.s32 $0x3;
	[tilespmem:$0x1FF80] =	vst v56;
	v25 =	vor.u32 s10, v0;
	s10 =	rddreg [dreg:$0xe]  }
0x1c: {  	v62 =	vor.u32 s31, v0;
	s31 =	simm.s32 $0x5;
	s6 =	sadd.s32 $0x33A00, s6;
	[tilespmem:$0x1FF90] =	vst v57;
	v31 =	vor.u32 s17, v0;
	s17 =	rddreg [dreg:$0xf]  }
0x1d: {  	s26 =	sadd.s32 $0x120, s7;
	s8 =	smul.u32 $0x50, s0;
	[tilespmem:$0x1FFB0] =	vst v59;
	v32 =	vor.u32 s18, v0;
	s18 =	rddreg [dreg:$0x10]  }
0x1e: {  	[tilespmem:$0x1FFC0] =	vst v60;
	s13 =	simm.s32 $0x80;
	s14 =	simm.s32 $0x16880;
	v34 =	vor.u32 s19, v0;
	s19 =	rddreg [dreg:$0x11]  }
0x1f: {  	[tilespmem:$0x1FFD0] =	vst v61;
	s15 =	simm.s32 $0x1;
	s16 =	simm.s32 $0x16800;
	v35 =	vor.u32 s20, v0;
	s20 =	rddreg [dreg:$0x12]  }
0x20: {  	[tilespmem:$0x1FFE0] =	vst v62;
	s21 =	simm.s32 $0x1A880;
	s22 =	simm.s32 $0x1E880;
	s23 =	rddreg [dreg:$0x8]  }
0x21: {  	[tilespmem:$0x1FE80] =	vst v1;
	s1 =	sadd.s32 $0x170, s7;
	s7 =	sadd.s32 $0x270, s7;
	v58 =	vor.u32 s26, v0;
	s26 =	rddreg [dreg:$0xb]  }
0x22: {  	[tilespmem:$0x1FE90] =	vst v41;
	s11 =	simm.s32 $0x14000;
	s12 =	simm.s32 $0x7;
	v63 =	vor.u32 s1, v0;
	v26 =	vor.u32 s25, v0;
	s1 =	rddreg [dreg:$0xc]  }
0x23: {  	[tilespmem:$0x1FEA0] =	vst v42;
	v29 =	vor.u32 s9, v0;
	v30 =	vor.u32 s10, v0;
	v33 =	vor.u32 s17, v0;
	s25 =	simm.s32 $0x6;
	s0 =	sadd.s32 $0x1A00, s23;
	s23 =	simm.s32 $0x1EC80  }
0x24: {  	[tilespmem:$0x1FFA0] =	vst v58;
	v36 =	vor.u32 s18, v0;
	v37 =	vor.u32 s19, v0;
	v27 =	vor.u32 s26, v0;
	s26 =	simm.s32 $0x2;
	[dreg:$0x6] =	wrdreg s0;
	s0 =	smax.u32 s24, $0x1  }
0x25: {  	v38 =	vor.u32 s20, v0;
	v39 =	vor.u32 s7, v0;
	[tilespmem:$0x1FFF0] =	vst v63;
	v28 =	vor.u32 s1, v0;
	s1 =	simm.s32 $0x0;
	s24 =	simm.s32 $0x4;
	[dreg:$0x7] =	wrdreg s0  }
.LBB2_1:
0x26: {  	s0 =	rddreg [dreg:$0x5]  }
0x27: {  	[tilespmem:s11], [sflag:$0x7] =	stream.linear.gather [hbm4b:s0+s4], $0x280, $0x38;
	[tilespmem:$0x1F080] =	vst v63  }
0x28: {  	_ =	swait.ge [sflag:s12], $0x280  }
0x29: {  	[sflag:s12] =	ssyncset.done $0x0  }
0x2a: {  	[sflag:s12] =	ssyncadd.s32 $0xFFFFFD80  }
0x2b: {  	[tilespmem:s14], [sflag:$0x1] =	stream.indirect.gather [hbm4b:s2+s13], $0x80, s11, s13, $0xb8;
	[tilespmem:$0x1F080] =	vst v63  }
0x2c: {  	_ =	swait.ge [sflag:s15], $0x4000  }
0x2d: {  	v0 =	vld [tilespmem:$0x1FF70]  }
0x2e: {  	v41 =	vld [tilespmem:$0x1FE80]  }
0x2f: {  	v42 =	vld [tilespmem:$0x1FE90]  }
0x30: {  	[sflag:s15] =	ssyncset.done $0x0;
	v43 =	vld [tilespmem:$0x1FEA0]  }
0x31: {  	v44 =	vld [tilespmem:$0x1FEB0];
	[sflag:s15] =	ssyncadd.s32 $0xFFFFC000  }
0x32: {  	v45 =	vld [tilespmem:$0x1FEC0];
	[tilespmem:$0x16800] =	vst v0  }
0x33: {  	v46 =	vld [tilespmem:$0x1FED0];
	[tilespmem:$0x16810] =	vst v41  }
0x34: {  	v47 =	vld [tilespmem:$0x1FEE0];
	[tilespmem:$0x16820] =	vst v42  }
0x35: {  	[tilespmem:$0x16830] =	vst v43  }
0x36: {  	[tilespmem:$0x16840] =	vst v44  }
0x37: {  	[tilespmem:$0x16850] =	vst v45  }
0x38: {  	[tilespmem:$0x16860] =	vst v46  }
0x39: {  	[tilespmem:$0x16870] =	vst v47  }
0x3a: {  	[spmem:s3] =	stream.indirect.scatter [tilespmem:s14], [sflag:$0x7], $0x80, s16, s13, $0xb8;
	[tilespmem:$0x1F080] =	vst v63  }
0x3b: {  	_ =	swait.ge [sflag:s12], $0x4000  }
0x3c: {  	[sflag:s12] =	ssyncset.done $0x0  }
0x3d: {  	s10 =	simm.s32 $0x14080;
	[sflag:s12] =	ssyncadd.s32 $0xFFFFC000  }
0x3e: {  	[tilespmem:s14], [sflag:$0x1] =	stream.indirect.gather [hbm4b:s2+s13], $0x80, s10, s13, $0xb8;
	[tilespmem:$0x1F080] =	vst v63  }
0x3f: {  	_ =	swait.ge [sflag:s15], $0x4000  }
0x40: {  	v48 =	vld [tilespmem:$0x1FEF0]  }
0x41: {  	v49 =	vld [tilespmem:$0x1FF00]  }
0x42: {  	v50 =	vld [tilespmem:$0x1FF10]  }
0x43: {  	[sflag:s15] =	ssyncset.done $0x0;
	v51 =	vld [tilespmem:$0x1FF20]  }
0x44: {  	v52 =	vld [tilespmem:$0x1FF30];
	[sflag:s15] =	ssyncadd.s32 $0xFFFFC000  }
0x45: {  	v53 =	vld [tilespmem:$0x1FF40];
	[tilespmem:$0x16800] =	vst v48  }
0x46: {  	v54 =	vld [tilespmem:$0x1FF50];
	[tilespmem:$0x16810] =	vst v49  }
0x47: {  	v55 =	vld [tilespmem:$0x1FF60];
	[tilespmem:$0x16820] =	vst v50  }
0x48: {  	[tilespmem:$0x16830] =	vst v51  }
0x49: {  	[tilespmem:$0x16840] =	vst v52  }
0x4a: {  	[tilespmem:$0x16850] =	vst v53  }
0x4b: {  	[tilespmem:$0x16860] =	vst v54  }
0x4c: {  	[tilespmem:$0x16870] =	vst v55  }
0x4d: {  	[spmem:s3] =	stream.indirect.scatter [tilespmem:s14], [sflag:$0x7], $0x80, s16, s13, $0xb8;
	[tilespmem:$0x1F080] =	vst v63  }
0x4e: {  	_ =	swait.ge [sflag:s12], $0x4000  }
0x4f: {  	[sflag:s12] =	ssyncset.done $0x0  }
0x50: {  	s17 =	simm.s32 $0x14100;
	[sflag:s12] =	ssyncadd.s32 $0xFFFFC000  }
0x51: {  	[tilespmem:s14], [sflag:$0x1] =	stream.indirect.gather [hbm4b:s2+s13], $0x80, s17, s13, $0xb8;
	[tilespmem:$0x1F080] =	vst v63  }
0x52: {  	_ =	swait.ge [sflag:s15], $0x4000  }
0x53: {  	v56 =	vld [tilespmem:$0x1FF80]  }
0x54: {  	v57 =	vld [tilespmem:$0x1FF90]  }
0x55: {  	v58 =	vld [tilespmem:$0x1FFA0]  }
0x56: {  	[sflag:s15] =	ssyncset.done $0x0;
	v59 =	vld [tilespmem:$0x1FFB0]  }
0x57: {  	v60 =	vld [tilespmem:$0x1FFC0];
	[sflag:s15] =	ssyncadd.s32 $0xFFFFC000  }
0x58: {  	v61 =	vld [tilespmem:$0x1FFD0];
	[tilespmem:$0x16800] =	vst v56  }
0x59: {  	v62 =	vld [tilespmem:$0x1FFE0];
	[tilespmem:$0x16810] =	vst v57  }
0x5a: {  	v63 =	vld [tilespmem:$0x1FFF0];
	[tilespmem:$0x16820] =	vst v58  }
0x5b: {  	[tilespmem:$0x16830] =	vst v59  }
0x5c: {  	[tilespmem:$0x16840] =	vst v60  }
0x5d: {  	[tilespmem:$0x16850] =	vst v61  }
0x5e: {  	[tilespmem:$0x16860] =	vst v62  }
0x5f: {  	[tilespmem:$0x16870] =	vst v63  }
0x60: {  	[spmem:s3] =	stream.indirect.scatter [tilespmem:s14], [sflag:$0x7], $0x80, s16, s13, $0xb8;
	[tilespmem:$0x1F080] =	vst v63  }
0x61: {  	_ =	swait.ge [sflag:s12], $0x4000  }
0x62: {  	[sflag:s12] =	ssyncset.done $0x0  }
0x63: {  	s18 =	simm.s32 $0x14180;
	[sflag:s12] =	ssyncadd.s32 $0xFFFFC000  }
0x64: {  	[tilespmem:s14], [sflag:$0x1] =	stream.indirect.gather [hbm4b:s2+s13], $0x80, s18, s13, $0xb8;
	[tilespmem:$0x1F080] =	vst v63  }
0x65: {  	_ =	swait.ge [sflag:s15], $0x4000  }
0x66: {  	[sflag:s15] =	ssyncset.done $0x0  }
0x67: {  	[sflag:s15] =	ssyncadd.s32 $0xFFFFC000  }
0x68: {  	[tilespmem:$0x16800] =	vst v24  }
0x69: {  	[tilespmem:$0x16810] =	vst v25  }
0x6a: {  	[tilespmem:$0x16820] =	vst v26  }
0x6b: {  	[tilespmem:$0x16830] =	vst v27  }
0x6c: {  	[tilespmem:$0x16840] =	vst v28  }
0x6d: {  	[tilespmem:$0x16850] =	vst v29  }
0x6e: {  	[tilespmem:$0x16860] =	vst v30  }
0x6f: {  	[tilespmem:$0x16870] =	vst v31  }
0x70: {  	[spmem:s3] =	stream.indirect.scatter [tilespmem:s14], [sflag:$0x7], $0x80, s16, s13, $0xb8;
	[tilespmem:$0x1F080] =	vst v63  }
0x71: {  	_ =	swait.ge [sflag:s12], $0x4000  }
0x72: {  	[sflag:s12] =	ssyncset.done $0x0  }
0x73: {  	s19 =	simm.s32 $0x14200;
	[sflag:s12] =	ssyncadd.s32 $0xFFFFC000  }
0x74: {  	[tilespmem:s14], [sflag:$0x1] =	stream.indirect.gather [hbm4b:s2+s13], $0x80, s19, s13, $0xb8;
	[tilespmem:$0x1F080] =	vst v63  }
0x75: {  	_ =	swait.ge [sflag:s15], $0x4000  }
0x76: {  	[sflag:s15] =	ssyncset.done $0x0  }
0x77: {  	[sflag:s15] =	ssyncadd.s32 $0xFFFFC000  }
0x78: {  	[tilespmem:$0x16800] =	vst v32  }
0x79: {  	[tilespmem:$0x16810] =	vst v33  }
0x7a: {  	[tilespmem:$0x16820] =	vst v34  }
0x7b: {  	[tilespmem:$0x16830] =	vst v35  }
0x7c: {  	[tilespmem:$0x16840] =	vst v36  }
0x7d: {  	[tilespmem:$0x16850] =	vst v37  }
0x7e: {  	[tilespmem:$0x16860] =	vst v38  }
0x7f: {  	[tilespmem:$0x16870] =	vst v39  }
0x80: {  	[spmem:s3] =	stream.indirect.scatter [tilespmem:s14], [sflag:$0x7], $0x80, s16, s13, $0xb8;
	[tilespmem:$0x1F080] =	vst v63  }
0x81: {  	_ =	swait.ge [sflag:s12], $0x4000  }
0x82: {  	[sflag:s12] =	ssyncset.done $0x0  }
0x83: {  	[sflag:s12] =	ssyncadd.s32 $0xFFFFC000  }
0x84: {  	[bflag:$0x0] =	sbarrier.arrive $0xFFFF  }
0x85: {  	s20 =	rddreg [dreg:$0x6]  }
0x86: {  	[tilespmem:s11], [sflag:$0x7] =	stream.linear.gather [hbm4b:s20+s4], $0x2800, $0x38;
	[tilespmem:$0x1F080] =	vst v63  }
0x87: {  	_ =	swait.ge [sflag:s12], $0x2800  }
0x88: {  	[sflag:s12] =	ssyncset.done $0x0  }
0x89: {  	s0 =	simm.s32 $0x0;
	[sflag:s12] =	ssyncadd.s32 $0xFFFFD800  }
0x8a: {  	[tilespmem:s14], [sflag:$0x1] =	stream.indirect.gather [spmem:s3], $0x80, s11, s13, $0xb8;
	[tilespmem:$0x1F080] =	vst v63  }
.LBB2_2:
0x8b: {  	s17 =	sshllo.u32 s0, $0x1  }
0x8c: {  	s7 =	sshll.u32 s17, $0x7  }
0x8d: {  	s7 =	sand.u32 $0x3FFFFF80, s7  }
0x8e: {  	p0 =	seq.s32 s0, $0x0;
	s7 =	sadd.s32 $0x14000, s7  }
0x8f: {  	[tilespmem:s21], [sflag:$0x2] =	stream.indirect.gather [spmem:s3], $0x80, s7, s13, $0xb8;
	[tilespmem:$0x1F080] =	vst v63  }
0x90: {  	s7 =	simm.s32 @!p0 $0x3  }
0x91: {  	_ =	swait.ge @!p0 [sflag:s7], $0x200  }
0x92: {  	[sflag:s7] =	ssyncset.done @!p0 $0x0  }
0x93: {  	[sflag:s7] =	ssyncadd.s32 @!p0 $0xFFFFFE00;
	s7 =	simm.s32 @!p0 $0x5  }
0x94: {  	_ =	swait.ge @!p0 [sflag:s7], $0x200  }
0x95: {  	[sflag:s7] =	ssyncset.done @!p0 $0x0  }
0x96: {  	[sflag:s7] =	ssyncadd.s32 @!p0 $0xFFFFFE00  }
0x97: {  	_ =	swait.ge [sflag:s15], $0x4000  }
0x98: {  	s20 =	sshll.u32 s0, $0x1;
	s19 =	simm.s32 $0x0;
	[sflag:s15] =	ssyncset.done $0x0  }
0x99: {  	s18 =	sadd.s32 s8, s20;
	s20 =	simm.s32 $0x16A80;
	[sflag:s15] =	ssyncadd.s32 $0xFFFFC000  }
.LBB2_3:
0x9a: {  	v43 =	vmov s20;
	_ =	sdelay $0x3  }
0x9b: {  	s7 =	simm.s32 $0x0  }
0x9c: {  	v50 =	vld.idx.msk [tilespmem:v43+s7+$0x180 ss:$0x1], $0xffff  }
0x9d: {  	v49 =	vld.idx.msk [tilespmem:v43+s7+$0x190 ss:$0x1], $0xffff  }
0x9e: {  	v48 =	vld.idx.msk [tilespmem:v43+s7+$0x1A0 ss:$0x1], $0xffff  }
0x9f: {  	v47 =	vld.idx.msk [tilespmem:v43+s7+$0x1B0 ss:$0x1], $0xffff  }
0xa0: {  	v41 =	vld.idx.msk [tilespmem:v43+s7+$0x1C0 ss:$0x1], $0xffff  }
0xa1: {  	v40 =	vld.idx.msk [tilespmem:v43+s7+$0x1D0 ss:$0x1], $0xffff  }
0xa2: {  	v57 =	vld.idx.msk [tilespmem:v43+s7+$0x100 ss:$0x1], $0xffff  }
0xa3: {  	v56 =	vld.idx.msk [tilespmem:v43+s7+$0x110 ss:$0x1], $0xffff  }
0xa4: {  	v54 =	vld.idx.msk [tilespmem:v43+s7+$0x120 ss:$0x1], $0xffff  }
0xa5: {  	v53 =	vld.idx.msk [tilespmem:v43+s7+$0x130 ss:$0x1], $0xffff  }
0xa6: {  	v44 =	vld.idx.msk [tilespmem:v43+s7+$0x140 ss:$0x1], $0xffff  }
0xa7: {  	v42 =	vld.idx.msk [tilespmem:v43+s7+$0x150 ss:$0x1], $0xffff  }
0xa8: {  	v3 =	vld.idx.msk [tilespmem:v43+s7+$0x80 ss:$0x1], $0xffff  }
0xa9: {  	v9 =	vld.idx.msk [tilespmem:v43+s7+$0x90 ss:$0x1], $0xffff  }
0xaa: {  	v61 =	vld.idx.msk [tilespmem:v43+s7+$0xA0 ss:$0x1], $0xffff  }
0xab: {  	v59 =	vld.idx.msk [tilespmem:v43+s7+$0xB0 ss:$0x1], $0xffff  }
0xac: {  	v46 =	vld.idx.msk [tilespmem:v43+s7+$0xC0 ss:$0x1], $0xffff  }
0xad: {  	v45 =	vld.idx.msk [tilespmem:v43+s7+$0xD0 ss:$0x1], $0xffff  }
0xae: {  	v1 =	vld.idx.msk [tilespmem:v43+s7+$0x0 ss:$0x1], $0xffff  }
0xaf: {  	v2 =	vld.idx.msk [tilespmem:v43+s7+$0x10 ss:$0x1], $0xffff  }
0xb0: {  	v4 =	vld.idx.msk [tilespmem:v43+s7+$0x20 ss:$0x1], $0xffff  }
0xb1: {  	v10 =	vld.idx.msk [tilespmem:v43+s7+$0x30 ss:$0x1], $0xffff  }
0xb2: {  	v52 =	vld.idx.msk [tilespmem:v43+s7+$0x40 ss:$0x1], $0xffff  }
0xb3: {  	v51 =	vld.idx.msk [tilespmem:v43+s7+$0x50 ss:$0x1], $0xffff  }
0xb4: {  	v7 =	vld.idx.msk [tilespmem:v43+s7+$0xFFFFFF80 ss:$0x1], $0xffff  }
0xb5: {  	v8 =	vld.idx.msk [tilespmem:v43+s7+$0xFFFFFF90 ss:$0x1], $0xffff  }
0xb6: {  	v5 =	vld.idx.msk [tilespmem:v43+s7+$0xFFFFFF00 ss:$0x1], $0xffff  }
0xb7: {  	v6 =	vld.idx.msk [tilespmem:v43+s7+$0xFFFFFF10 ss:$0x1], $0xffff  }
0xb8: {  	v0 =	vld.idx.msk [tilespmem:v43+s7+$0xFFFFFE80 ss:$0x1], $0xffff  }
0xb9: {  	v11 =	vld.idx.msk [tilespmem:v43+s7+$0xFFFFFE90 ss:$0x1], $0xffff  }
0xba: {  	v58 =	vld.idx.msk [tilespmem:v43+s7+$0xFFFFFE00 ss:$0x1], $0xffff  }
0xbb: {  	v60 =	vld.idx.msk [tilespmem:v43+s7+$0xFFFFFE10 ss:$0x1], $0xffff  }
0xbc: {  	v62 =	vld.idx.msk [tilespmem:v43+s7+$0xFFFFFE20 ss:$0x1], $0xffff  }
0xbd: {  	v63 =	vld.idx.msk [tilespmem:v43+s7+$0xFFFFFE30 ss:$0x1], $0xffff  }
0xbe: {  	v12 =	vld.idx.msk [tilespmem:v43+s7+$0xFFFFFEA0 ss:$0x1], $0xffff  }
0xbf: {  	v13 =	vld.idx.msk [tilespmem:v43+s7+$0xFFFFFEB0 ss:$0x1], $0xffff  }
0xc0: {  	v14 =	vld.idx.msk [tilespmem:v43+s7+$0xFFFFFF20 ss:$0x1], $0xffff  }
0xc1: {  	v55 =	vimm.f32 $0.0e+00;
	v15 =	vld.idx.msk [tilespmem:v43+s7+$0xFFFFFF30 ss:$0x1], $0xffff  }
0xc2: {  	v16 =	vld.idx.msk [tilespmem:v43+s7+$0xFFFFFFA0 ss:$0x1], $0xffff;
	v58 =	vadd.f32 v58, v55;
	v60 =	vadd.f32 v60, v55  }
0xc3: {  	v17 =	vld.idx.msk [tilespmem:v43+s7+$0xFFFFFFB0 ss:$0x1], $0xffff;
	v62 =	vadd.f32 v62, v55;
	v63 =	vadd.f32 v63, v55  }
0xc4: {  	v58 =	vadd.f32 v0, v58;
	v11 =	vadd.f32 v11, v60;
	v0 =	vld.idx.msk [tilespmem:v43+s7+$0xFFFFFFC0 ss:$0x1], $0xffff  }
0xc5: {  	v12 =	vadd.f32 v12, v62;
	v13 =	vadd.f32 v13, v63;
	v63 =	vld.idx.msk [tilespmem:v43+s7+$0xFFFFFFD0 ss:$0x1], $0xffff  }
0xc6: {  	v58 =	vadd.f32 v5, v58;
	v11 =	vadd.f32 v6, v11;
	v6 =	vld.idx.msk [tilespmem:v43+s7+$0xFFFFFF40 ss:$0x1], $0xffff  }
0xc7: {  	v12 =	vadd.f32 v14, v12;
	v13 =	vadd.f32 v15, v13;
	v5 =	vld.idx.msk [tilespmem:v43+s7+$0xFFFFFF50 ss:$0x1], $0xffff  }
0xc8: {  	v60 =	vadd.f32 v7, v58;
	v11 =	vadd.f32 v8, v11;
	v8 =	vld.idx.msk [tilespmem:v43+s7+$0xFFFFFEC0 ss:$0x1], $0xffff  }
0xc9: {  	v12 =	vadd.f32 v16, v12;
	v13 =	vadd.f32 v17, v13;
	v7 =	vld.idx.msk [tilespmem:v43+s7+$0xFFFFFED0 ss:$0x1], $0xffff  }
0xca: {  	v58 =	vimm.f32 $0.0e+00;
	v14 =	vadd.f32 v1, v60;
	v62 =	vadd.f32 v2, v11;
	v11 =	vld.idx.msk [tilespmem:v43+s7+$0xFFFFFE40 ss:$0x1], $0xffff  }
0xcb: {  	s9 =	sshll.u32 s19, $0xC;
	v2 =	vadd.f32 v4, v12;
	v1 =	vadd.f32 v10, v13;
	v10 =	vld.idx.msk [tilespmem:v43+s7+$0xFFFFFE50 ss:$0x1], $0xffff;
	v60 =	vimm.f32 $0.0e+00  }
0xcc: {  	s10 =	simm.s32 $0x1000;
	s9 =	sand.u32 $0x3FFFF000, s9;
	v4 =	vadd.f32 v3, v14;
	v3 =	vadd.f32 v9, v62;
	v9 =	vld.idx.msk [tilespmem:v43+s7+$0xFFFFFE60 ss:$0x1], $0xffff;
	v62 =	vimm.f32 $0.0e+00  }
.LBB2_4:
0xcd: {  	p1 =	sne.s32 s10, $0x3000;
	v12 =	vld.idx.msk [tilespmem:v43+s7+$0xFFFFFE70 ss:$0x1], $0xffff;
	v2 =	vadd.f32 v61, v2;
	v1 =	vadd.f32 v59, v1  }
0xce: {  	v13 =	vld.idx.msk [tilespmem:v43+s7+$0xFFFFFEE0 ss:$0x1], $0xffff;
	v4 =	vadd.f32 v57, v4;
	v3 =	vadd.f32 v56, v3  }
0xcf: {  	v14 =	vld.idx.msk [tilespmem:v43+s7+$0xFFFFFEF0 ss:$0x1], $0xffff;
	v15 =	vadd.f32 v54, v2;
	v16 =	vadd.f32 v53, v1  }
0xd0: {  	v17 =	vld.idx.msk [tilespmem:v43+s7+$0xFFFFFF60 ss:$0x1], $0xffff;
	v1 =	vadd.f32 v50, v4;
	v2 =	vadd.f32 v49, v3  }
0xd1: {  	v49 =	vld.idx.msk [tilespmem:v43+s7+$0xFFFFFF70 ss:$0x1], $0xffff;
	v3 =	vadd.f32 v48, v15;
	v4 =	vadd.f32 v47, v16  }
0xd2: {  	v11 =	vadd.f32 v11, v55;
	v10 =	vadd.f32 v10, v62;
	v15 =	vld.idx.msk [tilespmem:v43+s7+$0xFFFFFFE0 ss:$0x1], $0xffff  }
0xd3: {  	v9 =	vadd.f32 v9, v60;
	v12 =	vadd.f32 v12, v58;
	v16 =	vld.idx.msk [tilespmem:v43+s7+$0xFFFFFFF0 ss:$0x1], $0xffff  }
0xd4: {  	v8 =	vadd.f32 v8, v11;
	v7 =	vadd.f32 v7, v10;
	v10 =	vld.idx.msk [tilespmem:v43+s7+$0x60 ss:$0x1], $0xffff  }
0xd5: {  	v9 =	vadd.f32 v13, v9;
	v11 =	vadd.f32 v14, v12;
	v12 =	vld.idx.msk [tilespmem:v43+s7+$0x70 ss:$0x1], $0xffff  }
0xd6: {  	v6 =	vadd.f32 v6, v8;
	v5 =	vadd.f32 v5, v7;
	v7 =	vld.idx.msk [tilespmem:v43+s7+$0xE0 ss:$0x1], $0xffff  }
0xd7: {  	v8 =	vadd.f32 v17, v9;
	v9 =	vadd.f32 v49, v11;
	v11 =	vld.idx.msk [tilespmem:v43+s7+$0xF0 ss:$0x1], $0xffff  }
0xd8: {  	v0 =	vadd.f32 v0, v6;
	v5 =	vadd.f32 v63, v5;
	v6 =	vld.idx.msk [tilespmem:v43+s7+$0x160 ss:$0x1], $0xffff  }
0xd9: {  	v8 =	vadd.f32 v15, v8;
	v9 =	vadd.f32 v16, v9;
	v13 =	vld.idx.msk [tilespmem:v43+s7+$0x170 ss:$0x1], $0xffff  }
0xda: {  	v0 =	vadd.f32 v52, v0;
	v5 =	vadd.f32 v51, v5;
	v14 =	vld.idx.msk [tilespmem:v43+s7+$0x1E0 ss:$0x1], $0xffff  }
0xdb: {  	v8 =	vadd.f32 v10, v8;
	v9 =	vadd.f32 v12, v9;
	v10 =	vld.idx.msk [tilespmem:v43+s7+$0x1F0 ss:$0x1], $0xffff;
	s7 =	sshra.s32 s10, $0x2  }
0xdc: {  	v0 =	vadd.f32 v46, v0;
	v5 =	vadd.f32 v45, v5;
	v50 =	vld.idx.msk [tilespmem:v43+s7+$0x180 ss:$0x1], $0xffff  }
0xdd: {  	v7 =	vadd.f32 v7, v8;
	v8 =	vadd.f32 v11, v9;
	v49 =	vld.idx.msk [tilespmem:v43+s7+$0x190 ss:$0x1], $0xffff  }
0xde: {  	v0 =	vadd.f32 v44, v0;
	v5 =	vadd.f32 v42, v5;
	v48 =	vld.idx.msk [tilespmem:v43+s7+$0x1A0 ss:$0x1], $0xffff  }
0xdf: {  	v6 =	vadd.f32 v6, v7;
	v7 =	vadd.f32 v13, v8;
	v47 =	vld.idx.msk [tilespmem:v43+s7+$0x1B0 ss:$0x1], $0xffff  }
0xe0: {  	v55 =	vadd.f32 v41, v0;
	v62 =	vadd.f32 v40, v5;
	v41 =	vld.idx.msk [tilespmem:v43+s7+$0x1C0 ss:$0x1], $0xffff  }
0xe1: {  	v60 =	vadd.f32 v14, v6;
	v58 =	vadd.f32 v10, v7;
	v40 =	vld.idx.msk [tilespmem:v43+s7+$0x1D0 ss:$0x1], $0xffff  }
0xe2: {  	v57 =	vld.idx.msk [tilespmem:v43+s7+$0x100 ss:$0x1], $0xffff  }
0xe3: {  	v56 =	vld.idx.msk [tilespmem:v43+s7+$0x110 ss:$0x1], $0xffff  }
0xe4: {  	v54 =	vld.idx.msk [tilespmem:v43+s7+$0x120 ss:$0x1], $0xffff  }
0xe5: {  	v53 =	vld.idx.msk [tilespmem:v43+s7+$0x130 ss:$0x1], $0xffff  }
0xe6: {  	v44 =	vld.idx.msk [tilespmem:v43+s7+$0x140 ss:$0x1], $0xffff  }
0xe7: {  	v42 =	vld.idx.msk [tilespmem:v43+s7+$0x150 ss:$0x1], $0xffff  }
0xe8: {  	v12 =	vld.idx.msk [tilespmem:v43+s7+$0x80 ss:$0x1], $0xffff  }
0xe9: {  	v13 =	vld.idx.msk [tilespmem:v43+s7+$0x90 ss:$0x1], $0xffff  }
0xea: {  	v61 =	vld.idx.msk [tilespmem:v43+s7+$0xA0 ss:$0x1], $0xffff  }
0xeb: {  	v59 =	vld.idx.msk [tilespmem:v43+s7+$0xB0 ss:$0x1], $0xffff  }
0xec: {  	v46 =	vld.idx.msk [tilespmem:v43+s7+$0xC0 ss:$0x1], $0xffff  }
0xed: {  	v45 =	vld.idx.msk [tilespmem:v43+s7+$0xD0 ss:$0x1], $0xffff  }
0xee: {  	v9 =	vld.idx.msk [tilespmem:v43+s7+$0x0 ss:$0x1], $0xffff  }
0xef: {  	v10 =	vld.idx.msk [tilespmem:v43+s7+$0x10 ss:$0x1], $0xffff  }
0xf0: {  	v14 =	vld.idx.msk [tilespmem:v43+s7+$0x20 ss:$0x1], $0xffff  }
0xf1: {  	v15 =	vld.idx.msk [tilespmem:v43+s7+$0x30 ss:$0x1], $0xffff  }
0xf2: {  	v52 =	vld.idx.msk [tilespmem:v43+s7+$0x40 ss:$0x1], $0xffff  }
0xf3: {  	v51 =	vld.idx.msk [tilespmem:v43+s7+$0x50 ss:$0x1], $0xffff  }
0xf4: {  	v7 =	vld.idx.msk [tilespmem:v43+s7+$0xFFFFFF80 ss:$0x1], $0xffff  }
0xf5: {  	v11 =	vld.idx.msk [tilespmem:v43+s7+$0xFFFFFF90 ss:$0x1], $0xffff  }
0xf6: {  	v5 =	vld.idx.msk [tilespmem:v43+s7+$0xFFFFFF00 ss:$0x1], $0xffff  }
0xf7: {  	v6 =	vld.idx.msk [tilespmem:v43+s7+$0xFFFFFF10 ss:$0x1], $0xffff  }
0xf8: {  	v0 =	vld.idx.msk [tilespmem:v43+s7+$0xFFFFFE80 ss:$0x1], $0xffff  }
0xf9: {  	v8 =	vld.idx.msk [tilespmem:v43+s7+$0xFFFFFE90 ss:$0x1], $0xffff  }
0xfa: {  	v16 =	vld.idx.msk [tilespmem:v43+s7+$0xFFFFFE00 ss:$0x1], $0xffff  }
0xfb: {  	v17 =	vld.idx.msk [tilespmem:v43+s7+$0xFFFFFE10 ss:$0x1], $0xffff  }
0xfc: {  	v63 =	vld.idx.msk [tilespmem:v43+s7+$0xFFFFFE20 ss:$0x1], $0xffff  }
0xfd: {  	v18 =	vld.idx.msk [tilespmem:v43+s7+$0xFFFFFE30 ss:$0x1], $0xffff  }
0xfe: {  	v19 =	vld.idx.msk [tilespmem:v43+s7+$0xFFFFFEA0 ss:$0x1], $0xffff  }
0xff: {  	v20 =	vld.idx.msk [tilespmem:v43+s7+$0xFFFFFEB0 ss:$0x1], $0xffff  }
0x100: {  	v21 =	vld.idx.msk [tilespmem:v43+s7+$0xFFFFFF20 ss:$0x1], $0xffff  }
0x101: {  	v22 =	vld.idx.msk [tilespmem:v43+s7+$0xFFFFFF30 ss:$0x1], $0xffff  }
0x102: {  	v1 =	vadd.f32 v16, v1;
	v2 =	vadd.f32 v17, v2;
	v16 =	vld.idx.msk [tilespmem:v43+s7+$0xFFFFFFA0 ss:$0x1], $0xffff  }
0x103: {  	v3 =	vadd.f32 v63, v3;
	v4 =	vadd.f32 v18, v4;
	v17 =	vld.idx.msk [tilespmem:v43+s7+$0xFFFFFFB0 ss:$0x1], $0xffff  }
0x104: {  	v1 =	vadd.f32 v0, v1;
	v2 =	vadd.f32 v8, v2;
	v0 =	vld.idx.msk [tilespmem:v43+s7+$0xFFFFFFC0 ss:$0x1], $0xffff  }
0x105: {  	v3 =	vadd.f32 v19, v3;
	v4 =	vadd.f32 v20, v4;
	v63 =	vld.idx.msk [tilespmem:v43+s7+$0xFFFFFFD0 ss:$0x1], $0xffff  }
0x106: {  	v1 =	vadd.f32 v5, v1;
	v2 =	vadd.f32 v6, v2;
	v6 =	vld.idx.msk [tilespmem:v43+s7+$0xFFFFFF40 ss:$0x1], $0xffff  }
0x107: {  	v3 =	vadd.f32 v21, v3;
	v4 =	vadd.f32 v22, v4;
	v5 =	vld.idx.msk [tilespmem:v43+s7+$0xFFFFFF50 ss:$0x1], $0xffff  }
.Ltmp0:
0x108: {  	v1 =	vadd.f32 v7, v1;
	v2 =	vadd.f32 v11, v2;
	v8 =	vld.idx.msk [tilespmem:v43+s7+$0xFFFFFEC0 ss:$0x1], $0xffff;
	(pc) =	sbr.rel @p1 .LBB2_4-.Ltmp0, $4  }
0x109: {  	v3 =	vadd.f32 v16, v3;
	v4 =	vadd.f32 v17, v4;
	v7 =	vld.idx.msk [tilespmem:v43+s7+$0xFFFFFED0 ss:$0x1], $0xffff  }
0x10a: {  	v16 =	vadd.f32 v9, v1;
	v17 =	vadd.f32 v10, v2;
	v11 =	vld.idx.msk [tilespmem:v43+s7+$0xFFFFFE40 ss:$0x1], $0xffff  }
0x10b: {  	v2 =	vadd.f32 v14, v3;
	v1 =	vadd.f32 v15, v4;
	v10 =	vld.idx.msk [tilespmem:v43+s7+$0xFFFFFE50 ss:$0x1], $0xffff  }
0x10c: {  	s10 =	sadd.s32 $0x1000, s10;
	v4 =	vadd.f32 v12, v16;
	v3 =	vadd.f32 v13, v17;
	v9 =	vld.idx.msk [tilespmem:v43+s7+$0xFFFFFE60 ss:$0x1], $0xffff  }
0x10d: {  	_ =	sdelay $0x3  }
0x10e: {  	v12 =	vld.idx.msk [tilespmem:v43+s7+$0xFFFFFE70 ss:$0x1], $0xffff  }
0x10f: {  	v13 =	vld.idx.msk [tilespmem:v43+s7+$0xFFFFFEE0 ss:$0x1], $0xffff  }
0x110: {  	v14 =	vld.idx.msk [tilespmem:v43+s7+$0xFFFFFEF0 ss:$0x1], $0xffff  }
0x111: {  	v15 =	vld.idx.msk [tilespmem:v43+s7+$0xFFFFFF60 ss:$0x1], $0xffff  }
0x112: {  	v16 =	vld.idx.msk [tilespmem:v43+s7+$0xFFFFFF70 ss:$0x1], $0xffff  }
0x113: {  	v17 =	vld.idx.msk [tilespmem:v43+s7+$0xFFFFFFE0 ss:$0x1], $0xffff  }
0x114: {  	v18 =	vld.idx.msk [tilespmem:v43+s7+$0xFFFFFFF0 ss:$0x1], $0xffff  }
0x115: {  	v19 =	vld.idx.msk [tilespmem:v43+s7+$0x60 ss:$0x1], $0xffff  }
0x116: {  	v20 =	vld.idx.msk [tilespmem:v43+s7+$0x70 ss:$0x1], $0xffff  }
0x117: {  	v21 =	vld.idx.msk [tilespmem:v43+s7+$0xE0 ss:$0x1], $0xffff  }
0x118: {  	v22 =	vld.idx.msk [tilespmem:v43+s7+$0xF0 ss:$0x1], $0xffff;
	v4 =	vadd.f32 v57, v4  }
0x119: {  	v23 =	vld.idx.msk [tilespmem:v43+s7+$0x170 ss:$0x1], $0xffff  }
0x11a: {  	v57 =	vld.idx.msk [tilespmem:v43+s7+$0x160 ss:$0x1], $0xffff;
	v4 =	vadd.f32 v50, v4  }
0x11b: {  	s10 =	sshll.u32 s19, $0x7;
	v50 =	vld.idx.msk [tilespmem:v43+s7+$0x1E0 ss:$0x1], $0xffff  }
0x11c: {  	v43 =	vld.idx.msk [tilespmem:v43+s7+$0x1F0 ss:$0x1], $0xffff;
	[tilespmem:s10+$0x1E880] =	vst v4  }
0x11d: {  	v3 =	vadd.f32 v56, v3;
	v4 =	vld [tilespmem:s9+$0x17800];
	_ =	sdelay $0x1  }
0x11e: {  	v3 =	vadd.f32 v49, v3;
	_ =	sdelay $0x1  }
0x11f: {  	v2 =	vadd.f32 v61, v2;
	[tilespmem:s10+$0x1E890] =	vst v3  }
0x120: {  	[tilespmem:s10+$0x1EC80] =	vst v4  }
0x121: {  	v2 =	vadd.f32 v54, v2;
	v3 =	vld [tilespmem:s9+$0x17810];
	_ =	sdelay $0x1  }
0x122: {  	v11 =	vadd.f32 v11, v55;
	v2 =	vadd.f32 v48, v2;
	_ =	sdelay $0x1  }
0x123: {  	v1 =	vadd.f32 v59, v1;
	v48 =	vadd.f32 v8, v11;
	[tilespmem:s10+$0x1E8A0] =	vst v2  }
0x124: {  	[tilespmem:s10+$0x1EC90] =	vst v3  }
0x125: {  	v1 =	vadd.f32 v53, v1;
	v3 =	vadd.f32 v6, v48;
	v2 =	vld [tilespmem:s9+$0x17820];
	_ =	sdelay $0x1  }
0x126: {  	v1 =	vadd.f32 v47, v1;
	v0 =	vadd.f32 v0, v3  }
0x127: {  	v49 =	vadd.f32 v10, v62  }
0x128: {  	[tilespmem:s10+$0x1E8B0] =	vst v1;
	v0 =	vadd.f32 v52, v0  }
0x129: {  	v52 =	vadd.f32 v7, v49;
	[tilespmem:s10+$0x1ECA0] =	vst v2  }
0x12a: {  	v0 =	vadd.f32 v46, v0;
	v1 =	vld [tilespmem:s9+$0x17830]  }
0x12b: {  	v2 =	vadd.f32 v5, v52  }
0x12c: {  	v0 =	vadd.f32 v44, v0  }
0x12d: {  	v2 =	vadd.f32 v63, v2  }
0x12e: {  	v53 =	vadd.f32 v9, v60;
	v0 =	vadd.f32 v41, v0  }
0x12f: {  	v2 =	vadd.f32 v51, v2;
	[tilespmem:s10+$0x1ECB0] =	vst v1  }
0x130: {  	v54 =	vadd.f32 v13, v53;
	[tilespmem:s10+$0x1E8C0] =	vst v0  }
0x131: {  	v55 =	vadd.f32 v45, v2;
	v56 =	vld [tilespmem:s9+$0x17840]  }
0x132: {  	v1 =	vadd.f32 v15, v54  }
0x133: {  	v59 =	vadd.f32 v12, v58;
	v0 =	vadd.f32 v42, v55  }
0x134: {  	v1 =	vadd.f32 v17, v1  }
0x135: {  	v60 =	vadd.f32 v14, v59;
	v0 =	vadd.f32 v40, v0  }
0x136: {  	v1 =	vadd.f32 v19, v1;
	[tilespmem:s10+$0x1ECC0] =	vst v56  }
0x137: {  	v2 =	vadd.f32 v16, v60;
	[tilespmem:s10+$0x1E8D0] =	vst v0  }
0x138: {  	v61 =	vadd.f32 v21, v1;
	v62 =	vld [tilespmem:s9+$0x17850]  }
0x139: {  	v2 =	vadd.f32 v18, v2  }
0x13a: {  	v0 =	vadd.f32 v57, v61  }
0x13b: {  	v2 =	vadd.f32 v20, v2  }
0x13c: {  	v0 =	vadd.f32 v50, v0  }
0x13d: {  	v63 =	vadd.f32 v22, v2;
	[tilespmem:s10+$0x1ECD0] =	vst v62  }
0x13e: {  	[tilespmem:s10+$0x1E8E0] =	vst v0  }
0x13f: {  	v0 =	vadd.f32 v23, v63;
	v1 =	vld [tilespmem:s9+$0x17860];
	_ =	sdelay $0x1  }
0x140: {  	v0 =	vadd.f32 v43, v0;
	_ =	sdelay $0x1  }
0x141: {  	[tilespmem:s10+$0x1E8F0] =	vst v0  }
0x142: {  	s19 =	sadd.s32 $0x1, s19;
	[tilespmem:s10+$0x1ECE0] =	vst v1  }
0x143: {  	p1 =	sne.s32 s19, $0x4;
	v0 =	vld [tilespmem:s9+$0x17870]  }
.Ltmp1:
0x144: {  	_ = 	snop;
	(pc) =	sbr.rel @p1 .LBB2_3-.Ltmp1, $2  }
0x145: {  	_ =	sdelay $0x2  }
0x146: {  	s20 =	sadd.s32 $0x1000, s20;
	[tilespmem:s10+$0x1ECF0] =	vst v0  }
0x147: {  	p1 =	sne.s32 s0, $0x27  }
.Ltmp2:
0x148: {  	s7 =	sshll.u32 s18, $0x6;
	(pc) =	sbr.rel @!p1 .LBB2_8-.Ltmp2, $4  }
0x149: {  	s9 =	sadd.s32 s5, s7  }
0x14a: {  	[hbm4b:s9+s4] =	stream.linear.scatter [tilespmem:s22], [sflag:$0x3], $0x200, $0x38;
	[tilespmem:$0x1F080] =	vst v63  }
0x14b: {  	s17 =	sadd.s32 s8, s17;
	s7 =	sadd.s32 s6, s7  }
0x14c: {  	[hbm4b:s7+s4] =	stream.linear.scatter [tilespmem:s23], [sflag:$0x5], $0x200, $0x38;
	[tilespmem:$0x1F080] =	vst v63  }
.Ltmp3:
0x14d: {  	(pc) =	sbr.rel @p0 .LBB2_9-.Ltmp3, $4  }
0x14e: {  	s7 =	sshll.u32 s0, $0x8  }
0x14f: {  	s7 =	sand.u32 $0x3FFFFF00, s7  }
0x150: {  	s7 =	sadd.s32 $0x14100, s7  }
0x151: {  	[tilespmem:s14], [sflag:$0x1] =	stream.indirect.gather [spmem:s3], $0x80, s7, s13, $0xb8;
	[tilespmem:$0x1F080] =	vst v63  }
.LBB2_8:
0x152: {  	_ =	swait.ge [sflag:s24], $0x200  }
0x153: {  	[sflag:s24] =	ssyncset.done $0x0  }
0x154: {  	[sflag:s24] =	ssyncadd.s32 $0xFFFFFE00  }
0x155: {  	_ =	swait.ge [sflag:s25], $0x200  }
0x156: {  	[sflag:s25] =	ssyncset.done $0x0  }
0x157: {  	[sflag:s25] =	ssyncadd.s32 $0xFFFFFE00  }
.LBB2_9:
0x158: {  	_ =	swait.ge [sflag:s26], $0x4000  }
0x159: {  	[sflag:s26] =	ssyncset.done $0x0  }
0x15a: {  	s18 =	simm.s32 $0x0;
	s19 =	simm.s32 $0x1AA80;
	[sflag:s26] =	ssyncadd.s32 $0xFFFFC000  }
.LBB2_10:
0x15b: {  	v43 =	vmov s19;
	_ =	sdelay $0x3  }
0x15c: {  	s7 =	simm.s32 $0x0  }
0x15d: {  	v50 =	vld.idx.msk [tilespmem:v43+s7+$0x180 ss:$0x1], $0xffff  }
0x15e: {  	v49 =	vld.idx.msk [tilespmem:v43+s7+$0x190 ss:$0x1], $0xffff  }
0x15f: {  	v48 =	vld.idx.msk [tilespmem:v43+s7+$0x1A0 ss:$0x1], $0xffff  }
0x160: {  	v47 =	vld.idx.msk [tilespmem:v43+s7+$0x1B0 ss:$0x1], $0xffff  }
0x161: {  	v41 =	vld.idx.msk [tilespmem:v43+s7+$0x1C0 ss:$0x1], $0xffff  }
0x162: {  	v40 =	vld.idx.msk [tilespmem:v43+s7+$0x1D0 ss:$0x1], $0xffff  }
0x163: {  	v57 =	vld.idx.msk [tilespmem:v43+s7+$0x100 ss:$0x1], $0xffff  }
0x164: {  	v56 =	vld.idx.msk [tilespmem:v43+s7+$0x110 ss:$0x1], $0xffff  }
0x165: {  	v54 =	vld.idx.msk [tilespmem:v43+s7+$0x120 ss:$0x1], $0xffff  }
0x166: {  	v53 =	vld.idx.msk [tilespmem:v43+s7+$0x130 ss:$0x1], $0xffff  }
0x167: {  	v44 =	vld.idx.msk [tilespmem:v43+s7+$0x140 ss:$0x1], $0xffff  }
0x168: {  	v42 =	vld.idx.msk [tilespmem:v43+s7+$0x150 ss:$0x1], $0xffff  }
0x169: {  	v3 =	vld.idx.msk [tilespmem:v43+s7+$0x80 ss:$0x1], $0xffff  }
0x16a: {  	v9 =	vld.idx.msk [tilespmem:v43+s7+$0x90 ss:$0x1], $0xffff  }
0x16b: {  	v61 =	vld.idx.msk [tilespmem:v43+s7+$0xA0 ss:$0x1], $0xffff  }
0x16c: {  	v59 =	vld.idx.msk [tilespmem:v43+s7+$0xB0 ss:$0x1], $0xffff  }
0x16d: {  	v46 =	vld.idx.msk [tilespmem:v43+s7+$0xC0 ss:$0x1], $0xffff  }
0x16e: {  	v45 =	vld.idx.msk [tilespmem:v43+s7+$0xD0 ss:$0x1], $0xffff  }
0x16f: {  	v1 =	vld.idx.msk [tilespmem:v43+s7+$0x0 ss:$0x1], $0xffff  }
0x170: {  	v2 =	vld.idx.msk [tilespmem:v43+s7+$0x10 ss:$0x1], $0xffff  }
0x171: {  	v4 =	vld.idx.msk [tilespmem:v43+s7+$0x20 ss:$0x1], $0xffff  }
0x172: {  	v10 =	vld.idx.msk [tilespmem:v43+s7+$0x30 ss:$0x1], $0xffff  }
0x173: {  	v52 =	vld.idx.msk [tilespmem:v43+s7+$0x40 ss:$0x1], $0xffff  }
0x174: {  	v51 =	vld.idx.msk [tilespmem:v43+s7+$0x50 ss:$0x1], $0xffff  }
0x175: {  	v7 =	vld.idx.msk [tilespmem:v43+s7+$0xFFFFFF80 ss:$0x1], $0xffff  }
0x176: {  	v8 =	vld.idx.msk [tilespmem:v43+s7+$0xFFFFFF90 ss:$0x1], $0xffff  }
0x177: {  	v5 =	vld.idx.msk [tilespmem:v43+s7+$0xFFFFFF00 ss:$0x1], $0xffff  }
0x178: {  	v6 =	vld.idx.msk [tilespmem:v43+s7+$0xFFFFFF10 ss:$0x1], $0xffff  }
0x179: {  	v0 =	vld.idx.msk [tilespmem:v43+s7+$0xFFFFFE80 ss:$0x1], $0xffff  }
0x17a: {  	v11 =	vld.idx.msk [tilespmem:v43+s7+$0xFFFFFE90 ss:$0x1], $0xffff  }
0x17b: {  	v12 =	vld.idx.msk [tilespmem:v43+s7+$0xFFFFFE00 ss:$0x1], $0xffff  }
0x17c: {  	v13 =	vld.idx.msk [tilespmem:v43+s7+$0xFFFFFE10 ss:$0x1], $0xffff  }
0x17d: {  	v14 =	vld.idx.msk [tilespmem:v43+s7+$0xFFFFFE20 ss:$0x1], $0xffff  }
0x17e: {  	v15 =	vld.idx.msk [tilespmem:v43+s7+$0xFFFFFE30 ss:$0x1], $0xffff  }
0x17f: {  	v16 =	vld.idx.msk [tilespmem:v43+s7+$0xFFFFFEA0 ss:$0x1], $0xffff  }
0x180: {  	v17 =	vld.idx.msk [tilespmem:v43+s7+$0xFFFFFEB0 ss:$0x1], $0xffff  }
0x181: {  	v18 =	vld.idx.msk [tilespmem:v43+s7+$0xFFFFFF20 ss:$0x1], $0xffff  }
0x182: {  	v55 =	vimm.f32 $0.0e+00;
	v19 =	vld.idx.msk [tilespmem:v43+s7+$0xFFFFFF30 ss:$0x1], $0xffff  }
0x183: {  	v20 =	vld.idx.msk [tilespmem:v43+s7+$0xFFFFFFA0 ss:$0x1], $0xffff;
	v12 =	vadd.f32 v12, v55;
	v13 =	vadd.f32 v13, v55  }
0x184: {  	v21 =	vld.idx.msk [tilespmem:v43+s7+$0xFFFFFFB0 ss:$0x1], $0xffff;
	v14 =	vadd.f32 v14, v55;
	v15 =	vadd.f32 v15, v55  }
0x185: {  	v63 =	vld.idx.msk [tilespmem:v43+s7+$0xFFFFFFD0 ss:$0x1], $0xffff;
	v12 =	vadd.f32 v0, v12;
	v11 =	vadd.f32 v11, v13  }
0x186: {  	v0 =	vld.idx.msk [tilespmem:v43+s7+$0xFFFFFFC0 ss:$0x1], $0xffff;
	v23 =	vadd.f32 v16, v14;
	v58 =	vadd.f32 v17, v15  }
0x187: {  	v12 =	vadd.f32 v5, v12;
	v11 =	vadd.f32 v6, v11;
	v6 =	vld.idx.msk [tilespmem:v43+s7+$0xFFFFFF40 ss:$0x1], $0xffff  }
0x188: {  	v13 =	vadd.f32 v18, v23;
	v14 =	vadd.f32 v19, v58;
	v5 =	vld.idx.msk [tilespmem:v43+s7+$0xFFFFFF50 ss:$0x1], $0xffff  }
0x189: {  	v12 =	vadd.f32 v7, v12;
	v11 =	vadd.f32 v8, v11;
	v8 =	vld.idx.msk [tilespmem:v43+s7+$0xFFFFFEC0 ss:$0x1], $0xffff  }
0x18a: {  	v13 =	vadd.f32 v20, v13;
	v14 =	vadd.f32 v21, v14;
	v7 =	vld.idx.msk [tilespmem:v43+s7+$0xFFFFFED0 ss:$0x1], $0xffff  }
0x18b: {  	v60 =	vimm.f32 $0.0e+00;
	v12 =	vadd.f32 v1, v12;
	v62 =	vadd.f32 v2, v11;
	v11 =	vld.idx.msk [tilespmem:v43+s7+$0xFFFFFE40 ss:$0x1], $0xffff  }
0x18c: {  	s9 =	sshll.u32 s18, $0xC;
	v58 =	vimm.f32 $0.0e+00;
	v2 =	vadd.f32 v4, v13;
	v1 =	vadd.f32 v10, v14;
	v10 =	vld.idx.msk [tilespmem:v43+s7+$0xFFFFFE50 ss:$0x1], $0xffff  }
0x18d: {  	s10 =	simm.s32 $0x1000;
	s9 =	sand.u32 $0x3FFFF000, s9;
	v4 =	vadd.f32 v3, v12;
	v3 =	vadd.f32 v9, v62;
	v9 =	vld.idx.msk [tilespmem:v43+s7+$0xFFFFFE60 ss:$0x1], $0xffff;
	v62 =	vimm.f32 $0.0e+00  }
.LBB2_11:
0x18e: {  	p0 =	sne.s32 s10, $0x3000;
	v12 =	vld.idx.msk [tilespmem:v43+s7+$0xFFFFFE70 ss:$0x1], $0xffff;
	v2 =	vadd.f32 v61, v2;
	v1 =	vadd.f32 v59, v1  }
0x18f: {  	v13 =	vld.idx.msk [tilespmem:v43+s7+$0xFFFFFEE0 ss:$0x1], $0xffff;
	v4 =	vadd.f32 v57, v4;
	v3 =	vadd.f32 v56, v3  }
0x190: {  	v14 =	vld.idx.msk [tilespmem:v43+s7+$0xFFFFFEF0 ss:$0x1], $0xffff;
	v15 =	vadd.f32 v54, v2;
	v16 =	vadd.f32 v53, v1  }
0x191: {  	v17 =	vld.idx.msk [tilespmem:v43+s7+$0xFFFFFF60 ss:$0x1], $0xffff;
	v1 =	vadd.f32 v50, v4;
	v2 =	vadd.f32 v49, v3  }
0x192: {  	v18 =	vld.idx.msk [tilespmem:v43+s7+$0xFFFFFF70 ss:$0x1], $0xffff;
	v3 =	vadd.f32 v48, v15;
	v4 =	vadd.f32 v47, v16  }
0x193: {  	v11 =	vadd.f32 v11, v55;
	v10 =	vadd.f32 v10, v62;
	v15 =	vld.idx.msk [tilespmem:v43+s7+$0xFFFFFFE0 ss:$0x1], $0xffff  }
0x194: {  	v9 =	vadd.f32 v9, v60;
	v12 =	vadd.f32 v12, v58;
	v16 =	vld.idx.msk [tilespmem:v43+s7+$0xFFFFFFF0 ss:$0x1], $0xffff  }
0x195: {  	v8 =	vadd.f32 v8, v11;
	v7 =	vadd.f32 v7, v10;
	v10 =	vld.idx.msk [tilespmem:v43+s7+$0x60 ss:$0x1], $0xffff  }
0x196: {  	v9 =	vadd.f32 v13, v9;
	v11 =	vadd.f32 v14, v12;
	v12 =	vld.idx.msk [tilespmem:v43+s7+$0x70 ss:$0x1], $0xffff  }
0x197: {  	v6 =	vadd.f32 v6, v8;
	v5 =	vadd.f32 v5, v7;
	v7 =	vld.idx.msk [tilespmem:v43+s7+$0xE0 ss:$0x1], $0xffff  }
0x198: {  	v8 =	vadd.f32 v17, v9;
	v9 =	vadd.f32 v18, v11;
	v11 =	vld.idx.msk [tilespmem:v43+s7+$0xF0 ss:$0x1], $0xffff  }
0x199: {  	v0 =	vadd.f32 v0, v6;
	v5 =	vadd.f32 v63, v5;
	v6 =	vld.idx.msk [tilespmem:v43+s7+$0x160 ss:$0x1], $0xffff  }
0x19a: {  	v8 =	vadd.f32 v15, v8;
	v9 =	vadd.f32 v16, v9;
	v13 =	vld.idx.msk [tilespmem:v43+s7+$0x170 ss:$0x1], $0xffff  }
0x19b: {  	v0 =	vadd.f32 v52, v0;
	v5 =	vadd.f32 v51, v5;
	v14 =	vld.idx.msk [tilespmem:v43+s7+$0x1E0 ss:$0x1], $0xffff  }
0x19c: {  	v8 =	vadd.f32 v10, v8;
	v9 =	vadd.f32 v12, v9;
	v10 =	vld.idx.msk [tilespmem:v43+s7+$0x1F0 ss:$0x1], $0xffff;
	s7 =	sshra.s32 s10, $0x2  }
0x19d: {  	v0 =	vadd.f32 v46, v0;
	v5 =	vadd.f32 v45, v5;
	v50 =	vld.idx.msk [tilespmem:v43+s7+$0x180 ss:$0x1], $0xffff  }
0x19e: {  	v7 =	vadd.f32 v7, v8;
	v8 =	vadd.f32 v11, v9;
	v49 =	vld.idx.msk [tilespmem:v43+s7+$0x190 ss:$0x1], $0xffff  }
0x19f: {  	v0 =	vadd.f32 v44, v0;
	v5 =	vadd.f32 v42, v5;
	v48 =	vld.idx.msk [tilespmem:v43+s7+$0x1A0 ss:$0x1], $0xffff  }
0x1a0: {  	v6 =	vadd.f32 v6, v7;
	v7 =	vadd.f32 v13, v8;
	v47 =	vld.idx.msk [tilespmem:v43+s7+$0x1B0 ss:$0x1], $0xffff  }
0x1a1: {  	v55 =	vadd.f32 v41, v0;
	v62 =	vadd.f32 v40, v5;
	v41 =	vld.idx.msk [tilespmem:v43+s7+$0x1C0 ss:$0x1], $0xffff  }
0x1a2: {  	v60 =	vadd.f32 v14, v6;
	v58 =	vadd.f32 v10, v7;
	v40 =	vld.idx.msk [tilespmem:v43+s7+$0x1D0 ss:$0x1], $0xffff  }
0x1a3: {  	v57 =	vld.idx.msk [tilespmem:v43+s7+$0x100 ss:$0x1], $0xffff  }
0x1a4: {  	v56 =	vld.idx.msk [tilespmem:v43+s7+$0x110 ss:$0x1], $0xffff  }
0x1a5: {  	v54 =	vld.idx.msk [tilespmem:v43+s7+$0x120 ss:$0x1], $0xffff  }
0x1a6: {  	v53 =	vld.idx.msk [tilespmem:v43+s7+$0x130 ss:$0x1], $0xffff  }
0x1a7: {  	v44 =	vld.idx.msk [tilespmem:v43+s7+$0x140 ss:$0x1], $0xffff  }
0x1a8: {  	v42 =	vld.idx.msk [tilespmem:v43+s7+$0x150 ss:$0x1], $0xffff  }
0x1a9: {  	v12 =	vld.idx.msk [tilespmem:v43+s7+$0x80 ss:$0x1], $0xffff  }
0x1aa: {  	v13 =	vld.idx.msk [tilespmem:v43+s7+$0x90 ss:$0x1], $0xffff  }
0x1ab: {  	v61 =	vld.idx.msk [tilespmem:v43+s7+$0xA0 ss:$0x1], $0xffff  }
0x1ac: {  	v59 =	vld.idx.msk [tilespmem:v43+s7+$0xB0 ss:$0x1], $0xffff  }
0x1ad: {  	v46 =	vld.idx.msk [tilespmem:v43+s7+$0xC0 ss:$0x1], $0xffff  }
0x1ae: {  	v45 =	vld.idx.msk [tilespmem:v43+s7+$0xD0 ss:$0x1], $0xffff  }
0x1af: {  	v9 =	vld.idx.msk [tilespmem:v43+s7+$0x0 ss:$0x1], $0xffff  }
0x1b0: {  	v10 =	vld.idx.msk [tilespmem:v43+s7+$0x10 ss:$0x1], $0xffff  }
0x1b1: {  	v14 =	vld.idx.msk [tilespmem:v43+s7+$0x20 ss:$0x1], $0xffff  }
0x1b2: {  	v15 =	vld.idx.msk [tilespmem:v43+s7+$0x30 ss:$0x1], $0xffff  }
0x1b3: {  	v52 =	vld.idx.msk [tilespmem:v43+s7+$0x40 ss:$0x1], $0xffff  }
0x1b4: {  	v51 =	vld.idx.msk [tilespmem:v43+s7+$0x50 ss:$0x1], $0xffff  }
0x1b5: {  	v7 =	vld.idx.msk [tilespmem:v43+s7+$0xFFFFFF80 ss:$0x1], $0xffff  }
0x1b6: {  	v11 =	vld.idx.msk [tilespmem:v43+s7+$0xFFFFFF90 ss:$0x1], $0xffff  }
0x1b7: {  	v5 =	vld.idx.msk [tilespmem:v43+s7+$0xFFFFFF00 ss:$0x1], $0xffff  }
0x1b8: {  	v6 =	vld.idx.msk [tilespmem:v43+s7+$0xFFFFFF10 ss:$0x1], $0xffff  }
0x1b9: {  	v0 =	vld.idx.msk [tilespmem:v43+s7+$0xFFFFFE80 ss:$0x1], $0xffff  }
0x1ba: {  	v8 =	vld.idx.msk [tilespmem:v43+s7+$0xFFFFFE90 ss:$0x1], $0xffff  }
0x1bb: {  	v16 =	vld.idx.msk [tilespmem:v43+s7+$0xFFFFFE00 ss:$0x1], $0xffff  }
0x1bc: {  	v17 =	vld.idx.msk [tilespmem:v43+s7+$0xFFFFFE10 ss:$0x1], $0xffff  }
0x1bd: {  	v18 =	vld.idx.msk [tilespmem:v43+s7+$0xFFFFFE20 ss:$0x1], $0xffff  }
0x1be: {  	v19 =	vld.idx.msk [tilespmem:v43+s7+$0xFFFFFE30 ss:$0x1], $0xffff  }
0x1bf: {  	v20 =	vld.idx.msk [tilespmem:v43+s7+$0xFFFFFEA0 ss:$0x1], $0xffff  }
0x1c0: {  	v21 =	vld.idx.msk [tilespmem:v43+s7+$0xFFFFFEB0 ss:$0x1], $0xffff  }
0x1c1: {  	v22 =	vld.idx.msk [tilespmem:v43+s7+$0xFFFFFF20 ss:$0x1], $0xffff  }
0x1c2: {  	v23 =	vld.idx.msk [tilespmem:v43+s7+$0xFFFFFF30 ss:$0x1], $0xffff  }
0x1c3: {  	v1 =	vadd.f32 v16, v1;
	v2 =	vadd.f32 v17, v2;
	v16 =	vld.idx.msk [tilespmem:v43+s7+$0xFFFFFFA0 ss:$0x1], $0xffff  }
0x1c4: {  	v3 =	vadd.f32 v18, v3;
	v4 =	vadd.f32 v19, v4;
	v17 =	vld.idx.msk [tilespmem:v43+s7+$0xFFFFFFB0 ss:$0x1], $0xffff  }
0x1c5: {  	v1 =	vadd.f32 v0, v1;
	v2 =	vadd.f32 v8, v2;
	v0 =	vld.idx.msk [tilespmem:v43+s7+$0xFFFFFFC0 ss:$0x1], $0xffff  }
0x1c6: {  	v3 =	vadd.f32 v20, v3;
	v4 =	vadd.f32 v21, v4;
	v63 =	vld.idx.msk [tilespmem:v43+s7+$0xFFFFFFD0 ss:$0x1], $0xffff  }
0x1c7: {  	v1 =	vadd.f32 v5, v1;
	v2 =	vadd.f32 v6, v2;
	v6 =	vld.idx.msk [tilespmem:v43+s7+$0xFFFFFF40 ss:$0x1], $0xffff  }
0x1c8: {  	v3 =	vadd.f32 v22, v3;
	v4 =	vadd.f32 v23, v4;
	v5 =	vld.idx.msk [tilespmem:v43+s7+$0xFFFFFF50 ss:$0x1], $0xffff  }
.Ltmp4:
0x1c9: {  	v1 =	vadd.f32 v7, v1;
	v2 =	vadd.f32 v11, v2;
	v8 =	vld.idx.msk [tilespmem:v43+s7+$0xFFFFFEC0 ss:$0x1], $0xffff;
	(pc) =	sbr.rel @p0 .LBB2_11-.Ltmp4, $4  }
0x1ca: {  	v3 =	vadd.f32 v16, v3;
	v4 =	vadd.f32 v17, v4;
	v7 =	vld.idx.msk [tilespmem:v43+s7+$0xFFFFFED0 ss:$0x1], $0xffff  }
0x1cb: {  	v16 =	vadd.f32 v9, v1;
	v17 =	vadd.f32 v10, v2;
	v11 =	vld.idx.msk [tilespmem:v43+s7+$0xFFFFFE40 ss:$0x1], $0xffff  }
0x1cc: {  	v2 =	vadd.f32 v14, v3;
	v1 =	vadd.f32 v15, v4;
	v10 =	vld.idx.msk [tilespmem:v43+s7+$0xFFFFFE50 ss:$0x1], $0xffff  }
0x1cd: {  	s10 =	sadd.s32 $0x1000, s10;
	v4 =	vadd.f32 v12, v16;
	v3 =	vadd.f32 v13, v17;
	v9 =	vld.idx.msk [tilespmem:v43+s7+$0xFFFFFE60 ss:$0x1], $0xffff  }
0x1ce: {  	_ =	sdelay $0x3  }
0x1cf: {  	v12 =	vld.idx.msk [tilespmem:v43+s7+$0xFFFFFE70 ss:$0x1], $0xffff  }
0x1d0: {  	v13 =	vld.idx.msk [tilespmem:v43+s7+$0xFFFFFEE0 ss:$0x1], $0xffff  }
0x1d1: {  	v14 =	vld.idx.msk [tilespmem:v43+s7+$0xFFFFFEF0 ss:$0x1], $0xffff  }
0x1d2: {  	v15 =	vld.idx.msk [tilespmem:v43+s7+$0xFFFFFF60 ss:$0x1], $0xffff  }
0x1d3: {  	v16 =	vld.idx.msk [tilespmem:v43+s7+$0xFFFFFF70 ss:$0x1], $0xffff  }
0x1d4: {  	v17 =	vld.idx.msk [tilespmem:v43+s7+$0xFFFFFFE0 ss:$0x1], $0xffff  }
0x1d5: {  	v18 =	vld.idx.msk [tilespmem:v43+s7+$0xFFFFFFF0 ss:$0x1], $0xffff  }
0x1d6: {  	v19 =	vld.idx.msk [tilespmem:v43+s7+$0x60 ss:$0x1], $0xffff  }
0x1d7: {  	v20 =	vld.idx.msk [tilespmem:v43+s7+$0x70 ss:$0x1], $0xffff  }
0x1d8: {  	v21 =	vld.idx.msk [tilespmem:v43+s7+$0xE0 ss:$0x1], $0xffff  }
0x1d9: {  	v22 =	vld.idx.msk [tilespmem:v43+s7+$0xF0 ss:$0x1], $0xffff;
	v4 =	vadd.f32 v57, v4  }
0x1da: {  	v23 =	vld.idx.msk [tilespmem:v43+s7+$0x160 ss:$0x1], $0xffff  }
0x1db: {  	v57 =	vld.idx.msk [tilespmem:v43+s7+$0x170 ss:$0x1], $0xffff;
	v4 =	vadd.f32 v50, v4  }
0x1dc: {  	s20 =	sshll.u32 s18, $0x7;
	v50 =	vld.idx.msk [tilespmem:v43+s7+$0x1E0 ss:$0x1], $0xffff  }
0x1dd: {  	v43 =	vld.idx.msk [tilespmem:v43+s7+$0x1F0 ss:$0x1], $0xffff;
	[tilespmem:s20+$0x1EA80] =	vst v4  }
0x1de: {  	v3 =	vadd.f32 v56, v3;
	v4 =	vld [tilespmem:s9+$0x1B800];
	_ =	sdelay $0x1  }
0x1df: {  	v3 =	vadd.f32 v49, v3;
	_ =	sdelay $0x1  }
0x1e0: {  	v2 =	vadd.f32 v61, v2;
	[tilespmem:s20+$0x1EA90] =	vst v3  }
0x1e1: {  	[tilespmem:s20+$0x1EE80] =	vst v4  }
0x1e2: {  	v2 =	vadd.f32 v54, v2;
	v3 =	vld [tilespmem:s9+$0x1B810];
	_ =	sdelay $0x1  }
0x1e3: {  	v11 =	vadd.f32 v11, v55;
	v2 =	vadd.f32 v48, v2;
	_ =	sdelay $0x1  }
0x1e4: {  	v1 =	vadd.f32 v59, v1;
	v48 =	vadd.f32 v8, v11;
	[tilespmem:s20+$0x1EAA0] =	vst v2  }
0x1e5: {  	[tilespmem:s20+$0x1EE90] =	vst v3  }
0x1e6: {  	v1 =	vadd.f32 v53, v1;
	v3 =	vadd.f32 v6, v48;
	v2 =	vld [tilespmem:s9+$0x1B820];
	_ =	sdelay $0x1  }
0x1e7: {  	v1 =	vadd.f32 v47, v1;
	v0 =	vadd.f32 v0, v3  }
0x1e8: {  	v49 =	vadd.f32 v10, v62  }
0x1e9: {  	[tilespmem:s20+$0x1EAB0] =	vst v1;
	v0 =	vadd.f32 v52, v0  }
0x1ea: {  	v52 =	vadd.f32 v7, v49;
	[tilespmem:s20+$0x1EEA0] =	vst v2  }
0x1eb: {  	v0 =	vadd.f32 v46, v0;
	v1 =	vld [tilespmem:s9+$0x1B830]  }
0x1ec: {  	v2 =	vadd.f32 v5, v52  }
0x1ed: {  	v0 =	vadd.f32 v44, v0  }
0x1ee: {  	v2 =	vadd.f32 v63, v2  }
0x1ef: {  	v53 =	vadd.f32 v9, v60;
	v0 =	vadd.f32 v41, v0  }
0x1f0: {  	v2 =	vadd.f32 v51, v2;
	[tilespmem:s20+$0x1EEB0] =	vst v1  }
0x1f1: {  	v54 =	vadd.f32 v13, v53;
	[tilespmem:s20+$0x1EAC0] =	vst v0  }
0x1f2: {  	v55 =	vadd.f32 v45, v2;
	v56 =	vld [tilespmem:s9+$0x1B840]  }
0x1f3: {  	v1 =	vadd.f32 v15, v54  }
0x1f4: {  	v59 =	vadd.f32 v12, v58;
	v0 =	vadd.f32 v42, v55  }
0x1f5: {  	v1 =	vadd.f32 v17, v1  }
0x1f6: {  	v60 =	vadd.f32 v14, v59;
	v0 =	vadd.f32 v40, v0  }
0x1f7: {  	v1 =	vadd.f32 v19, v1;
	[tilespmem:s20+$0x1EEC0] =	vst v56  }
0x1f8: {  	v2 =	vadd.f32 v16, v60;
	[tilespmem:s20+$0x1EAD0] =	vst v0  }
0x1f9: {  	v61 =	vadd.f32 v21, v1;
	v62 =	vld [tilespmem:s9+$0x1B850]  }
0x1fa: {  	v2 =	vadd.f32 v18, v2  }
0x1fb: {  	v0 =	vadd.f32 v23, v61  }
0x1fc: {  	v2 =	vadd.f32 v20, v2  }
0x1fd: {  	v0 =	vadd.f32 v50, v0  }
0x1fe: {  	v63 =	vadd.f32 v22, v2;
	[tilespmem:s20+$0x1EED0] =	vst v62  }
0x1ff: {  	[tilespmem:s20+$0x1EAE0] =	vst v0  }
0x200: {  	v0 =	vadd.f32 v57, v63;
	v1 =	vld [tilespmem:s9+$0x1B860];
	_ =	sdelay $0x1  }
0x201: {  	v0 =	vadd.f32 v43, v0;
	_ =	sdelay $0x1  }
0x202: {  	[tilespmem:s20+$0x1EAF0] =	vst v0  }
0x203: {  	s18 =	sadd.s32 $0x1, s18;
	[tilespmem:s20+$0x1EEE0] =	vst v1  }
0x204: {  	p0 =	sne.s32 s18, $0x4;
	v0 =	vld [tilespmem:s9+$0x1B870]  }
.Ltmp5:
0x205: {  	_ = 	snop;
	(pc) =	sbr.rel @p0 .LBB2_10-.Ltmp5, $2  }
0x206: {  	_ =	sdelay $0x2  }
0x207: {  	s19 =	sadd.s32 $0x1000, s19;
	[tilespmem:s20+$0x1EEF0] =	vst v0  }
0x208: {  	s0 =	sadd.s32 $0x1, s0  }
0x209: {  	s7 =	sshll.u32 s17, $0x6;
	p0 =	sne.s32 s0, $0x28  }
.Ltmp6:
0x20a: {  	s7 =	sand.u32 $0x1FFFFFC0, s7;
	(pc) =	sbr.rel @p0 .LBB2_2-.Ltmp6, $4  }
0x20b: {  	s9 =	sadd.s32 s5, s7  }
0x20c: {  	[hbm4b:s9+s4] =	stream.linear.scatter [tilespmem:s28], [sflag:$0x4], $0x200, $0x38;
	[tilespmem:$0x1F080] =	vst v63  }
0x20d: {  	s7 =	sadd.s32 s6, s7  }
0x20e: {  	[hbm4b:s7+s4] =	stream.linear.scatter [tilespmem:s29], [sflag:$0x6], $0x200, $0x38;
	[tilespmem:$0x1F080] =	vst v63  }
0x20f: {  	_ =	swait.ge [sflag:s30], $0x200  }
0x210: {  	[sflag:s30] =	ssyncset.done $0x0  }
0x211: {  	[sflag:s30] =	ssyncadd.s32 $0xFFFFFE00  }
0x212: {  	_ =	swait.ge [sflag:s31], $0x200  }
0x213: {  	[sflag:s31] =	ssyncset.done $0x0  }
0x214: {  	[sflag:s31] =	ssyncadd.s32 $0xFFFFFE00  }
0x215: {  	_ =	swait.ge [sflag:s24], $0x200  }
0x216: {  	[sflag:s24] =	ssyncset.done $0x0  }
0x217: {  	[sflag:s24] =	ssyncadd.s32 $0xFFFFFE00  }
0x218: {  	_ =	swait.ge [sflag:s25], $0x200  }
0x219: {  	s1 =	sadd.s32 $0x1, s1;
	s0 =	rddreg [dreg:$0x7]  }
0x21a: {  	p0 =	sne.s32 s1, s0  }
.Ltmp7:
0x21b: {  	_ = 	snop;
	(pc) =	sbr.rel @p0 .LBB2_1-.Ltmp7, $3  }
0x21c: {  	_ =	sdelay $0x1  }
0x21d: {  	[sflag:s25] =	ssyncset.done $0x0  }
0x21e: {  	[sflag:s25] =	ssyncadd.s32 $0xFFFFFE00  }
0x21f: {  	_ =	sfence.sel $0x180000  }
0x220: {  	[bflag:$0x0] =	sbarrier.arrive $0xFFFF  }
0x221: {  	_ =	strace $0x90000047  }
0x222: {  	s0 =	stileid.u32;
	[bflag:$0x2] =	sbarrier.arrive $0xFFFF  }
0x223: {  	p0 =	sne.s32 s0, $0x0;
	s0 =	rddreg [dreg:$0x4]  }
0x224: {  	s0 =	sadd.s32 @!p0 $0x100000, s0  }
0x225: {  	[sflag:s0] =	ssyncadd.tile.s32 @!p0 $0x1;
	_ =	shalt  }
.Lfunc_end2:
_tile_overlayer_lowered:
.L_overlay_start_2:
0x226: {  	(tag) =	ssettag $0x2  }
0x227: {  	s0 =	rddreg [dreg:$0x0];
	s2 =	stileid.u32  }
0x228: {  	s1 =	rddreg [dreg:$0x1];
	p0 =	sne.s32 s2, $0x0  }
0x229: {  	s3 =	rddreg [dreg:$0x2];
	[bflag:$0x3] =	sbarrier.arrive $0xFFFF;
	s2 =	simm.s32 @!p0 $0x1C07  }
0x22a: {  	[timem:s3], [sflag:s2] =	dma.local @!p0 [hbm:s0], s1  }
0x22b: {  	s0 =	simm.s32 @!p0 $0x7  }
0x22c: {  	_ =	swait.ge @!p0 [sflag:s0], s1  }
0x22d: {  	s1 =	ssub.s32 @!p0 $0x0, s1;
	[sflag:s0] =	ssyncset.done @!p0 $0x0  }
0x22e: {  	[sflag:s0] =	ssyncadd.s32 @!p0 s1  }
0x22f: {  	[bflag:$0x3] =	sbarrier.arrive $0xFFFF  }
0x230: {  	_ =	shalt  }

</sc_bundles>
